<compile_context>
chip_gen: v7x
topology: tpu7x:2x2x1
jax: 0.10.2.dev20260603
libtpu: 0.0.44.dev20260713+nightly
codegen_flags: <defaults>
</compile_context>

<pallas_src>
import functools

import jax
import jax.numpy as jnp
from jax import lax
from jax.experimental import pallas as pl
from jax.experimental.pallas import tpu as pltpu
from jax.experimental.pallas import tpu_sc as plsc

_N = 10000
_E = 320000
_D = 128
_H = 128
_C = 64

_NC = 2
_NS = 16
_NW = _NC * _NS
_EPW = _E // _NW
_K = 128
_NCH = 80
_NCHT = _NW * _NCH // _NS
_NBUF = 2
_EPWP = _NCH * _K
_EP = _NW * _EPWP
_SUP = 16
_NSUP = _NCH // _SUP
_NP = 10240
_RPT = _NP // _NS


def _make_sc_segsum(with_counts: bool, core: int):
    mesh = plsc.VectorSubcoreMesh(core_axis_name="c", subcore_axis_name="s")
    out_type = [jax.ShapeDtypeStruct((_NP, _D), jnp.float32)]
    scratch = (
        [pltpu.VMEM((_K,), jnp.int32) for _ in range(_NBUF)]
        + [pltpu.VMEM((_K,), jnp.int32) for _ in range(_NBUF)]
        + [pltpu.VMEM((_K, _D), jnp.float32) for _ in range(_NBUF)]
        + [pltpu.VMEM_SHARED((_NP, _D), jnp.float32)]
        + [pltpu.SemaphoreType.DMA for _ in range(_NBUF)]
    )
    if with_counts:
        out_type.append(jax.ShapeDtypeStruct((_NP, _D), jnp.float32))
        out_type.append(jax.ShapeDtypeStruct((_NS * _NP,), jnp.float32))
        scratch.extend([
            pltpu.VMEM((_NP,), jnp.float32),
            pltpu.VMEM((_RPT,), jnp.float32),
            pltpu.VMEM((_RPT,), jnp.float32),
            pltpu.VMEM((16, _D), jnp.float32),
        ])

    def body(*refs):
        if with_counts:
            (src_hbm, dst_hbm, tab_hbm, zrow_hbm, zhist_hbm,
             sum_out, cnt_out, hists_out, *rest) = refs
        else:
            (src_hbm, dst_hbm, tab_hbm, zrow_hbm, sum_out, *rest) = refs
        sidxs = rest[0:_NBUF]
        didxs = rest[_NBUF:2 * _NBUF]
        rowss = rest[2 * _NBUF:3 * _NBUF]
        acc = rest[3 * _NBUF]
        sems = rest[3 * _NBUF + 1:4 * _NBUF + 1]
        if with_counts:
            hist, tmp, accum, repl = rest[4 * _NBUF + 1:]
        cid = lax.axis_index("c")
        sid = lax.axis_index("s")

        @pl.when(cid == core)
        def _run():
            pltpu.sync_copy(zrow_hbm, acc.at[pl.ds(sid * _RPT, _RPT)])
            if with_counts:
                pltpu.sync_copy(zhist_hbm, hist)
            plsc.subcore_barrier()
            ones16 = jnp.ones((16,), jnp.float32)
            base = sid * _NCHT

            def stage_and_fire(j, r):
                chunk = base + j
                pltpu.sync_copy(src_hbm.at[pl.ds(chunk * _K, _K)], sidxs[r])
                pltpu.sync_copy(dst_hbm.at[pl.ds(chunk * _K, _K)], didxs[r])
                pltpu.async_copy(tab_hbm.at[sidxs[r]], rowss[r], sems[r])

            def consume(r):
                pltpu.make_async_copy(
                    tab_hbm.at[sidxs[r]], rowss[r], sems[r]).wait()
                pltpu.sync_copy(rowss[r], acc.at[didxs[r]], add=True)
                if with_counts:
                    for i in range(_K // 16):
                        v = didxs[r][pl.ds(i * 16, 16)]
                        plsc.addupdate_scatter(hist, [v], ones16)

            stage_and_fire(0, 0)

            def step(g, carry):
                stage_and_fire(2 * g + 1, 1)
                consume(0)
                stage_and_fire(jnp.minimum(2 * g + 2, _NCHT - 1), 0)
                consume(1)
                return carry

            lax.fori_loop(0, _NCHT // 2, step, 0)
            pltpu.make_async_copy(tab_hbm.at[sidxs[0]], rowss[0], sems[0]).wait()
            plsc.subcore_barrier()

            dst0 = sid * _RPT
            pltpu.sync_copy(acc.at[pl.ds(sid * _RPT, _RPT)],
                            sum_out.at[pl.ds(dst0, _RPT)])

            if with_counts:
                pltpu.sync_copy(hist, hists_out.at[pl.ds(sid * _NP, _NP)])
                plsc.subcore_barrier()
                hb = sid * _RPT
                pltpu.sync_copy(hists_out.at[pl.ds(hb, _RPT)], accum)

                def red(r, carry):
                    pltpu.sync_copy(
                        hists_out.at[pl.ds(hb + r * _NP, _RPT)], tmp)
                    for g in range(_RPT // 16):
                        sl = pl.ds(g * 16, 16)
                        accum[sl] = accum[sl] + tmp[sl]
                    return carry

                lax.fori_loop(1, _NS, red, 0)

                def repl_slab(g, carry):
                    for i in range(16):
                        v = plsc.load_gather(
                            accum, [jnp.full((16,), g * 16 + i, jnp.int32)])
                        for f in range(_D // 16):
                            repl[i, pl.ds(f * 16, 16)] = v
                    pltpu.sync_copy(repl, cnt_out.at[pl.ds(dst0 + g * 16, 16)])
                    return carry

                lax.fori_loop(0, _RPT // 16, repl_slab, 0)

    kwargs = {}
    if with_counts:
        kwargs["compiler_params"] = pltpu.CompilerParams(
            needs_layout_passes=False)
    return pl.kernel(body, mesh=mesh, out_type=out_type,
                     scratch_types=scratch, **kwargs)


_sc_sum_cnt = _make_sc_segsum(with_counts=True, core=0)
_sc_sum = _make_sc_segsum(with_counts=False, core=1)

_BLK = 1000
_GRID = _N // _BLK


def _tc_a_body(x_ref, wl_ref, wr_ref, bl_ref, y_ref, z_ref):
    x = x_ref[...]
    y_ref[...] = jnp.dot(x, wl_ref[...], preferred_element_type=jnp.float32)
    z_ref[...] = jnp.dot(x, wr_ref[...], preferred_element_type=jnp.float32) + bl_ref[...]


def _tc_b_body(s_ref, c_ref, z_ref, wl_ref, wr_ref, bl_ref, y_ref, z2_ref):
    cnt = jnp.maximum(c_ref[...], 1.0)
    h = jnp.maximum(s_ref[...] / cnt + z_ref[...], 0.0)
    y_ref[...] = jnp.dot(h, wl_ref[...], preferred_element_type=jnp.float32)
    z2_ref[...] = jnp.dot(h, wr_ref[...], preferred_element_type=jnp.float32) + bl_ref[...]


def _tc_c_body(s_ref, c_ref, z_ref, wc_ref, bc_ref, logits_ref, h_ref):
    cnt = jnp.maximum(c_ref[...], 1.0)
    h = jnp.maximum(s_ref[...] / cnt + z_ref[...], 0.0)
    h_ref[...] = h
    logits_ref[...] = jnp.dot(h, wc_ref[...], preferred_element_type=jnp.float32) + bc_ref[...]


def _row_spec(w):
    return pl.BlockSpec((_BLK, w), lambda i: (i, 0))


def _full_spec(h, w):
    return pl.BlockSpec((h, w), lambda i: (0, 0))


_tc_a = pl.pallas_call(
    _tc_a_body,
    grid=(_GRID,),
    in_specs=[_row_spec(_D), _full_spec(_D, _H), _full_spec(_D, _H), _full_spec(1, _H)],
    out_specs=[_row_spec(_H), _row_spec(_H)],
    out_shape=[jax.ShapeDtypeStruct((_N, _H), jnp.float32)] * 2,
)

_tc_b = pl.pallas_call(
    _tc_b_body,
    grid=(_GRID,),
    in_specs=[_row_spec(_H), _row_spec(_H), _row_spec(_H),
              _full_spec(_H, _H), _full_spec(_H, _H), _full_spec(1, _H)],
    out_specs=[_row_spec(_H), _row_spec(_H)],
    out_shape=[jax.ShapeDtypeStruct((_N, _H), jnp.float32)] * 2,
)

_tc_c = pl.pallas_call(
    _tc_c_body,
    grid=(_GRID,),
    in_specs=[_row_spec(_H), _row_spec(_H), _row_spec(_H),
              _full_spec(_H, _C), _full_spec(1, _C)],
    out_specs=[pl.BlockSpec((_BLK, _C), lambda i: (i, 0)), _row_spec(_H)],
    out_shape=[jax.ShapeDtypeStruct((_N, _C), jnp.float32),
               jax.ShapeDtypeStruct((_N, _H), jnp.float32)],
)


def kernel(x_doc, x_token, edge_index, edge_weight,
           W_l1, b_l1, W_r1, W_l2, b_l2, W_r2, W_c, b_c):
    pad = _EP - _E
    src_p = jnp.concatenate([edge_index[0], jnp.zeros((pad,), jnp.int32)])
    dst_p = jnp.concatenate([edge_index[1], jnp.full((pad,), _N, jnp.int32)])
    src_r = src_p
    dst_r = dst_p
    zrow = jnp.zeros((_RPT, _D), jnp.float32)
    zhist = jnp.zeros((_NP,), jnp.float32)

    y1, z1 = _tc_a(x_doc, W_l1, W_r1, b_l1.reshape(1, _H))
    sums1, cnts, _hists = _sc_sum_cnt(src_r, dst_r, y1, zrow, zhist)
    y2, z2 = _tc_b(sums1[:_N], cnts[:_N], z1, W_l2, W_r2, b_l2.reshape(1, _H))
    (sums2,) = _sc_sum(src_r, dst_r, y2, zrow)
    logits, h2 = _tc_c(sums2[:_N], cnts[:_N], z2, W_c, b_c.reshape(1, _C))
    return (logits, h2)

# --- scband reference (transcript-rebuilt; emitter-appended) ---
"""Pipeline reference for scband-graph-sage-76673756168224 (READ-ONLY COPY).

The authoritative reference and input builder live on the scoring server;
editing this copy changes nothing except your own understanding.
"""

import jax, jax.numpy as jnp
import numpy as np

N = 10000
E = 320000
D = 128
H = 128
C = 64


def setup_inputs(seed: int = 0) -> dict:
    key = jax.random.key(seed)
    ks = jax.random.split(key, 16)
    x_doc = jax.random.normal(ks[0], (N, D), dtype=jnp.float32)
    x_token = jax.random.normal(ks[1], (N, D), dtype=jnp.float32)
    edge_index = jax.random.randint(ks[2], (2, E), 0, N, dtype=jnp.int32)
    edge_weight = jax.random.uniform(ks[3], (E,), dtype=jnp.float32)
    s_in = 1.0 / np.sqrt(D)
    s_h = 1.0 / np.sqrt(H)
    W_l1 = jax.random.normal(ks[4], (D, H), dtype=jnp.float32) * s_in
    b_l1 = jnp.zeros((H,), dtype=jnp.float32)
    W_r1 = jax.random.normal(ks[5], (D, H), dtype=jnp.float32) * s_in
    W_l2 = jax.random.normal(ks[6], (H, H), dtype=jnp.float32) * s_h
    b_l2 = jnp.zeros((H,), dtype=jnp.float32)
    W_r2 = jax.random.normal(ks[7], (H, H), dtype=jnp.float32) * s_h
    W_c = jax.random.normal(ks[8], (H, C), dtype=jnp.float32) * s_h
    b_c = jnp.zeros((C,), dtype=jnp.float32)
    return {
        "x_doc": x_doc,
        "x_token": x_token,
        "edge_index": edge_index,
        "edge_weight": edge_weight,
        "W_l1": W_l1, "b_l1": b_l1, "W_r1": W_r1,
        "W_l2": W_l2, "b_l2": b_l2, "W_r2": W_r2,
        "W_c": W_c, "b_c": b_c,
    }


def _sage_conv(x, src, dst, W_l, b_l, W_r, n):
    # PyG SAGEConv default: mean aggregation of neighbor messages,
    # out = lin_l(mean_aggr) + lin_r(x); bias lives in lin_l.
    msg = x[src]
    agg = jax.ops.segment_sum(msg, dst, num_segments=n)
    cnt = jax.ops.segment_sum(jnp.ones((src.shape[0], 1), x.dtype), dst, num_segments=n)
    mean = agg / jnp.maximum(cnt, 1.0)
    return mean @ W_l + b_l + x @ W_r


def reference(x_doc, x_token, edge_index, edge_weight,
              W_l1, b_l1, W_r1, W_l2, b_l2, W_r2, W_c, b_c):
    # x_token and edge_weight are accepted by the original forward but unused.
    src = edge_index[0]
    dst = edge_index[1]
    h = _sage_conv(x_doc, src, dst, W_l1, b_l1, W_r1, N)
    h = jax.nn.relu(h)
    h = _sage_conv(h, src, dst, W_l2, b_l2, W_r2, N)
    h = jax.nn.relu(h)
    logits = h @ W_c + b_c
    return (logits, h)

if __name__ == "__main__":
    import jax
    _d = setup_inputs()
    print(jax.jit(kernel)(*tuple(_d.values())))

</pallas_src>

<mosaic_0001>
#map = affine_map<(d0, d1) -> (0)>
#map1 = affine_map<(d0, d1) -> (0, 0)>
module attributes {stable_mosaic.version = 14 : i64} {
  func.func @body(%arg0: i32, %arg1: i32, %arg2: memref<327680xi32, #tpu.memory_space<hbm>>, %arg3: memref<327680xi32, #tpu.memory_space<hbm>>, %arg4: memref<10000x128xf32, #tpu.memory_space<hbm>>, %arg5: memref<640x128xf32, #tpu.memory_space<hbm>>, %arg6: memref<10240xf32, #tpu.memory_space<hbm>>, %arg7: memref<10240x128xf32, #tpu.memory_space<hbm>>, %arg8: memref<10240x128xf32, #tpu.memory_space<hbm>>, %arg9: memref<163840xf32, #tpu.memory_space<hbm>>, %arg10: memref<128xi32, #tpu.memory_space<vmem>>, %arg11: memref<128xi32, #tpu.memory_space<vmem>>, %arg12: memref<128xi32, #tpu.memory_space<vmem>>, %arg13: memref<128xi32, #tpu.memory_space<vmem>>, %arg14: memref<128x128xf32, #tpu.memory_space<vmem>>, %arg15: memref<128x128xf32, #tpu.memory_space<vmem>>, %arg16: memref<10240x128xf32, #tpu.memory_space<vmem_shared>>, %arg17: memref<!tpu.dma_semaphore, #tpu.memory_space<semaphore_mem>>, %arg18: memref<!tpu.dma_semaphore, #tpu.memory_space<semaphore_mem>>, %arg19: memref<10240xf32, #tpu.memory_space<vmem>>, %arg20: memref<640xf32, #tpu.memory_space<vmem>>, %arg21: memref<640xf32, #tpu.memory_space<vmem>>, %arg22: memref<16x128xf32, #tpu.memory_space<vmem>>) attributes {dimension_semantics = [#tpu.dimension_semantics<core_parallel>, #tpu.dimension_semantics<subcore_parallel>], iteration_bounds = array<i64: 2, 16>, scalar_prefetch = 0 : i64, scratch_operands = 13 : i64, tpu.core_type = #tpu.core_type<sc_vector_subcore>, window_params = [{transform_indices = #map}, {transform_indices = #map}, {transform_indices = #map1}, {transform_indices = #map1}, {transform_indices = #map}, {transform_indices = #map1}, {transform_indices = #map1}, {transform_indices = #map}]} {
    %eq3A = arith.constant 0 : i32
    %eq3A_0 = arith.cmpi eq, %arg0, %eq3A : i32
    %convert_element_type3A = arith.extui %eq3A_0 : i1 to i32
    %cond3A = arith.constant 0 : i32
    %cond3A_1 = arith.cmpi ne, %convert_element_type3A, %cond3A : i32
    scf.if %cond3A_1 {
      %mul3A = arith.constant 640 : i32
      %mul3A_2 = arith.muli %arg1, %mul3A : i32
      "tpu.region"() ({
        %run_scoped3A = tpu.sem_alloc : memref<!tpu.dma_semaphore, #tpu.memory_space<semaphore_mem>>
        %dma_start3A_42 = arith.constant 0 : i32
        %dma_start3A_43 = tpu.memref_slice %arg16[%mul3A_2, %dma_start3A_42] : memref<10240x128xf32, #tpu.memory_space<vmem_shared>> -> memref<640x128xf32, #tpu.memory_space<vmem_shared>>
        tpu.enqueue_dma source(%arg5 : memref<640x128xf32, #tpu.memory_space<hbm>>) target(%dma_start3A_43 : memref<640x128xf32, #tpu.memory_space<vmem_shared>>) target_semaphore(%run_scoped3A : memref<!tpu.dma_semaphore, #tpu.memory_space<semaphore_mem>>)
        %dma_wait3A_44 = arith.constant 0 : i32
        %dma_wait3A_45 = tpu.memref_slice %arg16[%mul3A_2, %dma_wait3A_44] : memref<10240x128xf32, #tpu.memory_space<vmem_shared>> -> memref<640x128xf32, #tpu.memory_space<vmem_shared>>
        tpu.wait_dma2 semaphore(%run_scoped3A : memref<!tpu.dma_semaphore, #tpu.memory_space<semaphore_mem>>) src(%arg5 : memref<640x128xf32, #tpu.memory_space<hbm>>) dst(%dma_wait3A_45 : memref<640x128xf32, #tpu.memory_space<vmem_shared>>)
        tpu.yield
      }) : () -> ()
      "tpu.region"() ({
        %run_scoped3A = tpu.sem_alloc : memref<!tpu.dma_semaphore, #tpu.memory_space<semaphore_mem>>
        tpu.enqueue_dma source(%arg6 : memref<10240xf32, #tpu.memory_space<hbm>>) target(%arg19 : memref<10240xf32, #tpu.memory_space<vmem>>) target_semaphore(%run_scoped3A : memref<!tpu.dma_semaphore, #tpu.memory_space<semaphore_mem>>)
        tpu.wait_dma2 semaphore(%run_scoped3A : memref<!tpu.dma_semaphore, #tpu.memory_space<semaphore_mem>>) src(%arg6 : memref<10240xf32, #tpu.memory_space<hbm>>) dst(%arg19 : memref<10240xf32, #tpu.memory_space<vmem>>)
        tpu.yield
      }) : () -> ()
      %barrier3A = arith.constant 0 : index
      tpu.barrier barrier_id(%barrier3A)
      %broadcast_in_dim3A = arith.constant 1.000000e+00 : f32
      %broadcast_in_dim3A_3 = vector.broadcast %broadcast_in_dim3A : f32 to vector<16xf32>
      %mul3A_4 = arith.constant 160 : i32
      %mul3A_5 = arith.muli %arg1, %mul3A_4 : i32
      %add3A = arith.constant 0 : i32
      %add3A_6 = arith.addi %mul3A_5, %add3A : i32
      %mul3A_7 = arith.constant 128 : i32
      %mul3A_8 = arith.muli %add3A_6, %mul3A_7 : i32
      "tpu.region"() ({
        %run_scoped3A = tpu.sem_alloc : memref<!tpu.dma_semaphore, #tpu.memory_space<semaphore_mem>>
        %dma_start3A_42 = tpu.memref_slice %arg2[%mul3A_8] : memref<327680xi32, #tpu.memory_space<hbm>> -> memref<128xi32, #tpu.memory_space<hbm>>
        %dma_start3A_43 = tpu.memref_slice %arg2[%mul3A_8] : memref<327680xi32, #tpu.memory_space<hbm>> -> memref<128xi32, #tpu.memory_space<hbm>>
        tpu.enqueue_dma source(%dma_start3A_43 : memref<128xi32, #tpu.memory_space<hbm>>) target(%arg10 : memref<128xi32, #tpu.memory_space<vmem>>) target_semaphore(%run_scoped3A : memref<!tpu.dma_semaphore, #tpu.memory_space<semaphore_mem>>)
        %dma_wait3A_44 = tpu.memref_slice %arg2[%mul3A_8] : memref<327680xi32, #tpu.memory_space<hbm>> -> memref<128xi32, #tpu.memory_space<hbm>>
        %dma_wait3A_45 = tpu.memref_slice %arg2[%mul3A_8] : memref<327680xi32, #tpu.memory_space<hbm>> -> memref<128xi32, #tpu.memory_space<hbm>>
        tpu.wait_dma2 semaphore(%run_scoped3A : memref<!tpu.dma_semaphore, #tpu.memory_space<semaphore_mem>>) src(%dma_wait3A_45 : memref<128xi32, #tpu.memory_space<hbm>>) dst(%arg10 : memref<128xi32, #tpu.memory_space<vmem>>)
        tpu.yield
      }) : () -> ()
      %mul3A_9 = arith.constant 128 : i32
      %mul3A_10 = arith.muli %add3A_6, %mul3A_9 : i32
      "tpu.region"() ({
        %run_scoped3A = tpu.sem_alloc : memref<!tpu.dma_semaphore, #tpu.memory_space<semaphore_mem>>
        %dma_start3A_42 = tpu.memref_slice %arg3[%mul3A_10] : memref<327680xi32, #tpu.memory_space<hbm>> -> memref<128xi32, #tpu.memory_space<hbm>>
        %dma_start3A_43 = tpu.memref_slice %arg3[%mul3A_10] : memref<327680xi32, #tpu.memory_space<hbm>> -> memref<128xi32, #tpu.memory_space<hbm>>
        tpu.enqueue_dma source(%dma_start3A_43 : memref<128xi32, #tpu.memory_space<hbm>>) target(%arg12 : memref<128xi32, #tpu.memory_space<vmem>>) target_semaphore(%run_scoped3A : memref<!tpu.dma_semaphore, #tpu.memory_space<semaphore_mem>>)
        %dma_wait3A_44 = tpu.memref_slice %arg3[%mul3A_10] : memref<327680xi32, #tpu.memory_space<hbm>> -> memref<128xi32, #tpu.memory_space<hbm>>
        %dma_wait3A_45 = tpu.memref_slice %arg3[%mul3A_10] : memref<327680xi32, #tpu.memory_space<hbm>> -> memref<128xi32, #tpu.memory_space<hbm>>
        tpu.wait_dma2 semaphore(%run_scoped3A : memref<!tpu.dma_semaphore, #tpu.memory_space<semaphore_mem>>) src(%dma_wait3A_45 : memref<128xi32, #tpu.memory_space<hbm>>) dst(%arg12 : memref<128xi32, #tpu.memory_space<vmem>>)
        tpu.yield
      }) : () -> ()
      %dma_start3A = arith.constant 0 : i32
      %dma_start3A_11 = arith.constant 0 : i32
      %dma_start3A_12 = tpu.memref_slice %arg4[%dma_start3A, %dma_start3A_11] : memref<10000x128xf32, #tpu.memory_space<hbm>> -> memref<10000x128xf32, #tpu.memory_space<hbm>>
      tpu.enqueue_indirect_dma source(%dma_start3A_12 : memref<10000x128xf32, #tpu.memory_space<hbm>>) target(%arg14 : memref<128x128xf32, #tpu.memory_space<vmem>>) offsets(%arg10 : memref<128xi32, #tpu.memory_space<vmem>>) semaphore(%arg17 : memref<!tpu.dma_semaphore, #tpu.memory_space<semaphore_mem>>)
      %scan3A = arith.constant 0 : i32
      %scan3A_13 = arith.constant 0 : i32
      %scan3A_14 = arith.constant 80 : i32
      %scan3A_15 = arith.addi %scan3A_13, %scan3A_14 : i32
      %scan3A_16 = arith.constant 1 : i32
      scf.for %scan3A_42 = %scan3A_13 to %scan3A_15 step %scan3A_16  : i32 {
        %mul3A_43 = arith.constant 2 : i32
        %mul3A_44 = arith.muli %mul3A_43, %scan3A_42 : i32
        %add3A_45 = arith.constant 1 : i32
        %add3A_46 = arith.addi %mul3A_44, %add3A_45 : i32
        %add3A_47 = arith.addi %mul3A_5, %add3A_46 : i32
        %mul3A_48 = arith.constant 128 : i32
        %mul3A_49 = arith.muli %add3A_47, %mul3A_48 : i32
        "tpu.region"() ({
          %run_scoped3A = tpu.sem_alloc : memref<!tpu.dma_semaphore, #tpu.memory_space<semaphore_mem>>
          %dma_start3A_105 = tpu.memref_slice %arg2[%mul3A_49] : memref<327680xi32, #tpu.memory_space<hbm>> -> memref<128xi32, #tpu.memory_space<hbm>>
          %dma_start3A_106 = tpu.memref_slice %arg2[%mul3A_49] : memref<327680xi32, #tpu.memory_space<hbm>> -> memref<128xi32, #tpu.memory_space<hbm>>
          tpu.enqueue_dma source(%dma_start3A_106 : memref<128xi32, #tpu.memory_space<hbm>>) target(%arg11 : memref<128xi32, #tpu.memory_space<vmem>>) target_semaphore(%run_scoped3A : memref<!tpu.dma_semaphore, #tpu.memory_space<semaphore_mem>>)
          %dma_wait3A_107 = tpu.memref_slice %arg2[%mul3A_49] : memref<327680xi32, #tpu.memory_space<hbm>> -> memref<128xi32, #tpu.memory_space<hbm>>
          %dma_wait3A_108 = tpu.memref_slice %arg2[%mul3A_49] : memref<327680xi32, #tpu.memory_space<hbm>> -> memref<128xi32, #tpu.memory_space<hbm>>
          tpu.wait_dma2 semaphore(%run_scoped3A : memref<!tpu.dma_semaphore, #tpu.memory_space<semaphore_mem>>) src(%dma_wait3A_108 : memref<128xi32, #tpu.memory_space<hbm>>) dst(%arg11 : memref<128xi32, #tpu.memory_space<vmem>>)
          tpu.yield
        }) : () -> ()
        %mul3A_50 = arith.constant 128 : i32
        %mul3A_51 = arith.muli %add3A_47, %mul3A_50 : i32
        "tpu.region"() ({
          %run_scoped3A = tpu.sem_alloc : memref<!tpu.dma_semaphore, #tpu.memory_space<semaphore_mem>>
          %dma_start3A_105 = tpu.memref_slice %arg3[%mul3A_51] : memref<327680xi32, #tpu.memory_space<hbm>> -> memref<128xi32, #tpu.memory_space<hbm>>
          %dma_start3A_106 = tpu.memref_slice %arg3[%mul3A_51] : memref<327680xi32, #tpu.memory_space<hbm>> -> memref<128xi32, #tpu.memory_space<hbm>>
          tpu.enqueue_dma source(%dma_start3A_106 : memref<128xi32, #tpu.memory_space<hbm>>) target(%arg13 : memref<128xi32, #tpu.memory_space<vmem>>) target_semaphore(%run_scoped3A : memref<!tpu.dma_semaphore, #tpu.memory_space<semaphore_mem>>)
          %dma_wait3A_107 = tpu.memref_slice %arg3[%mul3A_51] : memref<327680xi32, #tpu.memory_space<hbm>> -> memref<128xi32, #tpu.memory_space<hbm>>
          %dma_wait3A_108 = tpu.memref_slice %arg3[%mul3A_51] : memref<327680xi32, #tpu.memory_space<hbm>> -> memref<128xi32, #tpu.memory_space<hbm>>
          tpu.wait_dma2 semaphore(%run_scoped3A : memref<!tpu.dma_semaphore, #tpu.memory_space<semaphore_mem>>) src(%dma_wait3A_108 : memref<128xi32, #tpu.memory_space<hbm>>) dst(%arg13 : memref<128xi32, #tpu.memory_space<vmem>>)
          tpu.yield
        }) : () -> ()
        %dma_start3A_52 = arith.constant 0 : i32
        %dma_start3A_53 = arith.constant 0 : i32
        %dma_start3A_54 = tpu.memref_slice %arg4[%dma_start3A_52, %dma_start3A_53] : memref<10000x128xf32, #tpu.memory_space<hbm>> -> memref<10000x128xf32, #tpu.memory_space<hbm>>
        tpu.enqueue_indirect_dma source(%dma_start3A_54 : memref<10000x128xf32, #tpu.memory_space<hbm>>) target(%arg15 : memref<128x128xf32, #tpu.memory_space<vmem>>) offsets(%arg11 : memref<128xi32, #tpu.memory_space<vmem>>) semaphore(%arg18 : memref<!tpu.dma_semaphore, #tpu.memory_space<semaphore_mem>>)
        %dma_wait3A_55 = arith.constant 0 : i32
        %dma_wait3A_56 = arith.constant 0 : i32
        %dma_wait3A_57 = tpu.memref_slice %arg4[%dma_wait3A_55, %dma_wait3A_56] : memref<10000x128xf32, #tpu.memory_space<hbm>> -> memref<10000x128xf32, #tpu.memory_space<hbm>>
        tpu.wait_indirect_dma semaphore(%arg17 : memref<!tpu.dma_semaphore, #tpu.memory_space<semaphore_mem>>) src(%dma_wait3A_57 : memref<10000x128xf32, #tpu.memory_space<hbm>>) dst(%arg14 : memref<128x128xf32, #tpu.memory_space<vmem>>)
        "tpu.region"() ({
          %run_scoped3A = tpu.sem_alloc : memref<!tpu.dma_semaphore, #tpu.memory_space<semaphore_mem>>
          %dma_start3A_105 = arith.constant 0 : i32
          %dma_start3A_106 = arith.constant 0 : i32
          %dma_start3A_107 = tpu.memref_slice %arg16[%dma_start3A_105, %dma_start3A_106] : memref<10240x128xf32, #tpu.memory_space<vmem_shared>> -> memref<10240x128xf32, #tpu.memory_space<vmem_shared>>
          tpu.enqueue_indirect_dma source(%arg14 : memref<128x128xf32, #tpu.memory_space<vmem>>) target(%dma_start3A_107 : memref<10240x128xf32, #tpu.memory_space<vmem_shared>>) offsets(%arg12 : memref<128xi32, #tpu.memory_space<vmem>>) semaphore(%run_scoped3A : memref<!tpu.dma_semaphore, #tpu.memory_space<semaphore_mem>>) {add = true}
          %dma_wait3A_108 = arith.constant 0 : i32
          %dma_wait3A_109 = arith.constant 0 : i32
          %dma_wait3A_110 = tpu.memref_slice %arg16[%dma_wait3A_108, %dma_wait3A_109] : memref<10240x128xf32, #tpu.memory_space<vmem_shared>> -> memref<10240x128xf32, #tpu.memory_space<vmem_shared>>
          tpu.wait_indirect_dma semaphore(%run_scoped3A : memref<!tpu.dma_semaphore, #tpu.memory_space<semaphore_mem>>) src(%arg14 : memref<128x128xf32, #tpu.memory_space<vmem>>) dst(%dma_wait3A_110 : memref<10240x128xf32, #tpu.memory_space<vmem_shared>>)
          tpu.yield
        }) : () -> ()
        %get3A = arith.constant 0 : index
        %get3A_58 = tpu.vector_load %arg12[%get3A] {strides = array<i32>} : memref<128xi32, #tpu.memory_space<vmem>>, vector<16xi32>,
        tpu.vector_store_idx %arg19[%get3A_58], %broadcast_in_dim3A_3 {add = true} : memref<10240xf32, #tpu.memory_space<vmem>>[vector<16xi32>], vector<16xf32>,
        %get3A_59 = arith.constant 16 : index
        %get3A_60 = tpu.vector_load %arg12[%get3A_59] {strides = array<i32>} : memref<128xi32, #tpu.memory_space<vmem>>, vector<16xi32>,
        tpu.vector_store_idx %arg19[%get3A_60], %broadcast_in_dim3A_3 {add = true} : memref<10240xf32, #tpu.memory_space<vmem>>[vector<16xi32>], vector<16xf32>,
        %get3A_61 = arith.constant 32 : index
        %get3A_62 = tpu.vector_load %arg12[%get3A_61] {strides = array<i32>} : memref<128xi32, #tpu.memory_space<vmem>>, vector<16xi32>,
        tpu.vector_store_idx %arg19[%get3A_62], %broadcast_in_dim3A_3 {add = true} : memref<10240xf32, #tpu.memory_space<vmem>>[vector<16xi32>], vector<16xf32>,
        %get3A_63 = arith.constant 48 : index
        %get3A_64 = tpu.vector_load %arg12[%get3A_63] {strides = array<i32>} : memref<128xi32, #tpu.memory_space<vmem>>, vector<16xi32>,
        tpu.vector_store_idx %arg19[%get3A_64], %broadcast_in_dim3A_3 {add = true} : memref<10240xf32, #tpu.memory_space<vmem>>[vector<16xi32>], vector<16xf32>,
        %get3A_65 = arith.constant 64 : index
        %get3A_66 = tpu.vector_load %arg12[%get3A_65] {strides = array<i32>} : memref<128xi32, #tpu.memory_space<vmem>>, vector<16xi32>,
        tpu.vector_store_idx %arg19[%get3A_66], %broadcast_in_dim3A_3 {add = true} : memref<10240xf32, #tpu.memory_space<vmem>>[vector<16xi32>], vector<16xf32>,
        %get3A_67 = arith.constant 80 : index
        %get3A_68 = tpu.vector_load %arg12[%get3A_67] {strides = array<i32>} : memref<128xi32, #tpu.memory_space<vmem>>, vector<16xi32>,
        tpu.vector_store_idx %arg19[%get3A_68], %broadcast_in_dim3A_3 {add = true} : memref<10240xf32, #tpu.memory_space<vmem>>[vector<16xi32>], vector<16xf32>,
        %get3A_69 = arith.constant 96 : index
        %get3A_70 = tpu.vector_load %arg12[%get3A_69] {strides = array<i32>} : memref<128xi32, #tpu.memory_space<vmem>>, vector<16xi32>,
        tpu.vector_store_idx %arg19[%get3A_70], %broadcast_in_dim3A_3 {add = true} : memref<10240xf32, #tpu.memory_space<vmem>>[vector<16xi32>], vector<16xf32>,
        %get3A_71 = arith.constant 112 : index
        %get3A_72 = tpu.vector_load %arg12[%get3A_71] {strides = array<i32>} : memref<128xi32, #tpu.memory_space<vmem>>, vector<16xi32>,
        tpu.vector_store_idx %arg19[%get3A_72], %broadcast_in_dim3A_3 {add = true} : memref<10240xf32, #tpu.memory_space<vmem>>[vector<16xi32>], vector<16xf32>,
        %mul3A_73 = arith.constant 2 : i32
        %mul3A_74 = arith.muli %mul3A_73, %scan3A_42 : i32
        %add3A_75 = arith.constant 2 : i32
        %add3A_76 = arith.addi %mul3A_74, %add3A_75 : i32
        %min3A = arith.constant 159 : i32
        %min3A_77 = arith.minsi %add3A_76, %min3A : i32
        %add3A_78 = arith.addi %mul3A_5, %min3A_77 : i32
        %mul3A_79 = arith.constant 128 : i32
        %mul3A_80 = arith.muli %add3A_78, %mul3A_79 : i32
        "tpu.region"() ({
          %run_scoped3A = tpu.sem_alloc : memref<!tpu.dma_semaphore, #tpu.memory_space<semaphore_mem>>
          %dma_start3A_105 = tpu.memref_slice %arg2[%mul3A_80] : memref<327680xi32, #tpu.memory_space<hbm>> -> memref<128xi32, #tpu.memory_space<hbm>>
          %dma_start3A_106 = tpu.memref_slice %arg2[%mul3A_80] : memref<327680xi32, #tpu.memory_space<hbm>> -> memref<128xi32, #tpu.memory_space<hbm>>
          tpu.enqueue_dma source(%dma_start3A_106 : memref<128xi32, #tpu.memory_space<hbm>>) target(%arg10 : memref<128xi32, #tpu.memory_space<vmem>>) target_semaphore(%run_scoped3A : memref<!tpu.dma_semaphore, #tpu.memory_space<semaphore_mem>>)
          %dma_wait3A_107 = tpu.memref_slice %arg2[%mul3A_80] : memref<327680xi32, #tpu.memory_space<hbm>> -> memref<128xi32, #tpu.memory_space<hbm>>
          %dma_wait3A_108 = tpu.memref_slice %arg2[%mul3A_80] : memref<327680xi32, #tpu.memory_space<hbm>> -> memref<128xi32, #tpu.memory_space<hbm>>
          tpu.wait_dma2 semaphore(%run_scoped3A : memref<!tpu.dma_semaphore, #tpu.memory_space<semaphore_mem>>) src(%dma_wait3A_108 : memref<128xi32, #tpu.memory_space<hbm>>) dst(%arg10 : memref<128xi32, #tpu.memory_space<vmem>>)
          tpu.yield
        }) : () -> ()
        %mul3A_81 = arith.constant 128 : i32
        %mul3A_82 = arith.muli %add3A_78, %mul3A_81 : i32
        "tpu.region"() ({
          %run_scoped3A = tpu.sem_alloc : memref<!tpu.dma_semaphore, #tpu.memory_space<semaphore_mem>>
          %dma_start3A_105 = tpu.memref_slice %arg3[%mul3A_82] : memref<327680xi32, #tpu.memory_space<hbm>> -> memref<128xi32, #tpu.memory_space<hbm>>
          %dma_start3A_106 = tpu.memref_slice %arg3[%mul3A_82] : memref<327680xi32, #tpu.memory_space<hbm>> -> memref<128xi32, #tpu.memory_space<hbm>>
          tpu.enqueue_dma source(%dma_start3A_106 : memref<128xi32, #tpu.memory_space<hbm>>) target(%arg12 : memref<128xi32, #tpu.memory_space<vmem>>) target_semaphore(%run_scoped3A : memref<!tpu.dma_semaphore, #tpu.memory_space<semaphore_mem>>)
          %dma_wait3A_107 = tpu.memref_slice %arg3[%mul3A_82] : memref<327680xi32, #tpu.memory_space<hbm>> -> memref<128xi32, #tpu.memory_space<hbm>>
          %dma_wait3A_108 = tpu.memref_slice %arg3[%mul3A_82] : memref<327680xi32, #tpu.memory_space<hbm>> -> memref<128xi32, #tpu.memory_space<hbm>>
          tpu.wait_dma2 semaphore(%run_scoped3A : memref<!tpu.dma_semaphore, #tpu.memory_space<semaphore_mem>>) src(%dma_wait3A_108 : memref<128xi32, #tpu.memory_space<hbm>>) dst(%arg12 : memref<128xi32, #tpu.memory_space<vmem>>)
          tpu.yield
        }) : () -> ()
        %dma_start3A_83 = arith.constant 0 : i32
        %dma_start3A_84 = arith.constant 0 : i32
        %dma_start3A_85 = tpu.memref_slice %arg4[%dma_start3A_83, %dma_start3A_84] : memref<10000x128xf32, #tpu.memory_space<hbm>> -> memref<10000x128xf32, #tpu.memory_space<hbm>>
        tpu.enqueue_indirect_dma source(%dma_start3A_85 : memref<10000x128xf32, #tpu.memory_space<hbm>>) target(%arg14 : memref<128x128xf32, #tpu.memory_space<vmem>>) offsets(%arg10 : memref<128xi32, #tpu.memory_space<vmem>>) semaphore(%arg17 : memref<!tpu.dma_semaphore, #tpu.memory_space<semaphore_mem>>)
        %dma_wait3A_86 = arith.constant 0 : i32
        %dma_wait3A_87 = arith.constant 0 : i32
        %dma_wait3A_88 = tpu.memref_slice %arg4[%dma_wait3A_86, %dma_wait3A_87] : memref<10000x128xf32, #tpu.memory_space<hbm>> -> memref<10000x128xf32, #tpu.memory_space<hbm>>
        tpu.wait_indirect_dma semaphore(%arg18 : memref<!tpu.dma_semaphore, #tpu.memory_space<semaphore_mem>>) src(%dma_wait3A_88 : memref<10000x128xf32, #tpu.memory_space<hbm>>) dst(%arg15 : memref<128x128xf32, #tpu.memory_space<vmem>>)
        "tpu.region"() ({
          %run_scoped3A = tpu.sem_alloc : memref<!tpu.dma_semaphore, #tpu.memory_space<semaphore_mem>>
          %dma_start3A_105 = arith.constant 0 : i32
          %dma_start3A_106 = arith.constant 0 : i32
          %dma_start3A_107 = tpu.memref_slice %arg16[%dma_start3A_105, %dma_start3A_106] : memref<10240x128xf32, #tpu.memory_space<vmem_shared>> -> memref<10240x128xf32, #tpu.memory_space<vmem_shared>>
          tpu.enqueue_indirect_dma source(%arg15 : memref<128x128xf32, #tpu.memory_space<vmem>>) target(%dma_start3A_107 : memref<10240x128xf32, #tpu.memory_space<vmem_shared>>) offsets(%arg13 : memref<128xi32, #tpu.memory_space<vmem>>) semaphore(%run_scoped3A : memref<!tpu.dma_semaphore, #tpu.memory_space<semaphore_mem>>) {add = true}
          %dma_wait3A_108 = arith.constant 0 : i32
          %dma_wait3A_109 = arith.constant 0 : i32
          %dma_wait3A_110 = tpu.memref_slice %arg16[%dma_wait3A_108, %dma_wait3A_109] : memref<10240x128xf32, #tpu.memory_space<vmem_shared>> -> memref<10240x128xf32, #tpu.memory_space<vmem_shared>>
          tpu.wait_indirect_dma semaphore(%run_scoped3A : memref<!tpu.dma_semaphore, #tpu.memory_space<semaphore_mem>>) src(%arg15 : memref<128x128xf32, #tpu.memory_space<vmem>>) dst(%dma_wait3A_110 : memref<10240x128xf32, #tpu.memory_space<vmem_shared>>)
          tpu.yield
        }) : () -> ()
        %get3A_89 = arith.constant 0 : index
        %get3A_90 = tpu.vector_load %arg13[%get3A_89] {strides = array<i32>} : memref<128xi32, #tpu.memory_space<vmem>>, vector<16xi32>,
        tpu.vector_store_idx %arg19[%get3A_90], %broadcast_in_dim3A_3 {add = true} : memref<10240xf32, #tpu.memory_space<vmem>>[vector<16xi32>], vector<16xf32>,
        %get3A_91 = arith.constant 16 : index
        %get3A_92 = tpu.vector_load %arg13[%get3A_91] {strides = array<i32>} : memref<128xi32, #tpu.memory_space<vmem>>, vector<16xi32>,
        tpu.vector_store_idx %arg19[%get3A_92], %broadcast_in_dim3A_3 {add = true} : memref<10240xf32, #tpu.memory_space<vmem>>[vector<16xi32>], vector<16xf32>,
        %get3A_93 = arith.constant 32 : index
        %get3A_94 = tpu.vector_load %arg13[%get3A_93] {strides = array<i32>} : memref<128xi32, #tpu.memory_space<vmem>>, vector<16xi32>,
        tpu.vector_store_idx %arg19[%get3A_94], %broadcast_in_dim3A_3 {add = true} : memref<10240xf32, #tpu.memory_space<vmem>>[vector<16xi32>], vector<16xf32>,
        %get3A_95 = arith.constant 48 : index
        %get3A_96 = tpu.vector_load %arg13[%get3A_95] {strides = array<i32>} : memref<128xi32, #tpu.memory_space<vmem>>, vector<16xi32>,
        tpu.vector_store_idx %arg19[%get3A_96], %broadcast_in_dim3A_3 {add = true} : memref<10240xf32, #tpu.memory_space<vmem>>[vector<16xi32>], vector<16xf32>,
        %get3A_97 = arith.constant 64 : index
        %get3A_98 = tpu.vector_load %arg13[%get3A_97] {strides = array<i32>} : memref<128xi32, #tpu.memory_space<vmem>>, vector<16xi32>,
        tpu.vector_store_idx %arg19[%get3A_98], %broadcast_in_dim3A_3 {add = true} : memref<10240xf32, #tpu.memory_space<vmem>>[vector<16xi32>], vector<16xf32>,
        %get3A_99 = arith.constant 80 : index
        %get3A_100 = tpu.vector_load %arg13[%get3A_99] {strides = array<i32>} : memref<128xi32, #tpu.memory_space<vmem>>, vector<16xi32>,
        tpu.vector_store_idx %arg19[%get3A_100], %broadcast_in_dim3A_3 {add = true} : memref<10240xf32, #tpu.memory_space<vmem>>[vector<16xi32>], vector<16xf32>,
        %get3A_101 = arith.constant 96 : index
        %get3A_102 = tpu.vector_load %arg13[%get3A_101] {strides = array<i32>} : memref<128xi32, #tpu.memory_space<vmem>>, vector<16xi32>,
        tpu.vector_store_idx %arg19[%get3A_102], %broadcast_in_dim3A_3 {add = true} : memref<10240xf32, #tpu.memory_space<vmem>>[vector<16xi32>], vector<16xf32>,
        %get3A_103 = arith.constant 112 : index
        %get3A_104 = tpu.vector_load %arg13[%get3A_103] {strides = array<i32>} : memref<128xi32, #tpu.memory_space<vmem>>, vector<16xi32>,
        tpu.vector_store_idx %arg19[%get3A_104], %broadcast_in_dim3A_3 {add = true} : memref<10240xf32, #tpu.memory_space<vmem>>[vector<16xi32>], vector<16xf32>,
      }
      %scan3A_17 = arith.constant 80 : i32
      %dma_wait3A = arith.constant 0 : i32
      %dma_wait3A_18 = arith.constant 0 : i32
      %dma_wait3A_19 = tpu.memref_slice %arg4[%dma_wait3A, %dma_wait3A_18] : memref<10000x128xf32, #tpu.memory_space<hbm>> -> memref<10000x128xf32, #tpu.memory_space<hbm>>
      tpu.wait_indirect_dma semaphore(%arg17 : memref<!tpu.dma_semaphore, #tpu.memory_space<semaphore_mem>>) src(%dma_wait3A_19 : memref<10000x128xf32, #tpu.memory_space<hbm>>) dst(%arg14 : memref<128x128xf32, #tpu.memory_space<vmem>>)
      %barrier3A_20 = arith.constant 0 : index
      tpu.barrier barrier_id(%barrier3A_20)
      %mul3A_21 = arith.constant 640 : i32
      %mul3A_22 = arith.muli %arg1, %mul3A_21 : i32
      %mul3A_23 = arith.constant 640 : i32
      %mul3A_24 = arith.muli %arg1, %mul3A_23 : i32
      "tpu.region"() ({
        %run_scoped3A = tpu.sem_alloc : memref<!tpu.dma_semaphore, #tpu.memory_space<semaphore_mem>>
        %dma_start3A_42 = arith.constant 0 : i32
        %dma_start3A_43 = tpu.memref_slice %arg7[%mul3A_22, %dma_start3A_42] : memref<10240x128xf32, #tpu.memory_space<hbm>> -> memref<640x128xf32, #tpu.memory_space<hbm>>
        %dma_start3A_44 = arith.constant 0 : i32
        %dma_start3A_45 = tpu.memref_slice %arg16[%mul3A_24, %dma_start3A_44] : memref<10240x128xf32, #tpu.memory_space<vmem_shared>> -> memref<640x128xf32, #tpu.memory_space<vmem_shared>>
        tpu.enqueue_dma source(%dma_start3A_45 : memref<640x128xf32, #tpu.memory_space<vmem_shared>>) target(%dma_start3A_43 : memref<640x128xf32, #tpu.memory_space<hbm>>) target_semaphore(%run_scoped3A : memref<!tpu.dma_semaphore, #tpu.memory_space<semaphore_mem>>)
        %dma_wait3A_46 = arith.constant 0 : i32
        %dma_wait3A_47 = tpu.memref_slice %arg7[%mul3A_22, %dma_wait3A_46] : memref<10240x128xf32, #tpu.memory_space<hbm>> -> memref<640x128xf32, #tpu.memory_space<hbm>>
        %dma_wait3A_48 = arith.constant 0 : i32
        %dma_wait3A_49 = tpu.memref_slice %arg16[%mul3A_24, %dma_wait3A_48] : memref<10240x128xf32, #tpu.memory_space<vmem_shared>> -> memref<640x128xf32, #tpu.memory_space<vmem_shared>>
        tpu.wait_dma2 semaphore(%run_scoped3A : memref<!tpu.dma_semaphore, #tpu.memory_space<semaphore_mem>>) src(%dma_wait3A_49 : memref<640x128xf32, #tpu.memory_space<vmem_shared>>) dst(%dma_wait3A_47 : memref<640x128xf32, #tpu.memory_space<hbm>>)
        tpu.yield
      }) : () -> ()
      %mul3A_25 = arith.constant 10240 : i32
      %mul3A_26 = arith.muli %arg1, %mul3A_25 : i32
      "tpu.region"() ({
        %run_scoped3A = tpu.sem_alloc : memref<!tpu.dma_semaphore, #tpu.memory_space<semaphore_mem>>
        %dma_start3A_42 = tpu.memref_slice %arg9[%mul3A_26] : memref<163840xf32, #tpu.memory_space<hbm>> -> memref<10240xf32, #tpu.memory_space<hbm>>
        %dma_start3A_43 = tpu.memref_slice %arg9[%mul3A_26] : memref<163840xf32, #tpu.memory_space<hbm>> -> memref<10240xf32, #tpu.memory_space<hbm>>
        tpu.enqueue_dma source(%arg19 : memref<10240xf32, #tpu.memory_space<vmem>>) target(%dma_start3A_43 : memref<10240xf32, #tpu.memory_space<hbm>>) target_semaphore(%run_scoped3A : memref<!tpu.dma_semaphore, #tpu.memory_space<semaphore_mem>>)
        %dma_wait3A_44 = tpu.memref_slice %arg9[%mul3A_26] : memref<163840xf32, #tpu.memory_space<hbm>> -> memref<10240xf32, #tpu.memory_space<hbm>>
        %dma_wait3A_45 = tpu.memref_slice %arg9[%mul3A_26] : memref<163840xf32, #tpu.memory_space<hbm>> -> memref<10240xf32, #tpu.memory_space<hbm>>
        tpu.wait_dma2 semaphore(%run_scoped3A : memref<!tpu.dma_semaphore, #tpu.memory_space<semaphore_mem>>) src(%arg19 : memref<10240xf32, #tpu.memory_space<vmem>>) dst(%dma_wait3A_45 : memref<10240xf32, #tpu.memory_space<hbm>>)
        tpu.yield
      }) : () -> ()
      %barrier3A_27 = arith.constant 0 : index
      tpu.barrier barrier_id(%barrier3A_27)
      %mul3A_28 = arith.constant 640 : i32
      %mul3A_29 = arith.muli %arg1, %mul3A_28 : i32
      "tpu.region"() ({
        %run_scoped3A = tpu.sem_alloc : memref<!tpu.dma_semaphore, #tpu.memory_space<semaphore_mem>>
        %dma_start3A_42 = tpu.memref_slice %arg9[%mul3A_29] : memref<163840xf32, #tpu.memory_space<hbm>> -> memref<640xf32, #tpu.memory_space<hbm>>
        %dma_start3A_43 = tpu.memref_slice %arg9[%mul3A_29] : memref<163840xf32, #tpu.memory_space<hbm>> -> memref<640xf32, #tpu.memory_space<hbm>>
        tpu.enqueue_dma source(%dma_start3A_43 : memref<640xf32, #tpu.memory_space<hbm>>) target(%arg21 : memref<640xf32, #tpu.memory_space<vmem>>) target_semaphore(%run_scoped3A : memref<!tpu.dma_semaphore, #tpu.memory_space<semaphore_mem>>)
        %dma_wait3A_44 = tpu.memref_slice %arg9[%mul3A_29] : memref<163840xf32, #tpu.memory_space<hbm>> -> memref<640xf32, #tpu.memory_space<hbm>>
        %dma_wait3A_45 = tpu.memref_slice %arg9[%mul3A_29] : memref<163840xf32, #tpu.memory_space<hbm>> -> memref<640xf32, #tpu.memory_space<hbm>>
        tpu.wait_dma2 semaphore(%run_scoped3A : memref<!tpu.dma_semaphore, #tpu.memory_space<semaphore_mem>>) src(%dma_wait3A_45 : memref<640xf32, #tpu.memory_space<hbm>>) dst(%arg21 : memref<640xf32, #tpu.memory_space<vmem>>)
        tpu.yield
      }) : () -> ()
      %scan3A_30 = arith.constant 0 : i32
      %scan3A_31 = arith.constant 1 : i32
      %scan3A_32 = arith.constant 15 : i32
      %scan3A_33 = arith.addi %scan3A_31, %scan3A_32 : i32
      %scan3A_34 = arith.constant 1 : i32
      scf.for %scan3A_42 = %scan3A_31 to %scan3A_33 step %scan3A_34  : i32 {
        %mul3A_43 = arith.constant 10240 : i32
        %mul3A_44 = arith.muli %scan3A_42, %mul3A_43 : i32
        %add3A_45 = arith.addi %mul3A_29, %mul3A_44 : i32
        "tpu.region"() ({
          %run_scoped3A = tpu.sem_alloc : memref<!tpu.dma_semaphore, #tpu.memory_space<semaphore_mem>>
          %dma_start3A_324 = tpu.memref_slice %arg9[%add3A_45] : memref<163840xf32, #tpu.memory_space<hbm>> -> memref<640xf32, #tpu.memory_space<hbm>>
          %dma_start3A_325 = tpu.memref_slice %arg9[%add3A_45] : memref<163840xf32, #tpu.memory_space<hbm>> -> memref<640xf32, #tpu.memory_space<hbm>>
          tpu.enqueue_dma source(%dma_start3A_325 : memref<640xf32, #tpu.memory_space<hbm>>) target(%arg20 : memref<640xf32, #tpu.memory_space<vmem>>) target_semaphore(%run_scoped3A : memref<!tpu.dma_semaphore, #tpu.memory_space<semaphore_mem>>)
          %dma_wait3A_326 = tpu.memref_slice %arg9[%add3A_45] : memref<163840xf32, #tpu.memory_space<hbm>> -> memref<640xf32, #tpu.memory_space<hbm>>
          %dma_wait3A_327 = tpu.memref_slice %arg9[%add3A_45] : memref<163840xf32, #tpu.memory_space<hbm>> -> memref<640xf32, #tpu.memory_space<hbm>>
          tpu.wait_dma2 semaphore(%run_scoped3A : memref<!tpu.dma_semaphore, #tpu.memory_space<semaphore_mem>>) src(%dma_wait3A_327 : memref<640xf32, #tpu.memory_space<hbm>>) dst(%arg20 : memref<640xf32, #tpu.memory_space<vmem>>)
          tpu.yield
        }) : () -> ()
        %get3A = arith.constant 0 : index
        %get3A_46 = tpu.vector_load %arg21[%get3A] {strides = array<i32>} : memref<640xf32, #tpu.memory_space<vmem>>, vector<16xf32>,
        %get3A_47 = arith.constant 0 : index
        %get3A_48 = tpu.vector_load %arg20[%get3A_47] {strides = array<i32>} : memref<640xf32, #tpu.memory_space<vmem>>, vector<16xf32>,
        %add3A_49 = arith.addf %get3A_46, %get3A_48 : vector<16xf32>
        %swap3A = arith.constant 0 : index
        %swap3A_50 = tpu.vector_load %arg21[%swap3A] {strides = array<i32>} : memref<640xf32, #tpu.memory_space<vmem>>, vector<16xf32>,
        tpu.vector_store %arg21[%swap3A], %add3A_49 {strides = array<i32>} : memref<640xf32, #tpu.memory_space<vmem>>, vector<16xf32>,
        %get3A_51 = arith.constant 16 : index
        %get3A_52 = tpu.vector_load %arg21[%get3A_51] {strides = array<i32>} : memref<640xf32, #tpu.memory_space<vmem>>, vector<16xf32>,
        %get3A_53 = arith.constant 16 : index
        %get3A_54 = tpu.vector_load %arg20[%get3A_53] {strides = array<i32>} : memref<640xf32, #tpu.memory_space<vmem>>, vector<16xf32>,
        %add3A_55 = arith.addf %get3A_52, %get3A_54 : vector<16xf32>
        %swap3A_56 = arith.constant 16 : index
        %swap3A_57 = tpu.vector_load %arg21[%swap3A_56] {strides = array<i32>} : memref<640xf32, #tpu.memory_space<vmem>>, vector<16xf32>,
        tpu.vector_store %arg21[%swap3A_56], %add3A_55 {strides = array<i32>} : memref<640xf32, #tpu.memory_space<vmem>>, vector<16xf32>,
        %get3A_58 = arith.constant 32 : index
        %get3A_59 = tpu.vector_load %arg21[%get3A_58] {strides = array<i32>} : memref<640xf32, #tpu.memory_space<vmem>>, vector<16xf32>,
        %get3A_60 = arith.constant 32 : index
        %get3A_61 = tpu.vector_load %arg20[%get3A_60] {strides = array<i32>} : memref<640xf32, #tpu.memory_space<vmem>>, vector<16xf32>,
        %add3A_62 = arith.addf %get3A_59, %get3A_61 : vector<16xf32>
        %swap3A_63 = arith.constant 32 : index
        %swap3A_64 = tpu.vector_load %arg21[%swap3A_63] {strides = array<i32>} : memref<640xf32, #tpu.memory_space<vmem>>, vector<16xf32>,
        tpu.vector_store %arg21[%swap3A_63], %add3A_62 {strides = array<i32>} : memref<640xf32, #tpu.memory_space<vmem>>, vector<16xf32>,
        %get3A_65 = arith.constant 48 : index
        %get3A_66 = tpu.vector_load %arg21[%get3A_65] {strides = array<i32>} : memref<640xf32, #tpu.memory_space<vmem>>, vector<16xf32>,
        %get3A_67 = arith.constant 48 : index
        %get3A_68 = tpu.vector_load %arg20[%get3A_67] {strides = array<i32>} : memref<640xf32, #tpu.memory_space<vmem>>, vector<16xf32>,
        %add3A_69 = arith.addf %get3A_66, %get3A_68 : vector<16xf32>
        %swap3A_70 = arith.constant 48 : index
        %swap3A_71 = tpu.vector_load %arg21[%swap3A_70] {strides = array<i32>} : memref<640xf32, #tpu.memory_space<vmem>>, vector<16xf32>,
        tpu.vector_store %arg21[%swap3A_70], %add3A_69 {strides = array<i32>} : memref<640xf32, #tpu.memory_space<vmem>>, vector<16xf32>,
        %get3A_72 = arith.constant 64 : index
        %get3A_73 = tpu.vector_load %arg21[%get3A_72] {strides = array<i32>} : memref<640xf32, #tpu.memory_space<vmem>>, vector<16xf32>,
        %get3A_74 = arith.constant 64 : index
        %get3A_75 = tpu.vector_load %arg20[%get3A_74] {strides = array<i32>} : memref<640xf32, #tpu.memory_space<vmem>>, vector<16xf32>,
        %add3A_76 = arith.addf %get3A_73, %get3A_75 : vector<16xf32>
        %swap3A_77 = arith.constant 64 : index
        %swap3A_78 = tpu.vector_load %arg21[%swap3A_77] {strides = array<i32>} : memref<640xf32, #tpu.memory_space<vmem>>, vector<16xf32>,
        tpu.vector_store %arg21[%swap3A_77], %add3A_76 {strides = array<i32>} : memref<640xf32, #tpu.memory_space<vmem>>, vector<16xf32>,
        %get3A_79 = arith.constant 80 : index
        %get3A_80 = tpu.vector_load %arg21[%get3A_79] {strides = array<i32>} : memref<640xf32, #tpu.memory_space<vmem>>, vector<16xf32>,
        %get3A_81 = arith.constant 80 : index
        %get3A_82 = tpu.vector_load %arg20[%get3A_81] {strides = array<i32>} : memref<640xf32, #tpu.memory_space<vmem>>, vector<16xf32>,
        %add3A_83 = arith.addf %get3A_80, %get3A_82 : vector<16xf32>
        %swap3A_84 = arith.constant 80 : index
        %swap3A_85 = tpu.vector_load %arg21[%swap3A_84] {strides = array<i32>} : memref<640xf32, #tpu.memory_space<vmem>>, vector<16xf32>,
        tpu.vector_store %arg21[%swap3A_84], %add3A_83 {strides = array<i32>} : memref<640xf32, #tpu.memory_space<vmem>>, vector<16xf32>,
        %get3A_86 = arith.constant 96 : index
        %get3A_87 = tpu.vector_load %arg21[%get3A_86] {strides = array<i32>} : memref<640xf32, #tpu.memory_space<vmem>>, vector<16xf32>,
        %get3A_88 = arith.constant 96 : index
        %get3A_89 = tpu.vector_load %arg20[%get3A_88] {strides = array<i32>} : memref<640xf32, #tpu.memory_space<vmem>>, vector<16xf32>,
        %add3A_90 = arith.addf %get3A_87, %get3A_89 : vector<16xf32>
        %swap3A_91 = arith.constant 96 : index
        %swap3A_92 = tpu.vector_load %arg21[%swap3A_91] {strides = array<i32>} : memref<640xf32, #tpu.memory_space<vmem>>, vector<16xf32>,
        tpu.vector_store %arg21[%swap3A_91], %add3A_90 {strides = array<i32>} : memref<640xf32, #tpu.memory_space<vmem>>, vector<16xf32>,
        %get3A_93 = arith.constant 112 : index
        %get3A_94 = tpu.vector_load %arg21[%get3A_93] {strides = array<i32>} : memref<640xf32, #tpu.memory_space<vmem>>, vector<16xf32>,
        %get3A_95 = arith.constant 112 : index
        %get3A_96 = tpu.vector_load %arg20[%get3A_95] {strides = array<i32>} : memref<640xf32, #tpu.memory_space<vmem>>, vector<16xf32>,
        %add3A_97 = arith.addf %get3A_94, %get3A_96 : vector<16xf32>
        %swap3A_98 = arith.constant 112 : index
        %swap3A_99 = tpu.vector_load %arg21[%swap3A_98] {strides = array<i32>} : memref<640xf32, #tpu.memory_space<vmem>>, vector<16xf32>,
        tpu.vector_store %arg21[%swap3A_98], %add3A_97 {strides = array<i32>} : memref<640xf32, #tpu.memory_space<vmem>>, vector<16xf32>,
        %get3A_100 = arith.constant 128 : index
        %get3A_101 = tpu.vector_load %arg21[%get3A_100] {strides = array<i32>} : memref<640xf32, #tpu.memory_space<vmem>>, vector<16xf32>,
        %get3A_102 = arith.constant 128 : index
        %get3A_103 = tpu.vector_load %arg20[%get3A_102] {strides = array<i32>} : memref<640xf32, #tpu.memory_space<vmem>>, vector<16xf32>,
        %add3A_104 = arith.addf %get3A_101, %get3A_103 : vector<16xf32>
        %swap3A_105 = arith.constant 128 : index
        %swap3A_106 = tpu.vector_load %arg21[%swap3A_105] {strides = array<i32>} : memref<640xf32, #tpu.memory_space<vmem>>, vector<16xf32>,
        tpu.vector_store %arg21[%swap3A_105], %add3A_104 {strides = array<i32>} : memref<640xf32, #tpu.memory_space<vmem>>, vector<16xf32>,
        %get3A_107 = arith.constant 144 : index
        %get3A_108 = tpu.vector_load %arg21[%get3A_107] {strides = array<i32>} : memref<640xf32, #tpu.memory_space<vmem>>, vector<16xf32>,
        %get3A_109 = arith.constant 144 : index
        %get3A_110 = tpu.vector_load %arg20[%get3A_109] {strides = array<i32>} : memref<640xf32, #tpu.memory_space<vmem>>, vector<16xf32>,
        %add3A_111 = arith.addf %get3A_108, %get3A_110 : vector<16xf32>
        %swap3A_112 = arith.constant 144 : index
        %swap3A_113 = tpu.vector_load %arg21[%swap3A_112] {strides = array<i32>} : memref<640xf32, #tpu.memory_space<vmem>>, vector<16xf32>,
        tpu.vector_store %arg21[%swap3A_112], %add3A_111 {strides = array<i32>} : memref<640xf32, #tpu.memory_space<vmem>>, vector<16xf32>,
        %get3A_114 = arith.constant 160 : index
        %get3A_115 = tpu.vector_load %arg21[%get3A_114] {strides = array<i32>} : memref<640xf32, #tpu.memory_space<vmem>>, vector<16xf32>,
        %get3A_116 = arith.constant 160 : index
        %get3A_117 = tpu.vector_load %arg20[%get3A_116] {strides = array<i32>} : memref<640xf32, #tpu.memory_space<vmem>>, vector<16xf32>,
        %add3A_118 = arith.addf %get3A_115, %get3A_117 : vector<16xf32>
        %swap3A_119 = arith.constant 160 : index
        %swap3A_120 = tpu.vector_load %arg21[%swap3A_119] {strides = array<i32>} : memref<640xf32, #tpu.memory_space<vmem>>, vector<16xf32>,
        tpu.vector_store %arg21[%swap3A_119], %add3A_118 {strides = array<i32>} : memref<640xf32, #tpu.memory_space<vmem>>, vector<16xf32>,
        %get3A_121 = arith.constant 176 : index
        %get3A_122 = tpu.vector_load %arg21[%get3A_121] {strides = array<i32>} : memref<640xf32, #tpu.memory_space<vmem>>, vector<16xf32>,
        %get3A_123 = arith.constant 176 : index
        %get3A_124 = tpu.vector_load %arg20[%get3A_123] {strides = array<i32>} : memref<640xf32, #tpu.memory_space<vmem>>, vector<16xf32>,
        %add3A_125 = arith.addf %get3A_122, %get3A_124 : vector<16xf32>
        %swap3A_126 = arith.constant 176 : index
        %swap3A_127 = tpu.vector_load %arg21[%swap3A_126] {strides = array<i32>} : memref<640xf32, #tpu.memory_space<vmem>>, vector<16xf32>,
        tpu.vector_store %arg21[%swap3A_126], %add3A_125 {strides = array<i32>} : memref<640xf32, #tpu.memory_space<vmem>>, vector<16xf32>,
        %get3A_128 = arith.constant 192 : index
        %get3A_129 = tpu.vector_load %arg21[%get3A_128] {strides = array<i32>} : memref<640xf32, #tpu.memory_space<vmem>>, vector<16xf32>,
        %get3A_130 = arith.constant 192 : index
        %get3A_131 = tpu.vector_load %arg20[%get3A_130] {strides = array<i32>} : memref<640xf32, #tpu.memory_space<vmem>>, vector<16xf32>,
        %add3A_132 = arith.addf %get3A_129, %get3A_131 : vector<16xf32>
        %swap3A_133 = arith.constant 192 : index
        %swap3A_134 = tpu.vector_load %arg21[%swap3A_133] {strides = array<i32>} : memref<640xf32, #tpu.memory_space<vmem>>, vector<16xf32>,
        tpu.vector_store %arg21[%swap3A_133], %add3A_132 {strides = array<i32>} : memref<640xf32, #tpu.memory_space<vmem>>, vector<16xf32>,
        %get3A_135 = arith.constant 208 : index
        %get3A_136 = tpu.vector_load %arg21[%get3A_135] {strides = array<i32>} : memref<640xf32, #tpu.memory_space<vmem>>, vector<16xf32>,
        %get3A_137 = arith.constant 208 : index
        %get3A_138 = tpu.vector_load %arg20[%get3A_137] {strides = array<i32>} : memref<640xf32, #tpu.memory_space<vmem>>, vector<16xf32>,
        %add3A_139 = arith.addf %get3A_136, %get3A_138 : vector<16xf32>
        %swap3A_140 = arith.constant 208 : index
        %swap3A_141 = tpu.vector_load %arg21[%swap3A_140] {strides = array<i32>} : memref<640xf32, #tpu.memory_space<vmem>>, vector<16xf32>,
        tpu.vector_store %arg21[%swap3A_140], %add3A_139 {strides = array<i32>} : memref<640xf32, #tpu.memory_space<vmem>>, vector<16xf32>,
        %get3A_142 = arith.constant 224 : index
        %get3A_143 = tpu.vector_load %arg21[%get3A_142] {strides = array<i32>} : memref<640xf32, #tpu.memory_space<vmem>>, vector<16xf32>,
        %get3A_144 = arith.constant 224 : index
        %get3A_145 = tpu.vector_load %arg20[%get3A_144] {strides = array<i32>} : memref<640xf32, #tpu.memory_space<vmem>>, vector<16xf32>,
        %add3A_146 = arith.addf %get3A_143, %get3A_145 : vector<16xf32>
        %swap3A_147 = arith.constant 224 : index
        %swap3A_148 = tpu.vector_load %arg21[%swap3A_147] {strides = array<i32>} : memref<640xf32, #tpu.memory_space<vmem>>, vector<16xf32>,
        tpu.vector_store %arg21[%swap3A_147], %add3A_146 {strides = array<i32>} : memref<640xf32, #tpu.memory_space<vmem>>, vector<16xf32>,
        %get3A_149 = arith.constant 240 : index
        %get3A_150 = tpu.vector_load %arg21[%get3A_149] {strides = array<i32>} : memref<640xf32, #tpu.memory_space<vmem>>, vector<16xf32>,
        %get3A_151 = arith.constant 240 : index
        %get3A_152 = tpu.vector_load %arg20[%get3A_151] {strides = array<i32>} : memref<640xf32, #tpu.memory_space<vmem>>, vector<16xf32>,
        %add3A_153 = arith.addf %get3A_150, %get3A_152 : vector<16xf32>
        %swap3A_154 = arith.constant 240 : index
        %swap3A_155 = tpu.vector_load %arg21[%swap3A_154] {strides = array<i32>} : memref<640xf32, #tpu.memory_space<vmem>>, vector<16xf32>,
        tpu.vector_store %arg21[%swap3A_154], %add3A_153 {strides = array<i32>} : memref<640xf32, #tpu.memory_space<vmem>>, vector<16xf32>,
        %get3A_156 = arith.constant 256 : index
        %get3A_157 = tpu.vector_load %arg21[%get3A_156] {strides = array<i32>} : memref<640xf32, #tpu.memory_space<vmem>>, vector<16xf32>,
        %get3A_158 = arith.constant 256 : index
        %get3A_159 = tpu.vector_load %arg20[%get3A_158] {strides = array<i32>} : memref<640xf32, #tpu.memory_space<vmem>>, vector<16xf32>,
        %add3A_160 = arith.addf %get3A_157, %get3A_159 : vector<16xf32>
        %swap3A_161 = arith.constant 256 : index
        %swap3A_162 = tpu.vector_load %arg21[%swap3A_161] {strides = array<i32>} : memref<640xf32, #tpu.memory_space<vmem>>, vector<16xf32>,
        tpu.vector_store %arg21[%swap3A_161], %add3A_160 {strides = array<i32>} : memref<640xf32, #tpu.memory_space<vmem>>, vector<16xf32>,
        %get3A_163 = arith.constant 272 : index
        %get3A_164 = tpu.vector_load %arg21[%get3A_163] {strides = array<i32>} : memref<640xf32, #tpu.memory_space<vmem>>, vector<16xf32>,
        %get3A_165 = arith.constant 272 : index
        %get3A_166 = tpu.vector_load %arg20[%get3A_165] {strides = array<i32>} : memref<640xf32, #tpu.memory_space<vmem>>, vector<16xf32>,
        %add3A_167 = arith.addf %get3A_164, %get3A_166 : vector<16xf32>
        %swap3A_168 = arith.constant 272 : index
        %swap3A_169 = tpu.vector_load %arg21[%swap3A_168] {strides = array<i32>} : memref<640xf32, #tpu.memory_space<vmem>>, vector<16xf32>,
        tpu.vector_store %arg21[%swap3A_168], %add3A_167 {strides = array<i32>} : memref<640xf32, #tpu.memory_space<vmem>>, vector<16xf32>,
        %get3A_170 = arith.constant 288 : index
        %get3A_171 = tpu.vector_load %arg21[%get3A_170] {strides = array<i32>} : memref<640xf32, #tpu.memory_space<vmem>>, vector<16xf32>,
        %get3A_172 = arith.constant 288 : index
        %get3A_173 = tpu.vector_load %arg20[%get3A_172] {strides = array<i32>} : memref<640xf32, #tpu.memory_space<vmem>>, vector<16xf32>,
        %add3A_174 = arith.addf %get3A_171, %get3A_173 : vector<16xf32>
        %swap3A_175 = arith.constant 288 : index
        %swap3A_176 = tpu.vector_load %arg21[%swap3A_175] {strides = array<i32>} : memref<640xf32, #tpu.memory_space<vmem>>, vector<16xf32>,
        tpu.vector_store %arg21[%swap3A_175], %add3A_174 {strides = array<i32>} : memref<640xf32, #tpu.memory_space<vmem>>, vector<16xf32>,
        %get3A_177 = arith.constant 304 : index
        %get3A_178 = tpu.vector_load %arg21[%get3A_177] {strides = array<i32>} : memref<640xf32, #tpu.memory_space<vmem>>, vector<16xf32>,
        %get3A_179 = arith.constant 304 : index
        %get3A_180 = tpu.vector_load %arg20[%get3A_179] {strides = array<i32>} : memref<640xf32, #tpu.memory_space<vmem>>, vector<16xf32>,
        %add3A_181 = arith.addf %get3A_178, %get3A_180 : vector<16xf32>
        %swap3A_182 = arith.constant 304 : index
        %swap3A_183 = tpu.vector_load %arg21[%swap3A_182] {strides = array<i32>} : memref<640xf32, #tpu.memory_space<vmem>>, vector<16xf32>,
        tpu.vector_store %arg21[%swap3A_182], %add3A_181 {strides = array<i32>} : memref<640xf32, #tpu.memory_space<vmem>>, vector<16xf32>,
        %get3A_184 = arith.constant 320 : index
        %get3A_185 = tpu.vector_load %arg21[%get3A_184] {strides = array<i32>} : memref<640xf32, #tpu.memory_space<vmem>>, vector<16xf32>,
        %get3A_186 = arith.constant 320 : index
        %get3A_187 = tpu.vector_load %arg20[%get3A_186] {strides = array<i32>} : memref<640xf32, #tpu.memory_space<vmem>>, vector<16xf32>,
        %add3A_188 = arith.addf %get3A_185, %get3A_187 : vector<16xf32>
        %swap3A_189 = arith.constant 320 : index
        %swap3A_190 = tpu.vector_load %arg21[%swap3A_189] {strides = array<i32>} : memref<640xf32, #tpu.memory_space<vmem>>, vector<16xf32>,
        tpu.vector_store %arg21[%swap3A_189], %add3A_188 {strides = array<i32>} : memref<640xf32, #tpu.memory_space<vmem>>, vector<16xf32>,
        %get3A_191 = arith.constant 336 : index
        %get3A_192 = tpu.vector_load %arg21[%get3A_191] {strides = array<i32>} : memref<640xf32, #tpu.memory_space<vmem>>, vector<16xf32>,
        %get3A_193 = arith.constant 336 : index
        %get3A_194 = tpu.vector_load %arg20[%get3A_193] {strides = array<i32>} : memref<640xf32, #tpu.memory_space<vmem>>, vector<16xf32>,
        %add3A_195 = arith.addf %get3A_192, %get3A_194 : vector<16xf32>
        %swap3A_196 = arith.constant 336 : index
        %swap3A_197 = tpu.vector_load %arg21[%swap3A_196] {strides = array<i32>} : memref<640xf32, #tpu.memory_space<vmem>>, vector<16xf32>,
        tpu.vector_store %arg21[%swap3A_196], %add3A_195 {strides = array<i32>} : memref<640xf32, #tpu.memory_space<vmem>>, vector<16xf32>,
        %get3A_198 = arith.constant 352 : index
        %get3A_199 = tpu.vector_load %arg21[%get3A_198] {strides = array<i32>} : memref<640xf32, #tpu.memory_space<vmem>>, vector<16xf32>,
        %get3A_200 = arith.constant 352 : index
        %get3A_201 = tpu.vector_load %arg20[%get3A_200] {strides = array<i32>} : memref<640xf32, #tpu.memory_space<vmem>>, vector<16xf32>,
        %add3A_202 = arith.addf %get3A_199, %get3A_201 : vector<16xf32>
        %swap3A_203 = arith.constant 352 : index
        %swap3A_204 = tpu.vector_load %arg21[%swap3A_203] {strides = array<i32>} : memref<640xf32, #tpu.memory_space<vmem>>, vector<16xf32>,
        tpu.vector_store %arg21[%swap3A_203], %add3A_202 {strides = array<i32>} : memref<640xf32, #tpu.memory_space<vmem>>, vector<16xf32>,
        %get3A_205 = arith.constant 368 : index
        %get3A_206 = tpu.vector_load %arg21[%get3A_205] {strides = array<i32>} : memref<640xf32, #tpu.memory_space<vmem>>, vector<16xf32>,
        %get3A_207 = arith.constant 368 : index
        %get3A_208 = tpu.vector_load %arg20[%get3A_207] {strides = array<i32>} : memref<640xf32, #tpu.memory_space<vmem>>, vector<16xf32>,
        %add3A_209 = arith.addf %get3A_206, %get3A_208 : vector<16xf32>
        %swap3A_210 = arith.constant 368 : index
        %swap3A_211 = tpu.vector_load %arg21[%swap3A_210] {strides = array<i32>} : memref<640xf32, #tpu.memory_space<vmem>>, vector<16xf32>,
        tpu.vector_store %arg21[%swap3A_210], %add3A_209 {strides = array<i32>} : memref<640xf32, #tpu.memory_space<vmem>>, vector<16xf32>,
        %get3A_212 = arith.constant 384 : index
        %get3A_213 = tpu.vector_load %arg21[%get3A_212] {strides = array<i32>} : memref<640xf32, #tpu.memory_space<vmem>>, vector<16xf32>,
        %get3A_214 = arith.constant 384 : index
        %get3A_215 = tpu.vector_load %arg20[%get3A_214] {strides = array<i32>} : memref<640xf32, #tpu.memory_space<vmem>>, vector<16xf32>,
        %add3A_216 = arith.addf %get3A_213, %get3A_215 : vector<16xf32>
        %swap3A_217 = arith.constant 384 : index
        %swap3A_218 = tpu.vector_load %arg21[%swap3A_217] {strides = array<i32>} : memref<640xf32, #tpu.memory_space<vmem>>, vector<16xf32>,
        tpu.vector_store %arg21[%swap3A_217], %add3A_216 {strides = array<i32>} : memref<640xf32, #tpu.memory_space<vmem>>, vector<16xf32>,
        %get3A_219 = arith.constant 400 : index
        %get3A_220 = tpu.vector_load %arg21[%get3A_219] {strides = array<i32>} : memref<640xf32, #tpu.memory_space<vmem>>, vector<16xf32>,
        %get3A_221 = arith.constant 400 : index
        %get3A_222 = tpu.vector_load %arg20[%get3A_221] {strides = array<i32>} : memref<640xf32, #tpu.memory_space<vmem>>, vector<16xf32>,
        %add3A_223 = arith.addf %get3A_220, %get3A_222 : vector<16xf32>
        %swap3A_224 = arith.constant 400 : index
        %swap3A_225 = tpu.vector_load %arg21[%swap3A_224] {strides = array<i32>} : memref<640xf32, #tpu.memory_space<vmem>>, vector<16xf32>,
        tpu.vector_store %arg21[%swap3A_224], %add3A_223 {strides = array<i32>} : memref<640xf32, #tpu.memory_space<vmem>>, vector<16xf32>,
        %get3A_226 = arith.constant 416 : index
        %get3A_227 = tpu.vector_load %arg21[%get3A_226] {strides = array<i32>} : memref<640xf32, #tpu.memory_space<vmem>>, vector<16xf32>,
        %get3A_228 = arith.constant 416 : index
        %get3A_229 = tpu.vector_load %arg20[%get3A_228] {strides = array<i32>} : memref<640xf32, #tpu.memory_space<vmem>>, vector<16xf32>,
        %add3A_230 = arith.addf %get3A_227, %get3A_229 : vector<16xf32>
        %swap3A_231 = arith.constant 416 : index
        %swap3A_232 = tpu.vector_load %arg21[%swap3A_231] {strides = array<i32>} : memref<640xf32, #tpu.memory_space<vmem>>, vector<16xf32>,
        tpu.vector_store %arg21[%swap3A_231], %add3A_230 {strides = array<i32>} : memref<640xf32, #tpu.memory_space<vmem>>, vector<16xf32>,
        %get3A_233 = arith.constant 432 : index
        %get3A_234 = tpu.vector_load %arg21[%get3A_233] {strides = array<i32>} : memref<640xf32, #tpu.memory_space<vmem>>, vector<16xf32>,
        %get3A_235 = arith.constant 432 : index
        %get3A_236 = tpu.vector_load %arg20[%get3A_235] {strides = array<i32>} : memref<640xf32, #tpu.memory_space<vmem>>, vector<16xf32>,
        %add3A_237 = arith.addf %get3A_234, %get3A_236 : vector<16xf32>
        %swap3A_238 = arith.constant 432 : index
        %swap3A_239 = tpu.vector_load %arg21[%swap3A_238] {strides = array<i32>} : memref<640xf32, #tpu.memory_space<vmem>>, vector<16xf32>,
        tpu.vector_store %arg21[%swap3A_238], %add3A_237 {strides = array<i32>} : memref<640xf32, #tpu.memory_space<vmem>>, vector<16xf32>,
        %get3A_240 = arith.constant 448 : index
        %get3A_241 = tpu.vector_load %arg21[%get3A_240] {strides = array<i32>} : memref<640xf32, #tpu.memory_space<vmem>>, vector<16xf32>,
        %get3A_242 = arith.constant 448 : index
        %get3A_243 = tpu.vector_load %arg20[%get3A_242] {strides = array<i32>} : memref<640xf32, #tpu.memory_space<vmem>>, vector<16xf32>,
        %add3A_244 = arith.addf %get3A_241, %get3A_243 : vector<16xf32>
        %swap3A_245 = arith.constant 448 : index
        %swap3A_246 = tpu.vector_load %arg21[%swap3A_245] {strides = array<i32>} : memref<640xf32, #tpu.memory_space<vmem>>, vector<16xf32>,
        tpu.vector_store %arg21[%swap3A_245], %add3A_244 {strides = array<i32>} : memref<640xf32, #tpu.memory_space<vmem>>, vector<16xf32>,
        %get3A_247 = arith.constant 464 : index
        %get3A_248 = tpu.vector_load %arg21[%get3A_247] {strides = array<i32>} : memref<640xf32, #tpu.memory_space<vmem>>, vector<16xf32>,
        %get3A_249 = arith.constant 464 : index
        %get3A_250 = tpu.vector_load %arg20[%get3A_249] {strides = array<i32>} : memref<640xf32, #tpu.memory_space<vmem>>, vector<16xf32>,
        %add3A_251 = arith.addf %get3A_248, %get3A_250 : vector<16xf32>
        %swap3A_252 = arith.constant 464 : index
        %swap3A_253 = tpu.vector_load %arg21[%swap3A_252] {strides = array<i32>} : memref<640xf32, #tpu.memory_space<vmem>>, vector<16xf32>,
        tpu.vector_store %arg21[%swap3A_252], %add3A_251 {strides = array<i32>} : memref<640xf32, #tpu.memory_space<vmem>>, vector<16xf32>,
        %get3A_254 = arith.constant 480 : index
        %get3A_255 = tpu.vector_load %arg21[%get3A_254] {strides = array<i32>} : memref<640xf32, #tpu.memory_space<vmem>>, vector<16xf32>,
        %get3A_256 = arith.constant 480 : index
        %get3A_257 = tpu.vector_load %arg20[%get3A_256] {strides = array<i32>} : memref<640xf32, #tpu.memory_space<vmem>>, vector<16xf32>,
        %add3A_258 = arith.addf %get3A_255, %get3A_257 : vector<16xf32>
        %swap3A_259 = arith.constant 480 : index
        %swap3A_260 = tpu.vector_load %arg21[%swap3A_259] {strides = array<i32>} : memref<640xf32, #tpu.memory_space<vmem>>, vector<16xf32>,
        tpu.vector_store %arg21[%swap3A_259], %add3A_258 {strides = array<i32>} : memref<640xf32, #tpu.memory_space<vmem>>, vector<16xf32>,
        %get3A_261 = arith.constant 496 : index
        %get3A_262 = tpu.vector_load %arg21[%get3A_261] {strides = array<i32>} : memref<640xf32, #tpu.memory_space<vmem>>, vector<16xf32>,
        %get3A_263 = arith.constant 496 : index
        %get3A_264 = tpu.vector_load %arg20[%get3A_263] {strides = array<i32>} : memref<640xf32, #tpu.memory_space<vmem>>, vector<16xf32>,
        %add3A_265 = arith.addf %get3A_262, %get3A_264 : vector<16xf32>
        %swap3A_266 = arith.constant 496 : index
        %swap3A_267 = tpu.vector_load %arg21[%swap3A_266] {strides = array<i32>} : memref<640xf32, #tpu.memory_space<vmem>>, vector<16xf32>,
        tpu.vector_store %arg21[%swap3A_266], %add3A_265 {strides = array<i32>} : memref<640xf32, #tpu.memory_space<vmem>>, vector<16xf32>,
        %get3A_268 = arith.constant 512 : index
        %get3A_269 = tpu.vector_load %arg21[%get3A_268] {strides = array<i32>} : memref<640xf32, #tpu.memory_space<vmem>>, vector<16xf32>,
        %get3A_270 = arith.constant 512 : index
        %get3A_271 = tpu.vector_load %arg20[%get3A_270] {strides = array<i32>} : memref<640xf32, #tpu.memory_space<vmem>>, vector<16xf32>,
        %add3A_272 = arith.addf %get3A_269, %get3A_271 : vector<16xf32>
        %swap3A_273 = arith.constant 512 : index
        %swap3A_274 = tpu.vector_load %arg21[%swap3A_273] {strides = array<i32>} : memref<640xf32, #tpu.memory_space<vmem>>, vector<16xf32>,
        tpu.vector_store %arg21[%swap3A_273], %add3A_272 {strides = array<i32>} : memref<640xf32, #tpu.memory_space<vmem>>, vector<16xf32>,
        %get3A_275 = arith.constant 528 : index
        %get3A_276 = tpu.vector_load %arg21[%get3A_275] {strides = array<i32>} : memref<640xf32, #tpu.memory_space<vmem>>, vector<16xf32>,
        %get3A_277 = arith.constant 528 : index
        %get3A_278 = tpu.vector_load %arg20[%get3A_277] {strides = array<i32>} : memref<640xf32, #tpu.memory_space<vmem>>, vector<16xf32>,
        %add3A_279 = arith.addf %get3A_276, %get3A_278 : vector<16xf32>
        %swap3A_280 = arith.constant 528 : index
        %swap3A_281 = tpu.vector_load %arg21[%swap3A_280] {strides = array<i32>} : memref<640xf32, #tpu.memory_space<vmem>>, vector<16xf32>,
        tpu.vector_store %arg21[%swap3A_280], %add3A_279 {strides = array<i32>} : memref<640xf32, #tpu.memory_space<vmem>>, vector<16xf32>,
        %get3A_282 = arith.constant 544 : index
        %get3A_283 = tpu.vector_load %arg21[%get3A_282] {strides = array<i32>} : memref<640xf32, #tpu.memory_space<vmem>>, vector<16xf32>,
        %get3A_284 = arith.constant 544 : index
        %get3A_285 = tpu.vector_load %arg20[%get3A_284] {strides = array<i32>} : memref<640xf32, #tpu.memory_space<vmem>>, vector<16xf32>,
        %add3A_286 = arith.addf %get3A_283, %get3A_285 : vector<16xf32>
        %swap3A_287 = arith.constant 544 : index
        %swap3A_288 = tpu.vector_load %arg21[%swap3A_287] {strides = array<i32>} : memref<640xf32, #tpu.memory_space<vmem>>, vector<16xf32>,
        tpu.vector_store %arg21[%swap3A_287], %add3A_286 {strides = array<i32>} : memref<640xf32, #tpu.memory_space<vmem>>, vector<16xf32>,
        %get3A_289 = arith.constant 560 : index
        %get3A_290 = tpu.vector_load %arg21[%get3A_289] {strides = array<i32>} : memref<640xf32, #tpu.memory_space<vmem>>, vector<16xf32>,
        %get3A_291 = arith.constant 560 : index
        %get3A_292 = tpu.vector_load %arg20[%get3A_291] {strides = array<i32>} : memref<640xf32, #tpu.memory_space<vmem>>, vector<16xf32>,
        %add3A_293 = arith.addf %get3A_290, %get3A_292 : vector<16xf32>
        %swap3A_294 = arith.constant 560 : index
        %swap3A_295 = tpu.vector_load %arg21[%swap3A_294] {strides = array<i32>} : memref<640xf32, #tpu.memory_space<vmem>>, vector<16xf32>,
        tpu.vector_store %arg21[%swap3A_294], %add3A_293 {strides = array<i32>} : memref<640xf32, #tpu.memory_space<vmem>>, vector<16xf32>,
        %get3A_296 = arith.constant 576 : index
        %get3A_297 = tpu.vector_load %arg21[%get3A_296] {strides = array<i32>} : memref<640xf32, #tpu.memory_space<vmem>>, vector<16xf32>,
        %get3A_298 = arith.constant 576 : index
        %get3A_299 = tpu.vector_load %arg20[%get3A_298] {strides = array<i32>} : memref<640xf32, #tpu.memory_space<vmem>>, vector<16xf32>,
        %add3A_300 = arith.addf %get3A_297, %get3A_299 : vector<16xf32>
        %swap3A_301 = arith.constant 576 : index
        %swap3A_302 = tpu.vector_load %arg21[%swap3A_301] {strides = array<i32>} : memref<640xf32, #tpu.memory_space<vmem>>, vector<16xf32>,
        tpu.vector_store %arg21[%swap3A_301], %add3A_300 {strides = array<i32>} : memref<640xf32, #tpu.memory_space<vmem>>, vector<16xf32>,
        %get3A_303 = arith.constant 592 : index
        %get3A_304 = tpu.vector_load %arg21[%get3A_303] {strides = array<i32>} : memref<640xf32, #tpu.memory_space<vmem>>, vector<16xf32>,
        %get3A_305 = arith.constant 592 : index
        %get3A_306 = tpu.vector_load %arg20[%get3A_305] {strides = array<i32>} : memref<640xf32, #tpu.memory_space<vmem>>, vector<16xf32>,
        %add3A_307 = arith.addf %get3A_304, %get3A_306 : vector<16xf32>
        %swap3A_308 = arith.constant 592 : index
        %swap3A_309 = tpu.vector_load %arg21[%swap3A_308] {strides = array<i32>} : memref<640xf32, #tpu.memory_space<vmem>>, vector<16xf32>,
        tpu.vector_store %arg21[%swap3A_308], %add3A_307 {strides = array<i32>} : memref<640xf32, #tpu.memory_space<vmem>>, vector<16xf32>,
        %get3A_310 = arith.constant 608 : index
        %get3A_311 = tpu.vector_load %arg21[%get3A_310] {strides = array<i32>} : memref<640xf32, #tpu.memory_space<vmem>>, vector<16xf32>,
        %get3A_312 = arith.constant 608 : index
        %get3A_313 = tpu.vector_load %arg20[%get3A_312] {strides = array<i32>} : memref<640xf32, #tpu.memory_space<vmem>>, vector<16xf32>,
        %add3A_314 = arith.addf %get3A_311, %get3A_313 : vector<16xf32>
        %swap3A_315 = arith.constant 608 : index
        %swap3A_316 = tpu.vector_load %arg21[%swap3A_315] {strides = array<i32>} : memref<640xf32, #tpu.memory_space<vmem>>, vector<16xf32>,
        tpu.vector_store %arg21[%swap3A_315], %add3A_314 {strides = array<i32>} : memref<640xf32, #tpu.memory_space<vmem>>, vector<16xf32>,
        %get3A_317 = arith.constant 624 : index
        %get3A_318 = tpu.vector_load %arg21[%get3A_317] {strides = array<i32>} : memref<640xf32, #tpu.memory_space<vmem>>, vector<16xf32>,
        %get3A_319 = arith.constant 624 : index
        %get3A_320 = tpu.vector_load %arg20[%get3A_319] {strides = array<i32>} : memref<640xf32, #tpu.memory_space<vmem>>, vector<16xf32>,
        %add3A_321 = arith.addf %get3A_318, %get3A_320 : vector<16xf32>
        %swap3A_322 = arith.constant 624 : index
        %swap3A_323 = tpu.vector_load %arg21[%swap3A_322] {strides = array<i32>} : memref<640xf32, #tpu.memory_space<vmem>>, vector<16xf32>,
        tpu.vector_store %arg21[%swap3A_322], %add3A_321 {strides = array<i32>} : memref<640xf32, #tpu.memory_space<vmem>>, vector<16xf32>,
      }
      %scan3A_35 = arith.constant 15 : i32
      %scan3A_36 = arith.constant 0 : i32
      %scan3A_37 = arith.constant 0 : i32
      %scan3A_38 = arith.constant 40 : i32
      %scan3A_39 = arith.addi %scan3A_37, %scan3A_38 : i32
      %scan3A_40 = arith.constant 1 : i32
      scf.for %scan3A_42 = %scan3A_37 to %scan3A_39 step %scan3A_40  : i32 {
        %mul3A_43 = arith.constant 16 : i32
        %mul3A_44 = arith.muli %scan3A_42, %mul3A_43 : i32
        %add3A_45 = arith.constant 0 : i32
        %add3A_46 = arith.addi %mul3A_44, %add3A_45 : i32
        %broadcast_in_dim3A_47 = vector.broadcast %add3A_46 : i32 to vector<16xi32>
        %gather3A = tpu.vector_load_idx %arg21[%broadcast_in_dim3A_47] : memref<640xf32, #tpu.memory_space<vmem>>[vector<16xi32>], vector<16xf32>,
        %swap3A = arith.constant 0 : i32
        %swap3A_48 = arith.index_cast %swap3A : i32 to index
        %swap3A_49 = arith.constant 0 : index
        %swap3A_50 = tpu.vector_load %arg22[%swap3A_48, %swap3A_49] {strides = array<i32>} : memref<16x128xf32, #tpu.memory_space<vmem>>, vector<16xf32>,
        tpu.vector_store %arg22[%swap3A_48, %swap3A_49], %gather3A {strides = array<i32>} : memref<16x128xf32, #tpu.memory_space<vmem>>, vector<16xf32>,
        %swap3A_51 = arith.constant 0 : i32
        %swap3A_52 = arith.index_cast %swap3A_51 : i32 to index
        %swap3A_53 = arith.constant 16 : index
        %swap3A_54 = tpu.vector_load %arg22[%swap3A_52, %swap3A_53] {strides = array<i32>} : memref<16x128xf32, #tpu.memory_space<vmem>>, vector<16xf32>,
        tpu.vector_store %arg22[%swap3A_52, %swap3A_53], %gather3A {strides = array<i32>} : memref<16x128xf32, #tpu.memory_space<vmem>>, vector<16xf32>,
        %swap3A_55 = arith.constant 0 : i32
        %swap3A_56 = arith.index_cast %swap3A_55 : i32 to index
        %swap3A_57 = arith.constant 32 : index
        %swap3A_58 = tpu.vector_load %arg22[%swap3A_56, %swap3A_57] {strides = array<i32>} : memref<16x128xf32, #tpu.memory_space<vmem>>, vector<16xf32>,
        tpu.vector_store %arg22[%swap3A_56, %swap3A_57], %gather3A {strides = array<i32>} : memref<16x128xf32, #tpu.memory_space<vmem>>, vector<16xf32>,
        %swap3A_59 = arith.constant 0 : i32
        %swap3A_60 = arith.index_cast %swap3A_59 : i32 to index
        %swap3A_61 = arith.constant 48 : index
        %swap3A_62 = tpu.vector_load %arg22[%swap3A_60, %swap3A_61] {strides = array<i32>} : memref<16x128xf32, #tpu.memory_space<vmem>>, vector<16xf32>,
        tpu.vector_store %arg22[%swap3A_60, %swap3A_61], %gather3A {strides = array<i32>} : memref<16x128xf32, #tpu.memory_space<vmem>>, vector<16xf32>,
        %swap3A_63 = arith.constant 0 : i32
        %swap3A_64 = arith.index_cast %swap3A_63 : i32 to index
        %swap3A_65 = arith.constant 64 : index
        %swap3A_66 = tpu.vector_load %arg22[%swap3A_64, %swap3A_65] {strides = array<i32>} : memref<16x128xf32, #tpu.memory_space<vmem>>, vector<16xf32>,
        tpu.vector_store %arg22[%swap3A_64, %swap3A_65], %gather3A {strides = array<i32>} : memref<16x128xf32, #tpu.memory_space<vmem>>, vector<16xf32>,
        %swap3A_67 = arith.constant 0 : i32
        %swap3A_68 = arith.index_cast %swap3A_67 : i32 to index
        %swap3A_69 = arith.constant 80 : index
        %swap3A_70 = tpu.vector_load %arg22[%swap3A_68, %swap3A_69] {strides = array<i32>} : memref<16x128xf32, #tpu.memory_space<vmem>>, vector<16xf32>,
        tpu.vector_store %arg22[%swap3A_68, %swap3A_69], %gather3A {strides = array<i32>} : memref<16x128xf32, #tpu.memory_space<vmem>>, vector<16xf32>,
        %swap3A_71 = arith.constant 0 : i32
        %swap3A_72 = arith.index_cast %swap3A_71 : i32 to index
        %swap3A_73 = arith.constant 96 : index
        %swap3A_74 = tpu.vector_load %arg22[%swap3A_72, %swap3A_73] {strides = array<i32>} : memref<16x128xf32, #tpu.memory_space<vmem>>, vector<16xf32>,
        tpu.vector_store %arg22[%swap3A_72, %swap3A_73], %gather3A {strides = array<i32>} : memref<16x128xf32, #tpu.memory_space<vmem>>, vector<16xf32>,
        %swap3A_75 = arith.constant 0 : i32
        %swap3A_76 = arith.index_cast %swap3A_75 : i32 to index
        %swap3A_77 = arith.constant 112 : index
        %swap3A_78 = tpu.vector_load %arg22[%swap3A_76, %swap3A_77] {strides = array<i32>} : memref<16x128xf32, #tpu.memory_space<vmem>>, vector<16xf32>,
        tpu.vector_store %arg22[%swap3A_76, %swap3A_77], %gather3A {strides = array<i32>} : memref<16x128xf32, #tpu.memory_space<vmem>>, vector<16xf32>,
        %mul3A_79 = arith.constant 16 : i32
        %mul3A_80 = arith.muli %scan3A_42, %mul3A_79 : i32
        %add3A_81 = arith.constant 1 : i32
        %add3A_82 = arith.addi %mul3A_80, %add3A_81 : i32
        %broadcast_in_dim3A_83 = vector.broadcast %add3A_82 : i32 to vector<16xi32>
        %gather3A_84 = tpu.vector_load_idx %arg21[%broadcast_in_dim3A_83] : memref<640xf32, #tpu.memory_space<vmem>>[vector<16xi32>], vector<16xf32>,
        %swap3A_85 = arith.constant 1 : i32
        %swap3A_86 = arith.index_cast %swap3A_85 : i32 to index
        %swap3A_87 = arith.constant 0 : index
        %swap3A_88 = tpu.vector_load %arg22[%swap3A_86, %swap3A_87] {strides = array<i32>} : memref<16x128xf32, #tpu.memory_space<vmem>>, vector<16xf32>,
        tpu.vector_store %arg22[%swap3A_86, %swap3A_87], %gather3A_84 {strides = array<i32>} : memref<16x128xf32, #tpu.memory_space<vmem>>, vector<16xf32>,
        %swap3A_89 = arith.constant 1 : i32
        %swap3A_90 = arith.index_cast %swap3A_89 : i32 to index
        %swap3A_91 = arith.constant 16 : index
        %swap3A_92 = tpu.vector_load %arg22[%swap3A_90, %swap3A_91] {strides = array<i32>} : memref<16x128xf32, #tpu.memory_space<vmem>>, vector<16xf32>,
        tpu.vector_store %arg22[%swap3A_90, %swap3A_91], %gather3A_84 {strides = array<i32>} : memref<16x128xf32, #tpu.memory_space<vmem>>, vector<16xf32>,
        %swap3A_93 = arith.constant 1 : i32
        %swap3A_94 = arith.index_cast %swap3A_93 : i32 to index
        %swap3A_95 = arith.constant 32 : index
        %swap3A_96 = tpu.vector_load %arg22[%swap3A_94, %swap3A_95] {strides = array<i32>} : memref<16x128xf32, #tpu.memory_space<vmem>>, vector<16xf32>,
        tpu.vector_store %arg22[%swap3A_94, %swap3A_95], %gather3A_84 {strides = array<i32>} : memref<16x128xf32, #tpu.memory_space<vmem>>, vector<16xf32>,
        %swap3A_97 = arith.constant 1 : i32
        %swap3A_98 = arith.index_cast %swap3A_97 : i32 to index
        %swap3A_99 = arith.constant 48 : index
        %swap3A_100 = tpu.vector_load %arg22[%swap3A_98, %swap3A_99] {strides = array<i32>} : memref<16x128xf32, #tpu.memory_space<vmem>>, vector<16xf32>,
        tpu.vector_store %arg22[%swap3A_98, %swap3A_99], %gather3A_84 {strides = array<i32>} : memref<16x128xf32, #tpu.memory_space<vmem>>, vector<16xf32>,
        %swap3A_101 = arith.constant 1 : i32
        %swap3A_102 = arith.index_cast %swap3A_101 : i32 to index
        %swap3A_103 = arith.constant 64 : index
        %swap3A_104 = tpu.vector_load %arg22[%swap3A_102, %swap3A_103] {strides = array<i32>} : memref<16x128xf32, #tpu.memory_space<vmem>>, vector<16xf32>,
        tpu.vector_store %arg22[%swap3A_102, %swap3A_103], %gather3A_84 {strides = array<i32>} : memref<16x128xf32, #tpu.memory_space<vmem>>, vector<16xf32>,
        %swap3A_105 = arith.constant 1 : i32
        %swap3A_106 = arith.index_cast %swap3A_105 : i32 to index
        %swap3A_107 = arith.constant 80 : index
        %swap3A_108 = tpu.vector_load %arg22[%swap3A_106, %swap3A_107] {strides = array<i32>} : memref<16x128xf32, #tpu.memory_space<vmem>>, vector<16xf32>,
        tpu.vector_store %arg22[%swap3A_106, %swap3A_107], %gather3A_84 {strides = array<i32>} : memref<16x128xf32, #tpu.memory_space<vmem>>, vector<16xf32>,
        %swap3A_109 = arith.constant 1 : i32
        %swap3A_110 = arith.index_cast %swap3A_109 : i32 to index
        %swap3A_111 = arith.constant 96 : index
        %swap3A_112 = tpu.vector_load %arg22[%swap3A_110, %swap3A_111] {strides = array<i32>} : memref<16x128xf32, #tpu.memory_space<vmem>>, vector<16xf32>,
        tpu.vector_store %arg22[%swap3A_110, %swap3A_111], %gather3A_84 {strides = array<i32>} : memref<16x128xf32, #tpu.memory_space<vmem>>, vector<16xf32>,
        %swap3A_113 = arith.constant 1 : i32
        %swap3A_114 = arith.index_cast %swap3A_113 : i32 to index
        %swap3A_115 = arith.constant 112 : index
        %swap3A_116 = tpu.vector_load %arg22[%swap3A_114, %swap3A_115] {strides = array<i32>} : memref<16x128xf32, #tpu.memory_space<vmem>>, vector<16xf32>,
        tpu.vector_store %arg22[%swap3A_114, %swap3A_115], %gather3A_84 {strides = array<i32>} : memref<16x128xf32, #tpu.memory_space<vmem>>, vector<16xf32>,
        %mul3A_117 = arith.constant 16 : i32
        %mul3A_118 = arith.muli %scan3A_42, %mul3A_117 : i32
        %add3A_119 = arith.constant 2 : i32
        %add3A_120 = arith.addi %mul3A_118, %add3A_119 : i32
        %broadcast_in_dim3A_121 = vector.broadcast %add3A_120 : i32 to vector<16xi32>
        %gather3A_122 = tpu.vector_load_idx %arg21[%broadcast_in_dim3A_121] : memref<640xf32, #tpu.memory_space<vmem>>[vector<16xi32>], vector<16xf32>,
        %swap3A_123 = arith.constant 2 : i32
        %swap3A_124 = arith.index_cast %swap3A_123 : i32 to index
        %swap3A_125 = arith.constant 0 : index
        %swap3A_126 = tpu.vector_load %arg22[%swap3A_124, %swap3A_125] {strides = array<i32>} : memref<16x128xf32, #tpu.memory_space<vmem>>, vector<16xf32>,
        tpu.vector_store %arg22[%swap3A_124, %swap3A_125], %gather3A_122 {strides = array<i32>} : memref<16x128xf32, #tpu.memory_space<vmem>>, vector<16xf32>,
        %swap3A_127 = arith.constant 2 : i32
        %swap3A_128 = arith.index_cast %swap3A_127 : i32 to index
        %swap3A_129 = arith.constant 16 : index
        %swap3A_130 = tpu.vector_load %arg22[%swap3A_128, %swap3A_129] {strides = array<i32>} : memref<16x128xf32, #tpu.memory_space<vmem>>, vector<16xf32>,
        tpu.vector_store %arg22[%swap3A_128, %swap3A_129], %gather3A_122 {strides = array<i32>} : memref<16x128xf32, #tpu.memory_space<vmem>>, vector<16xf32>,
        %swap3A_131 = arith.constant 2 : i32
        %swap3A_132 = arith.index_cast %swap3A_131 : i32 to index
        %swap3A_133 = arith.constant 32 : index
        %swap3A_134 = tpu.vector_load %arg22[%swap3A_132, %swap3A_133] {strides = array<i32>} : memref<16x128xf32, #tpu.memory_space<vmem>>, vector<16xf32>,
        tpu.vector_store %arg22[%swap3A_132, %swap3A_133], %gather3A_122 {strides = array<i32>} : memref<16x128xf32, #tpu.memory_space<vmem>>, vector<16xf32>,
        %swap3A_135 = arith.constant 2 : i32
        %swap3A_136 = arith.index_cast %swap3A_135 : i32 to index
        %swap3A_137 = arith.constant 48 : index
        %swap3A_138 = tpu.vector_load %arg22[%swap3A_136, %swap3A_137] {strides = array<i32>} : memref<16x128xf32, #tpu.memory_space<vmem>>, vector<16xf32>,
        tpu.vector_store %arg22[%swap3A_136, %swap3A_137], %gather3A_122 {strides = array<i32>} : memref<16x128xf32, #tpu.memory_space<vmem>>, vector<16xf32>,
        %swap3A_139 = arith.constant 2 : i32
        %swap3A_140 = arith.index_cast %swap3A_139 : i32 to index
        %swap3A_141 = arith.constant 64 : index
        %swap3A_142 = tpu.vector_load %arg22[%swap3A_140, %swap3A_141] {strides = array<i32>} : memref<16x128xf32, #tpu.memory_space<vmem>>, vector<16xf32>,
        tpu.vector_store %arg22[%swap3A_140, %swap3A_141], %gather3A_122 {strides = array<i32>} : memref<16x128xf32, #tpu.memory_space<vmem>>, vector<16xf32>,
        %swap3A_143 = arith.constant 2 : i32
        %swap3A_144 = arith.index_cast %swap3A_143 : i32 to index
        %swap3A_145 = arith.constant 80 : index
        %swap3A_146 = tpu.vector_load %arg22[%swap3A_144, %swap3A_145] {strides = array<i32>} : memref<16x128xf32, #tpu.memory_space<vmem>>, vector<16xf32>,
        tpu.vector_store %arg22[%swap3A_144, %swap3A_145], %gather3A_122 {strides = array<i32>} : memref<16x128xf32, #tpu.memory_space<vmem>>, vector<16xf32>,
        %swap3A_147 = arith.constant 2 : i32
        %swap3A_148 = arith.index_cast %swap3A_147 : i32 to index
        %swap3A_149 = arith.constant 96 : index
        %swap3A_150 = tpu.vector_load %arg22[%swap3A_148, %swap3A_149] {strides = array<i32>} : memref<16x128xf32, #tpu.memory_space<vmem>>, vector<16xf32>,
        tpu.vector_store %arg22[%swap3A_148, %swap3A_149], %gather3A_122 {strides = array<i32>} : memref<16x128xf32, #tpu.memory_space<vmem>>, vector<16xf32>,
        %swap3A_151 = arith.constant 2 : i32
        %swap3A_152 = arith.index_cast %swap3A_151 : i32 to index
        %swap3A_153 = arith.constant 112 : index
        %swap3A_154 = tpu.vector_load %arg22[%swap3A_152, %swap3A_153] {strides = array<i32>} : memref<16x128xf32, #tpu.memory_space<vmem>>, vector<16xf32>,
        tpu.vector_store %arg22[%swap3A_152, %swap3A_153], %gather3A_122 {strides = array<i32>} : memref<16x128xf32, #tpu.memory_space<vmem>>, vector<16xf32>,
        %mul3A_155 = arith.constant 16 : i32
        %mul3A_156 = arith.muli %scan3A_42, %mul3A_155 : i32
        %add3A_157 = arith.constant 3 : i32
        %add3A_158 = arith.addi %mul3A_156, %add3A_157 : i32
        %broadcast_in_dim3A_159 = vector.broadcast %add3A_158 : i32 to vector<16xi32>
        %gather3A_160 = tpu.vector_load_idx %arg21[%broadcast_in_dim3A_159] : memref<640xf32, #tpu.memory_space<vmem>>[vector<16xi32>], vector<16xf32>,
        %swap3A_161 = arith.constant 3 : i32
        %swap3A_162 = arith.index_cast %swap3A_161 : i32 to index
        %swap3A_163 = arith.constant 0 : index
        %swap3A_164 = tpu.vector_load %arg22[%swap3A_162, %swap3A_163] {strides = array<i32>} : memref<16x128xf32, #tpu.memory_space<vmem>>, vector<16xf32>,
        tpu.vector_store %arg22[%swap3A_162, %swap3A_163], %gather3A_160 {strides = array<i32>} : memref<16x128xf32, #tpu.memory_space<vmem>>, vector<16xf32>,
        %swap3A_165 = arith.constant 3 : i32
        %swap3A_166 = arith.index_cast %swap3A_165 : i32 to index
        %swap3A_167 = arith.constant 16 : index
        %swap3A_168 = tpu.vector_load %arg22[%swap3A_166, %swap3A_167] {strides = array<i32>} : memref<16x128xf32, #tpu.memory_space<vmem>>, vector<16xf32>,
        tpu.vector_store %arg22[%swap3A_166, %swap3A_167], %gather3A_160 {strides = array<i32>} : memref<16x128xf32, #tpu.memory_space<vmem>>, vector<16xf32>,
        %swap3A_169 = arith.constant 3 : i32
        %swap3A_170 = arith.index_cast %swap3A_169 : i32 to index
        %swap3A_171 = arith.constant 32 : index
        %swap3A_172 = tpu.vector_load %arg22[%swap3A_170, %swap3A_171] {strides = array<i32>} : memref<16x128xf32, #tpu.memory_space<vmem>>, vector<16xf32>,
        tpu.vector_store %arg22[%swap3A_170, %swap3A_171], %gather3A_160 {strides = array<i32>} : memref<16x128xf32, #tpu.memory_space<vmem>>, vector<16xf32>,
        %swap3A_173 = arith.constant 3 : i32
        %swap3A_174 = arith.index_cast %swap3A_173 : i32 to index
        %swap3A_175 = arith.constant 48 : index
        %swap3A_176 = tpu.vector_load %arg22[%swap3A_174, %swap3A_175] {strides = array<i32>} : memref<16x128xf32, #tpu.memory_space<vmem>>, vector<16xf32>,
        tpu.vector_store %arg22[%swap3A_174, %swap3A_175], %gather3A_160 {strides = array<i32>} : memref<16x128xf32, #tpu.memory_space<vmem>>, vector<16xf32>,
        %swap3A_177 = arith.constant 3 : i32
        %swap3A_178 = arith.index_cast %swap3A_177 : i32 to index
        %swap3A_179 = arith.constant 64 : index
        %swap3A_180 = tpu.vector_load %arg22[%swap3A_178, %swap3A_179] {strides = array<i32>} : memref<16x128xf32, #tpu.memory_space<vmem>>, vector<16xf32>,
        tpu.vector_store %arg22[%swap3A_178, %swap3A_179], %gather3A_160 {strides = array<i32>} : memref<16x128xf32, #tpu.memory_space<vmem>>, vector<16xf32>,
        %swap3A_181 = arith.constant 3 : i32
        %swap3A_182 = arith.index_cast %swap3A_181 : i32 to index
        %swap3A_183 = arith.constant 80 : index
        %swap3A_184 = tpu.vector_load %arg22[%swap3A_182, %swap3A_183] {strides = array<i32>} : memref<16x128xf32, #tpu.memory_space<vmem>>, vector<16xf32>,
        tpu.vector_store %arg22[%swap3A_182, %swap3A_183], %gather3A_160 {strides = array<i32>} : memref<16x128xf32, #tpu.memory_space<vmem>>, vector<16xf32>,
        %swap3A_185 = arith.constant 3 : i32
        %swap3A_186 = arith.index_cast %swap3A_185 : i32 to index
        %swap3A_187 = arith.constant 96 : index
        %swap3A_188 = tpu.vector_load %arg22[%swap3A_186, %swap3A_187] {strides = array<i32>} : memref<16x128xf32, #tpu.memory_space<vmem>>, vector<16xf32>,
        tpu.vector_store %arg22[%swap3A_186, %swap3A_187], %gather3A_160 {strides = array<i32>} : memref<16x128xf32, #tpu.memory_space<vmem>>, vector<16xf32>,
        %swap3A_189 = arith.constant 3 : i32
        %swap3A_190 = arith.index_cast %swap3A_189 : i32 to index
        %swap3A_191 = arith.constant 112 : index
        %swap3A_192 = tpu.vector_load %arg22[%swap3A_190, %swap3A_191] {strides = array<i32>} : memref<16x128xf32, #tpu.memory_space<vmem>>, vector<16xf32>,
        tpu.vector_store %arg22[%swap3A_190, %swap3A_191], %gather3A_160 {strides = array<i32>} : memref<16x128xf32, #tpu.memory_space<vmem>>, vector<16xf32>,
        %mul3A_193 = arith.constant 16 : i32
        %mul3A_194 = arith.muli %scan3A_42, %mul3A_193 : i32
        %add3A_195 = arith.constant 4 : i32
        %add3A_196 = arith.addi %mul3A_194, %add3A_195 : i32
        %broadcast_in_dim3A_197 = vector.broadcast %add3A_196 : i32 to vector<16xi32>
        %gather3A_198 = tpu.vector_load_idx %arg21[%broadcast_in_dim3A_197] : memref<640xf32, #tpu.memory_space<vmem>>[vector<16xi32>], vector<16xf32>,
        %swap3A_199 = arith.constant 4 : i32
        %swap3A_200 = arith.index_cast %swap3A_199 : i32 to index
        %swap3A_201 = arith.constant 0 : index
        %swap3A_202 = tpu.vector_load %arg22[%swap3A_200, %swap3A_201] {strides = array<i32>} : memref<16x128xf32, #tpu.memory_space<vmem>>, vector<16xf32>,
        tpu.vector_store %arg22[%swap3A_200, %swap3A_201], %gather3A_198 {strides = array<i32>} : memref<16x128xf32, #tpu.memory_space<vmem>>, vector<16xf32>,
        %swap3A_203 = arith.constant 4 : i32
        %swap3A_204 = arith.index_cast %swap3A_203 : i32 to index
        %swap3A_205 = arith.constant 16 : index
        %swap3A_206 = tpu.vector_load %arg22[%swap3A_204, %swap3A_205] {strides = array<i32>} : memref<16x128xf32, #tpu.memory_space<vmem>>, vector<16xf32>,
        tpu.vector_store %arg22[%swap3A_204, %swap3A_205], %gather3A_198 {strides = array<i32>} : memref<16x128xf32, #tpu.memory_space<vmem>>, vector<16xf32>,
        %swap3A_207 = arith.constant 4 : i32
        %swap3A_208 = arith.index_cast %swap3A_207 : i32 to index
        %swap3A_209 = arith.constant 32 : index
        %swap3A_210 = tpu.vector_load %arg22[%swap3A_208, %swap3A_209] {strides = array<i32>} : memref<16x128xf32, #tpu.memory_space<vmem>>, vector<16xf32>,
        tpu.vector_store %arg22[%swap3A_208, %swap3A_209], %gather3A_198 {strides = array<i32>} : memref<16x128xf32, #tpu.memory_space<vmem>>, vector<16xf32>,
        %swap3A_211 = arith.constant 4 : i32
        %swap3A_212 = arith.index_cast %swap3A_211 : i32 to index
        %swap3A_213 = arith.constant 48 : index
        %swap3A_214 = tpu.vector_load %arg22[%swap3A_212, %swap3A_213] {strides = array<i32>} : memref<16x128xf32, #tpu.memory_space<vmem>>, vector<16xf32>,
        tpu.vector_store %arg22[%swap3A_212, %swap3A_213], %gather3A_198 {strides = array<i32>} : memref<16x128xf32, #tpu.memory_space<vmem>>, vector<16xf32>,
        %swap3A_215 = arith.constant 4 : i32
        %swap3A_216 = arith.index_cast %swap3A_215 : i32 to index
        %swap3A_217 = arith.constant 64 : index
        %swap3A_218 = tpu.vector_load %arg22[%swap3A_216, %swap3A_217] {strides = array<i32>} : memref<16x128xf32, #tpu.memory_space<vmem>>, vector<16xf32>,
        tpu.vector_store %arg22[%swap3A_216, %swap3A_217], %gather3A_198 {strides = array<i32>} : memref<16x128xf32, #tpu.memory_space<vmem>>, vector<16xf32>,
        %swap3A_219 = arith.constant 4 : i32
        %swap3A_220 = arith.index_cast %swap3A_219 : i32 to index
        %swap3A_221 = arith.constant 80 : index
        %swap3A_222 = tpu.vector_load %arg22[%swap3A_220, %swap3A_221] {strides = array<i32>} : memref<16x128xf32, #tpu.memory_space<vmem>>, vector<16xf32>,
        tpu.vector_store %arg22[%swap3A_220, %swap3A_221], %gather3A_198 {strides = array<i32>} : memref<16x128xf32, #tpu.memory_space<vmem>>, vector<16xf32>,
        %swap3A_223 = arith.constant 4 : i32
        %swap3A_224 = arith.index_cast %swap3A_223 : i32 to index
        %swap3A_225 = arith.constant 96 : index
        %swap3A_226 = tpu.vector_load %arg22[%swap3A_224, %swap3A_225] {strides = array<i32>} : memref<16x128xf32, #tpu.memory_space<vmem>>, vector<16xf32>,
        tpu.vector_store %arg22[%swap3A_224, %swap3A_225], %gather3A_198 {strides = array<i32>} : memref<16x128xf32, #tpu.memory_space<vmem>>, vector<16xf32>,
        %swap3A_227 = arith.constant 4 : i32
        %swap3A_228 = arith.index_cast %swap3A_227 : i32 to index
        %swap3A_229 = arith.constant 112 : index
        %swap3A_230 = tpu.vector_load %arg22[%swap3A_228, %swap3A_229] {strides = array<i32>} : memref<16x128xf32, #tpu.memory_space<vmem>>, vector<16xf32>,
        tpu.vector_store %arg22[%swap3A_228, %swap3A_229], %gather3A_198 {strides = array<i32>} : memref<16x128xf32, #tpu.memory_space<vmem>>, vector<16xf32>,
        %mul3A_231 = arith.constant 16 : i32
        %mul3A_232 = arith.muli %scan3A_42, %mul3A_231 : i32
        %add3A_233 = arith.constant 5 : i32
        %add3A_234 = arith.addi %mul3A_232, %add3A_233 : i32
        %broadcast_in_dim3A_235 = vector.broadcast %add3A_234 : i32 to vector<16xi32>
        %gather3A_236 = tpu.vector_load_idx %arg21[%broadcast_in_dim3A_235] : memref<640xf32, #tpu.memory_space<vmem>>[vector<16xi32>], vector<16xf32>,
        %swap3A_237 = arith.constant 5 : i32
        %swap3A_238 = arith.index_cast %swap3A_237 : i32 to index
        %swap3A_239 = arith.constant 0 : index
        %swap3A_240 = tpu.vector_load %arg22[%swap3A_238, %swap3A_239] {strides = array<i32>} : memref<16x128xf32, #tpu.memory_space<vmem>>, vector<16xf32>,
        tpu.vector_store %arg22[%swap3A_238, %swap3A_239], %gather3A_236 {strides = array<i32>} : memref<16x128xf32, #tpu.memory_space<vmem>>, vector<16xf32>,
        %swap3A_241 = arith.constant 5 : i32
        %swap3A_242 = arith.index_cast %swap3A_241 : i32 to index
        %swap3A_243 = arith.constant 16 : index
        %swap3A_244 = tpu.vector_load %arg22[%swap3A_242, %swap3A_243] {strides = array<i32>} : memref<16x128xf32, #tpu.memory_space<vmem>>, vector<16xf32>,
        tpu.vector_store %arg22[%swap3A_242, %swap3A_243], %gather3A_236 {strides = array<i32>} : memref<16x128xf32, #tpu.memory_space<vmem>>, vector<16xf32>,
        %swap3A_245 = arith.constant 5 : i32
        %swap3A_246 = arith.index_cast %swap3A_245 : i32 to index
        %swap3A_247 = arith.constant 32 : index
        %swap3A_248 = tpu.vector_load %arg22[%swap3A_246, %swap3A_247] {strides = array<i32>} : memref<16x128xf32, #tpu.memory_space<vmem>>, vector<16xf32>,
        tpu.vector_store %arg22[%swap3A_246, %swap3A_247], %gather3A_236 {strides = array<i32>} : memref<16x128xf32, #tpu.memory_space<vmem>>, vector<16xf32>,
        %swap3A_249 = arith.constant 5 : i32
        %swap3A_250 = arith.index_cast %swap3A_249 : i32 to index
        %swap3A_251 = arith.constant 48 : index
        %swap3A_252 = tpu.vector_load %arg22[%swap3A_250, %swap3A_251] {strides = array<i32>} : memref<16x128xf32, #tpu.memory_space<vmem>>, vector<16xf32>,
        tpu.vector_store %arg22[%swap3A_250, %swap3A_251], %gather3A_236 {strides = array<i32>} : memref<16x128xf32, #tpu.memory_space<vmem>>, vector<16xf32>,
        %swap3A_253 = arith.constant 5 : i32
        %swap3A_254 = arith.index_cast %swap3A_253 : i32 to index
        %swap3A_255 = arith.constant 64 : index
        %swap3A_256 = tpu.vector_load %arg22[%swap3A_254, %swap3A_255] {strides = array<i32>} : memref<16x128xf32, #tpu.memory_space<vmem>>, vector<16xf32>,
        tpu.vector_store %arg22[%swap3A_254, %swap3A_255], %gather3A_236 {strides = array<i32>} : memref<16x128xf32, #tpu.memory_space<vmem>>, vector<16xf32>,
        %swap3A_257 = arith.constant 5 : i32
        %swap3A_258 = arith.index_cast %swap3A_257 : i32 to index
        %swap3A_259 = arith.constant 80 : index
        %swap3A_260 = tpu.vector_load %arg22[%swap3A_258, %swap3A_259] {strides = array<i32>} : memref<16x128xf32, #tpu.memory_space<vmem>>, vector<16xf32>,
        tpu.vector_store %arg22[%swap3A_258, %swap3A_259], %gather3A_236 {strides = array<i32>} : memref<16x128xf32, #tpu.memory_space<vmem>>, vector<16xf32>,
        %swap3A_261 = arith.constant 5 : i32
        %swap3A_262 = arith.index_cast %swap3A_261 : i32 to index
        %swap3A_263 = arith.constant 96 : index
        %swap3A_264 = tpu.vector_load %arg22[%swap3A_262, %swap3A_263] {strides = array<i32>} : memref<16x128xf32, #tpu.memory_space<vmem>>, vector<16xf32>,
        tpu.vector_store %arg22[%swap3A_262, %swap3A_263], %gather3A_236 {strides = array<i32>} : memref<16x128xf32, #tpu.memory_space<vmem>>, vector<16xf32>,
        %swap3A_265 = arith.constant 5 : i32
        %swap3A_266 = arith.index_cast %swap3A_265 : i32 to index
        %swap3A_267 = arith.constant 112 : index
        %swap3A_268 = tpu.vector_load %arg22[%swap3A_266, %swap3A_267] {strides = array<i32>} : memref<16x128xf32, #tpu.memory_space<vmem>>, vector<16xf32>,
        tpu.vector_store %arg22[%swap3A_266, %swap3A_267], %gather3A_236 {strides = array<i32>} : memref<16x128xf32, #tpu.memory_space<vmem>>, vector<16xf32>,
        %mul3A_269 = arith.constant 16 : i32
        %mul3A_270 = arith.muli %scan3A_42, %mul3A_269 : i32
        %add3A_271 = arith.constant 6 : i32
        %add3A_272 = arith.addi %mul3A_270, %add3A_271 : i32
        %broadcast_in_dim3A_273 = vector.broadcast %add3A_272 : i32 to vector<16xi32>
        %gather3A_274 = tpu.vector_load_idx %arg21[%broadcast_in_dim3A_273] : memref<640xf32, #tpu.memory_space<vmem>>[vector<16xi32>], vector<16xf32>,
        %swap3A_275 = arith.constant 6 : i32
        %swap3A_276 = arith.index_cast %swap3A_275 : i32 to index
        %swap3A_277 = arith.constant 0 : index
        %swap3A_278 = tpu.vector_load %arg22[%swap3A_276, %swap3A_277] {strides = array<i32>} : memref<16x128xf32, #tpu.memory_space<vmem>>, vector<16xf32>,
        tpu.vector_store %arg22[%swap3A_276, %swap3A_277], %gather3A_274 {strides = array<i32>} : memref<16x128xf32, #tpu.memory_space<vmem>>, vector<16xf32>,
        %swap3A_279 = arith.constant 6 : i32
        %swap3A_280 = arith.index_cast %swap3A_279 : i32 to index
        %swap3A_281 = arith.constant 16 : index
        %swap3A_282 = tpu.vector_load %arg22[%swap3A_280, %swap3A_281] {strides = array<i32>} : memref<16x128xf32, #tpu.memory_space<vmem>>, vector<16xf32>,
        tpu.vector_store %arg22[%swap3A_280, %swap3A_281], %gather3A_274 {strides = array<i32>} : memref<16x128xf32, #tpu.memory_space<vmem>>, vector<16xf32>,
        %swap3A_283 = arith.constant 6 : i32
        %swap3A_284 = arith.index_cast %swap3A_283 : i32 to index
        %swap3A_285 = arith.constant 32 : index
        %swap3A_286 = tpu.vector_load %arg22[%swap3A_284, %swap3A_285] {strides = array<i32>} : memref<16x128xf32, #tpu.memory_space<vmem>>, vector<16xf32>,
        tpu.vector_store %arg22[%swap3A_284, %swap3A_285], %gather3A_274 {strides = array<i32>} : memref<16x128xf32, #tpu.memory_space<vmem>>, vector<16xf32>,
        %swap3A_287 = arith.constant 6 : i32
        %swap3A_288 = arith.index_cast %swap3A_287 : i32 to index
        %swap3A_289 = arith.constant 48 : index
        %swap3A_290 = tpu.vector_load %arg22[%swap3A_288, %swap3A_289] {strides = array<i32>} : memref<16x128xf32, #tpu.memory_space<vmem>>, vector<16xf32>,
        tpu.vector_store %arg22[%swap3A_288, %swap3A_289], %gather3A_274 {strides = array<i32>} : memref<16x128xf32, #tpu.memory_space<vmem>>, vector<16xf32>,
        %swap3A_291 = arith.constant 6 : i32
        %swap3A_292 = arith.index_cast %swap3A_291 : i32 to index
        %swap3A_293 = arith.constant 64 : index
        %swap3A_294 = tpu.vector_load %arg22[%swap3A_292, %swap3A_293] {strides = array<i32>} : memref<16x128xf32, #tpu.memory_space<vmem>>, vector<16xf32>,
        tpu.vector_store %arg22[%swap3A_292, %swap3A_293], %gather3A_274 {strides = array<i32>} : memref<16x128xf32, #tpu.memory_space<vmem>>, vector<16xf32>,
        %swap3A_295 = arith.constant 6 : i32
        %swap3A_296 = arith.index_cast %swap3A_295 : i32 to index
        %swap3A_297 = arith.constant 80 : index
        %swap3A_298 = tpu.vector_load %arg22[%swap3A_296, %swap3A_297] {strides = array<i32>} : memref<16x128xf32, #tpu.memory_space<vmem>>, vector<16xf32>,
        tpu.vector_store %arg22[%swap3A_296, %swap3A_297], %gather3A_274 {strides = array<i32>} : memref<16x128xf32, #tpu.memory_space<vmem>>, vector<16xf32>,
        %swap3A_299 = arith.constant 6 : i32
        %swap3A_300 = arith.index_cast %swap3A_299 : i32 to index
        %swap3A_301 = arith.constant 96 : index
        %swap3A_302 = tpu.vector_load %arg22[%swap3A_300, %swap3A_301] {strides = array<i32>} : memref<16x128xf32, #tpu.memory_space<vmem>>, vector<16xf32>,
        tpu.vector_store %arg22[%swap3A_300, %swap3A_301], %gather3A_274 {strides = array<i32>} : memref<16x128xf32, #tpu.memory_space<vmem>>, vector<16xf32>,
        %swap3A_303 = arith.constant 6 : i32
        %swap3A_304 = arith.index_cast %swap3A_303 : i32 to index
        %swap3A_305 = arith.constant 112 : index
        %swap3A_306 = tpu.vector_load %arg22[%swap3A_304, %swap3A_305] {strides = array<i32>} : memref<16x128xf32, #tpu.memory_space<vmem>>, vector<16xf32>,
        tpu.vector_store %arg22[%swap3A_304, %swap3A_305], %gather3A_274 {strides = array<i32>} : memref<16x128xf32, #tpu.memory_space<vmem>>, vector<16xf32>,
        %mul3A_307 = arith.constant 16 : i32
        %mul3A_308 = arith.muli %scan3A_42, %mul3A_307 : i32
        %add3A_309 = arith.constant 7 : i32
        %add3A_310 = arith.addi %mul3A_308, %add3A_309 : i32
        %broadcast_in_dim3A_311 = vector.broadcast %add3A_310 : i32 to vector<16xi32>
        %gather3A_312 = tpu.vector_load_idx %arg21[%broadcast_in_dim3A_311] : memref<640xf32, #tpu.memory_space<vmem>>[vector<16xi32>], vector<16xf32>,
        %swap3A_313 = arith.constant 7 : i32
        %swap3A_314 = arith.index_cast %swap3A_313 : i32 to index
        %swap3A_315 = arith.constant 0 : index
        %swap3A_316 = tpu.vector_load %arg22[%swap3A_314, %swap3A_315] {strides = array<i32>} : memref<16x128xf32, #tpu.memory_space<vmem>>, vector<16xf32>,
        tpu.vector_store %arg22[%swap3A_314, %swap3A_315], %gather3A_312 {strides = array<i32>} : memref<16x128xf32, #tpu.memory_space<vmem>>, vector<16xf32>,
        %swap3A_317 = arith.constant 7 : i32
        %swap3A_318 = arith.index_cast %swap3A_317 : i32 to index
        %swap3A_319 = arith.constant 16 : index
        %swap3A_320 = tpu.vector_load %arg22[%swap3A_318, %swap3A_319] {strides = array<i32>} : memref<16x128xf32, #tpu.memory_space<vmem>>, vector<16xf32>,
        tpu.vector_store %arg22[%swap3A_318, %swap3A_319], %gather3A_312 {strides = array<i32>} : memref<16x128xf32, #tpu.memory_space<vmem>>, vector<16xf32>,
        %swap3A_321 = arith.constant 7 : i32
        %swap3A_322 = arith.index_cast %swap3A_321 : i32 to index
        %swap3A_323 = arith.constant 32 : index
        %swap3A_324 = tpu.vector_load %arg22[%swap3A_322, %swap3A_323] {strides = array<i32>} : memref<16x128xf32, #tpu.memory_space<vmem>>, vector<16xf32>,
        tpu.vector_store %arg22[%swap3A_322, %swap3A_323], %gather3A_312 {strides = array<i32>} : memref<16x128xf32, #tpu.memory_space<vmem>>, vector<16xf32>,
        %swap3A_325 = arith.constant 7 : i32
        %swap3A_326 = arith.index_cast %swap3A_325 : i32 to index
        %swap3A_327 = arith.constant 48 : index
        %swap3A_328 = tpu.vector_load %arg22[%swap3A_326, %swap3A_327] {strides = array<i32>} : memref<16x128xf32, #tpu.memory_space<vmem>>, vector<16xf32>,
        tpu.vector_store %arg22[%swap3A_326, %swap3A_327], %gather3A_312 {strides = array<i32>} : memref<16x128xf32, #tpu.memory_space<vmem>>, vector<16xf32>,
        %swap3A_329 = arith.constant 7 : i32
        %swap3A_330 = arith.index_cast %swap3A_329 : i32 to index
        %swap3A_331 = arith.constant 64 : index
        %swap3A_332 = tpu.vector_load %arg22[%swap3A_330, %swap3A_331] {strides = array<i32>} : memref<16x128xf32, #tpu.memory_space<vmem>>, vector<16xf32>,
        tpu.vector_store %arg22[%swap3A_330, %swap3A_331], %gather3A_312 {strides = array<i32>} : memref<16x128xf32, #tpu.memory_space<vmem>>, vector<16xf32>,
        %swap3A_333 = arith.constant 7 : i32
        %swap3A_334 = arith.index_cast %swap3A_333 : i32 to index
        %swap3A_335 = arith.constant 80 : index
        %swap3A_336 = tpu.vector_load %arg22[%swap3A_334, %swap3A_335] {strides = array<i32>} : memref<16x128xf32, #tpu.memory_space<vmem>>, vector<16xf32>,
        tpu.vector_store %arg22[%swap3A_334, %swap3A_335], %gather3A_312 {strides = array<i32>} : memref<16x128xf32, #tpu.memory_space<vmem>>, vector<16xf32>,
        %swap3A_337 = arith.constant 7 : i32
        %swap3A_338 = arith.index_cast %swap3A_337 : i32 to index
        %swap3A_339 = arith.constant 96 : index
        %swap3A_340 = tpu.vector_load %arg22[%swap3A_338, %swap3A_339] {strides = array<i32>} : memref<16x128xf32, #tpu.memory_space<vmem>>, vector<16xf32>,
        tpu.vector_store %arg22[%swap3A_338, %swap3A_339], %gather3A_312 {strides = array<i32>} : memref<16x128xf32, #tpu.memory_space<vmem>>, vector<16xf32>,
        %swap3A_341 = arith.constant 7 : i32
        %swap3A_342 = arith.index_cast %swap3A_341 : i32 to index
        %swap3A_343 = arith.constant 112 : index
        %swap3A_344 = tpu.vector_load %arg22[%swap3A_342, %swap3A_343] {strides = array<i32>} : memref<16x128xf32, #tpu.memory_space<vmem>>, vector<16xf32>,
        tpu.vector_store %arg22[%swap3A_342, %swap3A_343], %gather3A_312 {strides = array<i32>} : memref<16x128xf32, #tpu.memory_space<vmem>>, vector<16xf32>,
        %mul3A_345 = arith.constant 16 : i32
        %mul3A_346 = arith.muli %scan3A_42, %mul3A_345 : i32
        %add3A_347 = arith.constant 8 : i32
        %add3A_348 = arith.addi %mul3A_346, %add3A_347 : i32
        %broadcast_in_dim3A_349 = vector.broadcast %add3A_348 : i32 to vector<16xi32>
        %gather3A_350 = tpu.vector_load_idx %arg21[%broadcast_in_dim3A_349] : memref<640xf32, #tpu.memory_space<vmem>>[vector<16xi32>], vector<16xf32>,
        %swap3A_351 = arith.constant 8 : i32
        %swap3A_352 = arith.index_cast %swap3A_351 : i32 to index
        %swap3A_353 = arith.constant 0 : index
        %swap3A_354 = tpu.vector_load %arg22[%swap3A_352, %swap3A_353] {strides = array<i32>} : memref<16x128xf32, #tpu.memory_space<vmem>>, vector<16xf32>,
        tpu.vector_store %arg22[%swap3A_352, %swap3A_353], %gather3A_350 {strides = array<i32>} : memref<16x128xf32, #tpu.memory_space<vmem>>, vector<16xf32>,
        %swap3A_355 = arith.constant 8 : i32
        %swap3A_356 = arith.index_cast %swap3A_355 : i32 to index
        %swap3A_357 = arith.constant 16 : index
        %swap3A_358 = tpu.vector_load %arg22[%swap3A_356, %swap3A_357] {strides = array<i32>} : memref<16x128xf32, #tpu.memory_space<vmem>>, vector<16xf32>,
        tpu.vector_store %arg22[%swap3A_356, %swap3A_357], %gather3A_350 {strides = array<i32>} : memref<16x128xf32, #tpu.memory_space<vmem>>, vector<16xf32>,
        %swap3A_359 = arith.constant 8 : i32
        %swap3A_360 = arith.index_cast %swap3A_359 : i32 to index
        %swap3A_361 = arith.constant 32 : index
        %swap3A_362 = tpu.vector_load %arg22[%swap3A_360, %swap3A_361] {strides = array<i32>} : memref<16x128xf32, #tpu.memory_space<vmem>>, vector<16xf32>,
        tpu.vector_store %arg22[%swap3A_360, %swap3A_361], %gather3A_350 {strides = array<i32>} : memref<16x128xf32, #tpu.memory_space<vmem>>, vector<16xf32>,
        %swap3A_363 = arith.constant 8 : i32
        %swap3A_364 = arith.index_cast %swap3A_363 : i32 to index
        %swap3A_365 = arith.constant 48 : index
        %swap3A_366 = tpu.vector_load %arg22[%swap3A_364, %swap3A_365] {strides = array<i32>} : memref<16x128xf32, #tpu.memory_space<vmem>>, vector<16xf32>,
        tpu.vector_store %arg22[%swap3A_364, %swap3A_365], %gather3A_350 {strides = array<i32>} : memref<16x128xf32, #tpu.memory_space<vmem>>, vector<16xf32>,
        %swap3A_367 = arith.constant 8 : i32
        %swap3A_368 = arith.index_cast %swap3A_367 : i32 to index
        %swap3A_369 = arith.constant 64 : index
        %swap3A_370 = tpu.vector_load %arg22[%swap3A_368, %swap3A_369] {strides = array<i32>} : memref<16x128xf32, #tpu.memory_space<vmem>>, vector<16xf32>,
        tpu.vector_store %arg22[%swap3A_368, %swap3A_369], %gather3A_350 {strides = array<i32>} : memref<16x128xf32, #tpu.memory_space<vmem>>, vector<16xf32>,
        %swap3A_371 = arith.constant 8 : i32
        %swap3A_372 = arith.index_cast %swap3A_371 : i32 to index
        %swap3A_373 = arith.constant 80 : index
        %swap3A_374 = tpu.vector_load %arg22[%swap3A_372, %swap3A_373] {strides = array<i32>} : memref<16x128xf32, #tpu.memory_space<vmem>>, vector<16xf32>,
        tpu.vector_store %arg22[%swap3A_372, %swap3A_373], %gather3A_350 {strides = array<i32>} : memref<16x128xf32, #tpu.memory_space<vmem>>, vector<16xf32>,
        %swap3A_375 = arith.constant 8 : i32
        %swap3A_376 = arith.index_cast %swap3A_375 : i32 to index
        %swap3A_377 = arith.constant 96 : index
        %swap3A_378 = tpu.vector_load %arg22[%swap3A_376, %swap3A_377] {strides = array<i32>} : memref<16x128xf32, #tpu.memory_space<vmem>>, vector<16xf32>,
        tpu.vector_store %arg22[%swap3A_376, %swap3A_377], %gather3A_350 {strides = array<i32>} : memref<16x128xf32, #tpu.memory_space<vmem>>, vector<16xf32>,
        %swap3A_379 = arith.constant 8 : i32
        %swap3A_380 = arith.index_cast %swap3A_379 : i32 to index
        %swap3A_381 = arith.constant 112 : index
        %swap3A_382 = tpu.vector_load %arg22[%swap3A_380, %swap3A_381] {strides = array<i32>} : memref<16x128xf32, #tpu.memory_space<vmem>>, vector<16xf32>,
        tpu.vector_store %arg22[%swap3A_380, %swap3A_381], %gather3A_350 {strides = array<i32>} : memref<16x128xf32, #tpu.memory_space<vmem>>, vector<16xf32>,
        %mul3A_383 = arith.constant 16 : i32
        %mul3A_384 = arith.muli %scan3A_42, %mul3A_383 : i32
        %add3A_385 = arith.constant 9 : i32
        %add3A_386 = arith.addi %mul3A_384, %add3A_385 : i32
        %broadcast_in_dim3A_387 = vector.broadcast %add3A_386 : i32 to vector<16xi32>
        %gather3A_388 = tpu.vector_load_idx %arg21[%broadcast_in_dim3A_387] : memref<640xf32, #tpu.memory_space<vmem>>[vector<16xi32>], vector<16xf32>,
        %swap3A_389 = arith.constant 9 : i32
        %swap3A_390 = arith.index_cast %swap3A_389 : i32 to index
        %swap3A_391 = arith.constant 0 : index
        %swap3A_392 = tpu.vector_load %arg22[%swap3A_390, %swap3A_391] {strides = array<i32>} : memref<16x128xf32, #tpu.memory_space<vmem>>, vector<16xf32>,
        tpu.vector_store %arg22[%swap3A_390, %swap3A_391], %gather3A_388 {strides = array<i32>} : memref<16x128xf32, #tpu.memory_space<vmem>>, vector<16xf32>,
        %swap3A_393 = arith.constant 9 : i32
        %swap3A_394 = arith.index_cast %swap3A_393 : i32 to index
        %swap3A_395 = arith.constant 16 : index
        %swap3A_396 = tpu.vector_load %arg22[%swap3A_394, %swap3A_395] {strides = array<i32>} : memref<16x128xf32, #tpu.memory_space<vmem>>, vector<16xf32>,
        tpu.vector_store %arg22[%swap3A_394, %swap3A_395], %gather3A_388 {strides = array<i32>} : memref<16x128xf32, #tpu.memory_space<vmem>>, vector<16xf32>,
        %swap3A_397 = arith.constant 9 : i32
        %swap3A_398 = arith.index_cast %swap3A_397 : i32 to index
        %swap3A_399 = arith.constant 32 : index
        %swap3A_400 = tpu.vector_load %arg22[%swap3A_398, %swap3A_399] {strides = array<i32>} : memref<16x128xf32, #tpu.memory_space<vmem>>, vector<16xf32>,
        tpu.vector_store %arg22[%swap3A_398, %swap3A_399], %gather3A_388 {strides = array<i32>} : memref<16x128xf32, #tpu.memory_space<vmem>>, vector<16xf32>,
        %swap3A_401 = arith.constant 9 : i32
        %swap3A_402 = arith.index_cast %swap3A_401 : i32 to index
        %swap3A_403 = arith.constant 48 : index
        %swap3A_404 = tpu.vector_load %arg22[%swap3A_402, %swap3A_403] {strides = array<i32>} : memref<16x128xf32, #tpu.memory_space<vmem>>, vector<16xf32>,
        tpu.vector_store %arg22[%swap3A_402, %swap3A_403], %gather3A_388 {strides = array<i32>} : memref<16x128xf32, #tpu.memory_space<vmem>>, vector<16xf32>,
        %swap3A_405 = arith.constant 9 : i32
        %swap3A_406 = arith.index_cast %swap3A_405 : i32 to index
        %swap3A_407 = arith.constant 64 : index
        %swap3A_408 = tpu.vector_load %arg22[%swap3A_406, %swap3A_407] {strides = array<i32>} : memref<16x128xf32, #tpu.memory_space<vmem>>, vector<16xf32>,
        tpu.vector_store %arg22[%swap3A_406, %swap3A_407], %gather3A_388 {strides = array<i32>} : memref<16x128xf32, #tpu.memory_space<vmem>>, vector<16xf32>,
        %swap3A_409 = arith.constant 9 : i32
        %swap3A_410 = arith.index_cast %swap3A_409 : i32 to index
        %swap3A_411 = arith.constant 80 : index
        %swap3A_412 = tpu.vector_load %arg22[%swap3A_410, %swap3A_411] {strides = array<i32>} : memref<16x128xf32, #tpu.memory_space<vmem>>, vector<16xf32>,
        tpu.vector_store %arg22[%swap3A_410, %swap3A_411], %gather3A_388 {strides = array<i32>} : memref<16x128xf32, #tpu.memory_space<vmem>>, vector<16xf32>,
        %swap3A_413 = arith.constant 9 : i32
        %swap3A_414 = arith.index_cast %swap3A_413 : i32 to index
        %swap3A_415 = arith.constant 96 : index
        %swap3A_416 = tpu.vector_load %arg22[%swap3A_414, %swap3A_415] {strides = array<i32>} : memref<16x128xf32, #tpu.memory_space<vmem>>, vector<16xf32>,
        tpu.vector_store %arg22[%swap3A_414, %swap3A_415], %gather3A_388 {strides = array<i32>} : memref<16x128xf32, #tpu.memory_space<vmem>>, vector<16xf32>,
        %swap3A_417 = arith.constant 9 : i32
        %swap3A_418 = arith.index_cast %swap3A_417 : i32 to index
        %swap3A_419 = arith.constant 112 : index
        %swap3A_420 = tpu.vector_load %arg22[%swap3A_418, %swap3A_419] {strides = array<i32>} : memref<16x128xf32, #tpu.memory_space<vmem>>, vector<16xf32>,
        tpu.vector_store %arg22[%swap3A_418, %swap3A_419], %gather3A_388 {strides = array<i32>} : memref<16x128xf32, #tpu.memory_space<vmem>>, vector<16xf32>,
        %mul3A_421 = arith.constant 16 : i32
        %mul3A_422 = arith.muli %scan3A_42, %mul3A_421 : i32
        %add3A_423 = arith.constant 10 : i32
        %add3A_424 = arith.addi %mul3A_422, %add3A_423 : i32
        %broadcast_in_dim3A_425 = vector.broadcast %add3A_424 : i32 to vector<16xi32>
        %gather3A_426 = tpu.vector_load_idx %arg21[%broadcast_in_dim3A_425] : memref<640xf32, #tpu.memory_space<vmem>>[vector<16xi32>], vector<16xf32>,
        %swap3A_427 = arith.constant 10 : i32
        %swap3A_428 = arith.index_cast %swap3A_427 : i32 to index
        %swap3A_429 = arith.constant 0 : index
        %swap3A_430 = tpu.vector_load %arg22[%swap3A_428, %swap3A_429] {strides = array<i32>} : memref<16x128xf32, #tpu.memory_space<vmem>>, vector<16xf32>,
        tpu.vector_store %arg22[%swap3A_428, %swap3A_429], %gather3A_426 {strides = array<i32>} : memref<16x128xf32, #tpu.memory_space<vmem>>, vector<16xf32>,
        %swap3A_431 = arith.constant 10 : i32
        %swap3A_432 = arith.index_cast %swap3A_431 : i32 to index
        %swap3A_433 = arith.constant 16 : index
        %swap3A_434 = tpu.vector_load %arg22[%swap3A_432, %swap3A_433] {strides = array<i32>} : memref<16x128xf32, #tpu.memory_space<vmem>>, vector<16xf32>,
        tpu.vector_store %arg22[%swap3A_432, %swap3A_433], %gather3A_426 {strides = array<i32>} : memref<16x128xf32, #tpu.memory_space<vmem>>, vector<16xf32>,
        %swap3A_435 = arith.constant 10 : i32
        %swap3A_436 = arith.index_cast %swap3A_435 : i32 to index
        %swap3A_437 = arith.constant 32 : index
        %swap3A_438 = tpu.vector_load %arg22[%swap3A_436, %swap3A_437] {strides = array<i32>} : memref<16x128xf32, #tpu.memory_space<vmem>>, vector<16xf32>,
        tpu.vector_store %arg22[%swap3A_436, %swap3A_437], %gather3A_426 {strides = array<i32>} : memref<16x128xf32, #tpu.memory_space<vmem>>, vector<16xf32>,
        %swap3A_439 = arith.constant 10 : i32
        %swap3A_440 = arith.index_cast %swap3A_439 : i32 to index
        %swap3A_441 = arith.constant 48 : index
        %swap3A_442 = tpu.vector_load %arg22[%swap3A_440, %swap3A_441] {strides = array<i32>} : memref<16x128xf32, #tpu.memory_space<vmem>>, vector<16xf32>,
        tpu.vector_store %arg22[%swap3A_440, %swap3A_441], %gather3A_426 {strides = array<i32>} : memref<16x128xf32, #tpu.memory_space<vmem>>, vector<16xf32>,
        %swap3A_443 = arith.constant 10 : i32
        %swap3A_444 = arith.index_cast %swap3A_443 : i32 to index
        %swap3A_445 = arith.constant 64 : index
        %swap3A_446 = tpu.vector_load %arg22[%swap3A_444, %swap3A_445] {strides = array<i32>} : memref<16x128xf32, #tpu.memory_space<vmem>>, vector<16xf32>,
        tpu.vector_store %arg22[%swap3A_444, %swap3A_445], %gather3A_426 {strides = array<i32>} : memref<16x128xf32, #tpu.memory_space<vmem>>, vector<16xf32>,
        %swap3A_447 = arith.constant 10 : i32
        %swap3A_448 = arith.index_cast %swap3A_447 : i32 to index
        %swap3A_449 = arith.constant 80 : index
        %swap3A_450 = tpu.vector_load %arg22[%swap3A_448, %swap3A_449] {strides = array<i32>} : memref<16x128xf32, #tpu.memory_space<vmem>>, vector<16xf32>,
        tpu.vector_store %arg22[%swap3A_448, %swap3A_449], %gather3A_426 {strides = array<i32>} : memref<16x128xf32, #tpu.memory_space<vmem>>, vector<16xf32>,
        %swap3A_451 = arith.constant 10 : i32
        %swap3A_452 = arith.index_cast %swap3A_451 : i32 to index
        %swap3A_453 = arith.constant 96 : index
        %swap3A_454 = tpu.vector_load %arg22[%swap3A_452, %swap3A_453] {strides = array<i32>} : memref<16x128xf32, #tpu.memory_space<vmem>>, vector<16xf32>,
        tpu.vector_store %arg22[%swap3A_452, %swap3A_453], %gather3A_426 {strides = array<i32>} : memref<16x128xf32, #tpu.memory_space<vmem>>, vector<16xf32>,
        %swap3A_455 = arith.constant 10 : i32
        %swap3A_456 = arith.index_cast %swap3A_455 : i32 to index
        %swap3A_457 = arith.constant 112 : index
        %swap3A_458 = tpu.vector_load %arg22[%swap3A_456, %swap3A_457] {strides = array<i32>} : memref<16x128xf32, #tpu.memory_space<vmem>>, vector<16xf32>,
        tpu.vector_store %arg22[%swap3A_456, %swap3A_457], %gather3A_426 {strides = array<i32>} : memref<16x128xf32, #tpu.memory_space<vmem>>, vector<16xf32>,
        %mul3A_459 = arith.constant 16 : i32
        %mul3A_460 = arith.muli %scan3A_42, %mul3A_459 : i32
        %add3A_461 = arith.constant 11 : i32
        %add3A_462 = arith.addi %mul3A_460, %add3A_461 : i32
        %broadcast_in_dim3A_463 = vector.broadcast %add3A_462 : i32 to vector<16xi32>
        %gather3A_464 = tpu.vector_load_idx %arg21[%broadcast_in_dim3A_463] : memref<640xf32, #tpu.memory_space<vmem>>[vector<16xi32>], vector<16xf32>,
        %swap3A_465 = arith.constant 11 : i32
        %swap3A_466 = arith.index_cast %swap3A_465 : i32 to index
        %swap3A_467 = arith.constant 0 : index
        %swap3A_468 = tpu.vector_load %arg22[%swap3A_466, %swap3A_467] {strides = array<i32>} : memref<16x128xf32, #tpu.memory_space<vmem>>, vector<16xf32>,
        tpu.vector_store %arg22[%swap3A_466, %swap3A_467], %gather3A_464 {strides = array<i32>} : memref<16x128xf32, #tpu.memory_space<vmem>>, vector<16xf32>,
        %swap3A_469 = arith.constant 11 : i32
        %swap3A_470 = arith.index_cast %swap3A_469 : i32 to index
        %swap3A_471 = arith.constant 16 : index
        %swap3A_472 = tpu.vector_load %arg22[%swap3A_470, %swap3A_471] {strides = array<i32>} : memref<16x128xf32, #tpu.memory_space<vmem>>, vector<16xf32>,
        tpu.vector_store %arg22[%swap3A_470, %swap3A_471], %gather3A_464 {strides = array<i32>} : memref<16x128xf32, #tpu.memory_space<vmem>>, vector<16xf32>,
        %swap3A_473 = arith.constant 11 : i32
        %swap3A_474 = arith.index_cast %swap3A_473 : i32 to index
        %swap3A_475 = arith.constant 32 : index
        %swap3A_476 = tpu.vector_load %arg22[%swap3A_474, %swap3A_475] {strides = array<i32>} : memref<16x128xf32, #tpu.memory_space<vmem>>, vector<16xf32>,
        tpu.vector_store %arg22[%swap3A_474, %swap3A_475], %gather3A_464 {strides = array<i32>} : memref<16x128xf32, #tpu.memory_space<vmem>>, vector<16xf32>,
        %swap3A_477 = arith.constant 11 : i32
        %swap3A_478 = arith.index_cast %swap3A_477 : i32 to index
        %swap3A_479 = arith.constant 48 : index
        %swap3A_480 = tpu.vector_load %arg22[%swap3A_478, %swap3A_479] {strides = array<i32>} : memref<16x128xf32, #tpu.memory_space<vmem>>, vector<16xf32>,
        tpu.vector_store %arg22[%swap3A_478, %swap3A_479], %gather3A_464 {strides = array<i32>} : memref<16x128xf32, #tpu.memory_space<vmem>>, vector<16xf32>,
        %swap3A_481 = arith.constant 11 : i32
        %swap3A_482 = arith.index_cast %swap3A_481 : i32 to index
        %swap3A_483 = arith.constant 64 : index
        %swap3A_484 = tpu.vector_load %arg22[%swap3A_482, %swap3A_483] {strides = array<i32>} : memref<16x128xf32, #tpu.memory_space<vmem>>, vector<16xf32>,
        tpu.vector_store %arg22[%swap3A_482, %swap3A_483], %gather3A_464 {strides = array<i32>} : memref<16x128xf32, #tpu.memory_space<vmem>>, vector<16xf32>,
        %swap3A_485 = arith.constant 11 : i32
        %swap3A_486 = arith.index_cast %swap3A_485 : i32 to index
        %swap3A_487 = arith.constant 80 : index
        %swap3A_488 = tpu.vector_load %arg22[%swap3A_486, %swap3A_487] {strides = array<i32>} : memref<16x128xf32, #tpu.memory_space<vmem>>, vector<16xf32>,
        tpu.vector_store %arg22[%swap3A_486, %swap3A_487], %gather3A_464 {strides = array<i32>} : memref<16x128xf32, #tpu.memory_space<vmem>>, vector<16xf32>,
        %swap3A_489 = arith.constant 11 : i32
        %swap3A_490 = arith.index_cast %swap3A_489 : i32 to index
        %swap3A_491 = arith.constant 96 : index
        %swap3A_492 = tpu.vector_load %arg22[%swap3A_490, %swap3A_491] {strides = array<i32>} : memref<16x128xf32, #tpu.memory_space<vmem>>, vector<16xf32>,
        tpu.vector_store %arg22[%swap3A_490, %swap3A_491], %gather3A_464 {strides = array<i32>} : memref<16x128xf32, #tpu.memory_space<vmem>>, vector<16xf32>,
        %swap3A_493 = arith.constant 11 : i32
        %swap3A_494 = arith.index_cast %swap3A_493 : i32 to index
        %swap3A_495 = arith.constant 112 : index
        %swap3A_496 = tpu.vector_load %arg22[%swap3A_494, %swap3A_495] {strides = array<i32>} : memref<16x128xf32, #tpu.memory_space<vmem>>, vector<16xf32>,
        tpu.vector_store %arg22[%swap3A_494, %swap3A_495], %gather3A_464 {strides = array<i32>} : memref<16x128xf32, #tpu.memory_space<vmem>>, vector<16xf32>,
        %mul3A_497 = arith.constant 16 : i32
        %mul3A_498 = arith.muli %scan3A_42, %mul3A_497 : i32
        %add3A_499 = arith.constant 12 : i32
        %add3A_500 = arith.addi %mul3A_498, %add3A_499 : i32
        %broadcast_in_dim3A_501 = vector.broadcast %add3A_500 : i32 to vector<16xi32>
        %gather3A_502 = tpu.vector_load_idx %arg21[%broadcast_in_dim3A_501] : memref<640xf32, #tpu.memory_space<vmem>>[vector<16xi32>], vector<16xf32>,
        %swap3A_503 = arith.constant 12 : i32
        %swap3A_504 = arith.index_cast %swap3A_503 : i32 to index
        %swap3A_505 = arith.constant 0 : index
        %swap3A_506 = tpu.vector_load %arg22[%swap3A_504, %swap3A_505] {strides = array<i32>} : memref<16x128xf32, #tpu.memory_space<vmem>>, vector<16xf32>,
        tpu.vector_store %arg22[%swap3A_504, %swap3A_505], %gather3A_502 {strides = array<i32>} : memref<16x128xf32, #tpu.memory_space<vmem>>, vector<16xf32>,
        %swap3A_507 = arith.constant 12 : i32
        %swap3A_508 = arith.index_cast %swap3A_507 : i32 to index
        %swap3A_509 = arith.constant 16 : index
        %swap3A_510 = tpu.vector_load %arg22[%swap3A_508, %swap3A_509] {strides = array<i32>} : memref<16x128xf32, #tpu.memory_space<vmem>>, vector<16xf32>,
        tpu.vector_store %arg22[%swap3A_508, %swap3A_509], %gather3A_502 {strides = array<i32>} : memref<16x128xf32, #tpu.memory_space<vmem>>, vector<16xf32>,
        %swap3A_511 = arith.constant 12 : i32
        %swap3A_512 = arith.index_cast %swap3A_511 : i32 to index
        %swap3A_513 = arith.constant 32 : index
        %swap3A_514 = tpu.vector_load %arg22[%swap3A_512, %swap3A_513] {strides = array<i32>} : memref<16x128xf32, #tpu.memory_space<vmem>>, vector<16xf32>,
        tpu.vector_store %arg22[%swap3A_512, %swap3A_513], %gather3A_502 {strides = array<i32>} : memref<16x128xf32, #tpu.memory_space<vmem>>, vector<16xf32>,
        %swap3A_515 = arith.constant 12 : i32
        %swap3A_516 = arith.index_cast %swap3A_515 : i32 to index
        %swap3A_517 = arith.constant 48 : index
        %swap3A_518 = tpu.vector_load %arg22[%swap3A_516, %swap3A_517] {strides = array<i32>} : memref<16x128xf32, #tpu.memory_space<vmem>>, vector<16xf32>,
        tpu.vector_store %arg22[%swap3A_516, %swap3A_517], %gather3A_502 {strides = array<i32>} : memref<16x128xf32, #tpu.memory_space<vmem>>, vector<16xf32>,
        %swap3A_519 = arith.constant 12 : i32
        %swap3A_520 = arith.index_cast %swap3A_519 : i32 to index
        %swap3A_521 = arith.constant 64 : index
        %swap3A_522 = tpu.vector_load %arg22[%swap3A_520, %swap3A_521] {strides = array<i32>} : memref<16x128xf32, #tpu.memory_space<vmem>>, vector<16xf32>,
        tpu.vector_store %arg22[%swap3A_520, %swap3A_521], %gather3A_502 {strides = array<i32>} : memref<16x128xf32, #tpu.memory_space<vmem>>, vector<16xf32>,
        %swap3A_523 = arith.constant 12 : i32
        %swap3A_524 = arith.index_cast %swap3A_523 : i32 to index
        %swap3A_525 = arith.constant 80 : index
        %swap3A_526 = tpu.vector_load %arg22[%swap3A_524, %swap3A_525] {strides = array<i32>} : memref<16x128xf32, #tpu.memory_space<vmem>>, vector<16xf32>,
        tpu.vector_store %arg22[%swap3A_524, %swap3A_525], %gather3A_502 {strides = array<i32>} : memref<16x128xf32, #tpu.memory_space<vmem>>, vector<16xf32>,
        %swap3A_527 = arith.constant 12 : i32
        %swap3A_528 = arith.index_cast %swap3A_527 : i32 to index
        %swap3A_529 = arith.constant 96 : index
        %swap3A_530 = tpu.vector_load %arg22[%swap3A_528, %swap3A_529] {strides = array<i32>} : memref<16x128xf32, #tpu.memory_space<vmem>>, vector<16xf32>,
        tpu.vector_store %arg22[%swap3A_528, %swap3A_529], %gather3A_502 {strides = array<i32>} : memref<16x128xf32, #tpu.memory_space<vmem>>, vector<16xf32>,
        %swap3A_531 = arith.constant 12 : i32
        %swap3A_532 = arith.index_cast %swap3A_531 : i32 to index
        %swap3A_533 = arith.constant 112 : index
        %swap3A_534 = tpu.vector_load %arg22[%swap3A_532, %swap3A_533] {strides = array<i32>} : memref<16x128xf32, #tpu.memory_space<vmem>>, vector<16xf32>,
        tpu.vector_store %arg22[%swap3A_532, %swap3A_533], %gather3A_502 {strides = array<i32>} : memref<16x128xf32, #tpu.memory_space<vmem>>, vector<16xf32>,
        %mul3A_535 = arith.constant 16 : i32
        %mul3A_536 = arith.muli %scan3A_42, %mul3A_535 : i32
        %add3A_537 = arith.constant 13 : i32
        %add3A_538 = arith.addi %mul3A_536, %add3A_537 : i32
        %broadcast_in_dim3A_539 = vector.broadcast %add3A_538 : i32 to vector<16xi32>
        %gather3A_540 = tpu.vector_load_idx %arg21[%broadcast_in_dim3A_539] : memref<640xf32, #tpu.memory_space<vmem>>[vector<16xi32>], vector<16xf32>,
        %swap3A_541 = arith.constant 13 : i32
        %swap3A_542 = arith.index_cast %swap3A_541 : i32 to index
        %swap3A_543 = arith.constant 0 : index
        %swap3A_544 = tpu.vector_load %arg22[%swap3A_542, %swap3A_543] {strides = array<i32>} : memref<16x128xf32, #tpu.memory_space<vmem>>, vector<16xf32>,
        tpu.vector_store %arg22[%swap3A_542, %swap3A_543], %gather3A_540 {strides = array<i32>} : memref<16x128xf32, #tpu.memory_space<vmem>>, vector<16xf32>,
        %swap3A_545 = arith.constant 13 : i32
        %swap3A_546 = arith.index_cast %swap3A_545 : i32 to index
        %swap3A_547 = arith.constant 16 : index
        %swap3A_548 = tpu.vector_load %arg22[%swap3A_546, %swap3A_547] {strides = array<i32>} : memref<16x128xf32, #tpu.memory_space<vmem>>, vector<16xf32>,
        tpu.vector_store %arg22[%swap3A_546, %swap3A_547], %gather3A_540 {strides = array<i32>} : memref<16x128xf32, #tpu.memory_space<vmem>>, vector<16xf32>,
        %swap3A_549 = arith.constant 13 : i32
        %swap3A_550 = arith.index_cast %swap3A_549 : i32 to index
        %swap3A_551 = arith.constant 32 : index
        %swap3A_552 = tpu.vector_load %arg22[%swap3A_550, %swap3A_551] {strides = array<i32>} : memref<16x128xf32, #tpu.memory_space<vmem>>, vector<16xf32>,
        tpu.vector_store %arg22[%swap3A_550, %swap3A_551], %gather3A_540 {strides = array<i32>} : memref<16x128xf32, #tpu.memory_space<vmem>>, vector<16xf32>,
        %swap3A_553 = arith.constant 13 : i32
        %swap3A_554 = arith.index_cast %swap3A_553 : i32 to index
        %swap3A_555 = arith.constant 48 : index
        %swap3A_556 = tpu.vector_load %arg22[%swap3A_554, %swap3A_555] {strides = array<i32>} : memref<16x128xf32, #tpu.memory_space<vmem>>, vector<16xf32>,
        tpu.vector_store %arg22[%swap3A_554, %swap3A_555], %gather3A_540 {strides = array<i32>} : memref<16x128xf32, #tpu.memory_space<vmem>>, vector<16xf32>,
        %swap3A_557 = arith.constant 13 : i32
        %swap3A_558 = arith.index_cast %swap3A_557 : i32 to index
        %swap3A_559 = arith.constant 64 : index
        %swap3A_560 = tpu.vector_load %arg22[%swap3A_558, %swap3A_559] {strides = array<i32>} : memref<16x128xf32, #tpu.memory_space<vmem>>, vector<16xf32>,
        tpu.vector_store %arg22[%swap3A_558, %swap3A_559], %gather3A_540 {strides = array<i32>} : memref<16x128xf32, #tpu.memory_space<vmem>>, vector<16xf32>,
        %swap3A_561 = arith.constant 13 : i32
        %swap3A_562 = arith.index_cast %swap3A_561 : i32 to index
        %swap3A_563 = arith.constant 80 : index
        %swap3A_564 = tpu.vector_load %arg22[%swap3A_562, %swap3A_563] {strides = array<i32>} : memref<16x128xf32, #tpu.memory_space<vmem>>, vector<16xf32>,
        tpu.vector_store %arg22[%swap3A_562, %swap3A_563], %gather3A_540 {strides = array<i32>} : memref<16x128xf32, #tpu.memory_space<vmem>>, vector<16xf32>,
        %swap3A_565 = arith.constant 13 : i32
        %swap3A_566 = arith.index_cast %swap3A_565 : i32 to index
        %swap3A_567 = arith.constant 96 : index
        %swap3A_568 = tpu.vector_load %arg22[%swap3A_566, %swap3A_567] {strides = array<i32>} : memref<16x128xf32, #tpu.memory_space<vmem>>, vector<16xf32>,
        tpu.vector_store %arg22[%swap3A_566, %swap3A_567], %gather3A_540 {strides = array<i32>} : memref<16x128xf32, #tpu.memory_space<vmem>>, vector<16xf32>,
        %swap3A_569 = arith.constant 13 : i32
        %swap3A_570 = arith.index_cast %swap3A_569 : i32 to index
        %swap3A_571 = arith.constant 112 : index
        %swap3A_572 = tpu.vector_load %arg22[%swap3A_570, %swap3A_571] {strides = array<i32>} : memref<16x128xf32, #tpu.memory_space<vmem>>, vector<16xf32>,
        tpu.vector_store %arg22[%swap3A_570, %swap3A_571], %gather3A_540 {strides = array<i32>} : memref<16x128xf32, #tpu.memory_space<vmem>>, vector<16xf32>,
        %mul3A_573 = arith.constant 16 : i32
        %mul3A_574 = arith.muli %scan3A_42, %mul3A_573 : i32
        %add3A_575 = arith.constant 14 : i32
        %add3A_576 = arith.addi %mul3A_574, %add3A_575 : i32
        %broadcast_in_dim3A_577 = vector.broadcast %add3A_576 : i32 to vector<16xi32>
        %gather3A_578 = tpu.vector_load_idx %arg21[%broadcast_in_dim3A_577] : memref<640xf32, #tpu.memory_space<vmem>>[vector<16xi32>], vector<16xf32>,
        %swap3A_579 = arith.constant 14 : i32
        %swap3A_580 = arith.index_cast %swap3A_579 : i32 to index
        %swap3A_581 = arith.constant 0 : index
        %swap3A_582 = tpu.vector_load %arg22[%swap3A_580, %swap3A_581] {strides = array<i32>} : memref<16x128xf32, #tpu.memory_space<vmem>>, vector<16xf32>,
        tpu.vector_store %arg22[%swap3A_580, %swap3A_581], %gather3A_578 {strides = array<i32>} : memref<16x128xf32, #tpu.memory_space<vmem>>, vector<16xf32>,
        %swap3A_583 = arith.constant 14 : i32
        %swap3A_584 = arith.index_cast %swap3A_583 : i32 to index
        %swap3A_585 = arith.constant 16 : index
        %swap3A_586 = tpu.vector_load %arg22[%swap3A_584, %swap3A_585] {strides = array<i32>} : memref<16x128xf32, #tpu.memory_space<vmem>>, vector<16xf32>,
        tpu.vector_store %arg22[%swap3A_584, %swap3A_585], %gather3A_578 {strides = array<i32>} : memref<16x128xf32, #tpu.memory_space<vmem>>, vector<16xf32>,
        %swap3A_587 = arith.constant 14 : i32
        %swap3A_588 = arith.index_cast %swap3A_587 : i32 to index
        %swap3A_589 = arith.constant 32 : index
        %swap3A_590 = tpu.vector_load %arg22[%swap3A_588, %swap3A_589] {strides = array<i32>} : memref<16x128xf32, #tpu.memory_space<vmem>>, vector<16xf32>,
        tpu.vector_store %arg22[%swap3A_588, %swap3A_589], %gather3A_578 {strides = array<i32>} : memref<16x128xf32, #tpu.memory_space<vmem>>, vector<16xf32>,
        %swap3A_591 = arith.constant 14 : i32
        %swap3A_592 = arith.index_cast %swap3A_591 : i32 to index
        %swap3A_593 = arith.constant 48 : index
        %swap3A_594 = tpu.vector_load %arg22[%swap3A_592, %swap3A_593] {strides = array<i32>} : memref<16x128xf32, #tpu.memory_space<vmem>>, vector<16xf32>,
        tpu.vector_store %arg22[%swap3A_592, %swap3A_593], %gather3A_578 {strides = array<i32>} : memref<16x128xf32, #tpu.memory_space<vmem>>, vector<16xf32>,
        %swap3A_595 = arith.constant 14 : i32
        %swap3A_596 = arith.index_cast %swap3A_595 : i32 to index
        %swap3A_597 = arith.constant 64 : index
        %swap3A_598 = tpu.vector_load %arg22[%swap3A_596, %swap3A_597] {strides = array<i32>} : memref<16x128xf32, #tpu.memory_space<vmem>>, vector<16xf32>,
        tpu.vector_store %arg22[%swap3A_596, %swap3A_597], %gather3A_578 {strides = array<i32>} : memref<16x128xf32, #tpu.memory_space<vmem>>, vector<16xf32>,
        %swap3A_599 = arith.constant 14 : i32
        %swap3A_600 = arith.index_cast %swap3A_599 : i32 to index
        %swap3A_601 = arith.constant 80 : index
        %swap3A_602 = tpu.vector_load %arg22[%swap3A_600, %swap3A_601] {strides = array<i32>} : memref<16x128xf32, #tpu.memory_space<vmem>>, vector<16xf32>,
        tpu.vector_store %arg22[%swap3A_600, %swap3A_601], %gather3A_578 {strides = array<i32>} : memref<16x128xf32, #tpu.memory_space<vmem>>, vector<16xf32>,
        %swap3A_603 = arith.constant 14 : i32
        %swap3A_604 = arith.index_cast %swap3A_603 : i32 to index
        %swap3A_605 = arith.constant 96 : index
        %swap3A_606 = tpu.vector_load %arg22[%swap3A_604, %swap3A_605] {strides = array<i32>} : memref<16x128xf32, #tpu.memory_space<vmem>>, vector<16xf32>,
        tpu.vector_store %arg22[%swap3A_604, %swap3A_605], %gather3A_578 {strides = array<i32>} : memref<16x128xf32, #tpu.memory_space<vmem>>, vector<16xf32>,
        %swap3A_607 = arith.constant 14 : i32
        %swap3A_608 = arith.index_cast %swap3A_607 : i32 to index
        %swap3A_609 = arith.constant 112 : index
        %swap3A_610 = tpu.vector_load %arg22[%swap3A_608, %swap3A_609] {strides = array<i32>} : memref<16x128xf32, #tpu.memory_space<vmem>>, vector<16xf32>,
        tpu.vector_store %arg22[%swap3A_608, %swap3A_609], %gather3A_578 {strides = array<i32>} : memref<16x128xf32, #tpu.memory_space<vmem>>, vector<16xf32>,
        %mul3A_611 = arith.constant 16 : i32
        %mul3A_612 = arith.muli %scan3A_42, %mul3A_611 : i32
        %add3A_613 = arith.constant 15 : i32
        %add3A_614 = arith.addi %mul3A_612, %add3A_613 : i32
        %broadcast_in_dim3A_615 = vector.broadcast %add3A_614 : i32 to vector<16xi32>
        %gather3A_616 = tpu.vector_load_idx %arg21[%broadcast_in_dim3A_615] : memref<640xf32, #tpu.memory_space<vmem>>[vector<16xi32>], vector<16xf32>,
        %swap3A_617 = arith.constant 15 : i32
        %swap3A_618 = arith.index_cast %swap3A_617 : i32 to index
        %swap3A_619 = arith.constant 0 : index
        %swap3A_620 = tpu.vector_load %arg22[%swap3A_618, %swap3A_619] {strides = array<i32>} : memref<16x128xf32, #tpu.memory_space<vmem>>, vector<16xf32>,
        tpu.vector_store %arg22[%swap3A_618, %swap3A_619], %gather3A_616 {strides = array<i32>} : memref<16x128xf32, #tpu.memory_space<vmem>>, vector<16xf32>,
        %swap3A_621 = arith.constant 15 : i32
        %swap3A_622 = arith.index_cast %swap3A_621 : i32 to index
        %swap3A_623 = arith.constant 16 : index
        %swap3A_624 = tpu.vector_load %arg22[%swap3A_622, %swap3A_623] {strides = array<i32>} : memref<16x128xf32, #tpu.memory_space<vmem>>, vector<16xf32>,
        tpu.vector_store %arg22[%swap3A_622, %swap3A_623], %gather3A_616 {strides = array<i32>} : memref<16x128xf32, #tpu.memory_space<vmem>>, vector<16xf32>,
        %swap3A_625 = arith.constant 15 : i32
        %swap3A_626 = arith.index_cast %swap3A_625 : i32 to index
        %swap3A_627 = arith.constant 32 : index
        %swap3A_628 = tpu.vector_load %arg22[%swap3A_626, %swap3A_627] {strides = array<i32>} : memref<16x128xf32, #tpu.memory_space<vmem>>, vector<16xf32>,
        tpu.vector_store %arg22[%swap3A_626, %swap3A_627], %gather3A_616 {strides = array<i32>} : memref<16x128xf32, #tpu.memory_space<vmem>>, vector<16xf32>,
        %swap3A_629 = arith.constant 15 : i32
        %swap3A_630 = arith.index_cast %swap3A_629 : i32 to index
        %swap3A_631 = arith.constant 48 : index
        %swap3A_632 = tpu.vector_load %arg22[%swap3A_630, %swap3A_631] {strides = array<i32>} : memref<16x128xf32, #tpu.memory_space<vmem>>, vector<16xf32>,
        tpu.vector_store %arg22[%swap3A_630, %swap3A_631], %gather3A_616 {strides = array<i32>} : memref<16x128xf32, #tpu.memory_space<vmem>>, vector<16xf32>,
        %swap3A_633 = arith.constant 15 : i32
        %swap3A_634 = arith.index_cast %swap3A_633 : i32 to index
        %swap3A_635 = arith.constant 64 : index
        %swap3A_636 = tpu.vector_load %arg22[%swap3A_634, %swap3A_635] {strides = array<i32>} : memref<16x128xf32, #tpu.memory_space<vmem>>, vector<16xf32>,
        tpu.vector_store %arg22[%swap3A_634, %swap3A_635], %gather3A_616 {strides = array<i32>} : memref<16x128xf32, #tpu.memory_space<vmem>>, vector<16xf32>,
        %swap3A_637 = arith.constant 15 : i32
        %swap3A_638 = arith.index_cast %swap3A_637 : i32 to index
        %swap3A_639 = arith.constant 80 : index
        %swap3A_640 = tpu.vector_load %arg22[%swap3A_638, %swap3A_639] {strides = array<i32>} : memref<16x128xf32, #tpu.memory_space<vmem>>, vector<16xf32>,
        tpu.vector_store %arg22[%swap3A_638, %swap3A_639], %gather3A_616 {strides = array<i32>} : memref<16x128xf32, #tpu.memory_space<vmem>>, vector<16xf32>,
        %swap3A_641 = arith.constant 15 : i32
        %swap3A_642 = arith.index_cast %swap3A_641 : i32 to index
        %swap3A_643 = arith.constant 96 : index
        %swap3A_644 = tpu.vector_load %arg22[%swap3A_642, %swap3A_643] {strides = array<i32>} : memref<16x128xf32, #tpu.memory_space<vmem>>, vector<16xf32>,
        tpu.vector_store %arg22[%swap3A_642, %swap3A_643], %gather3A_616 {strides = array<i32>} : memref<16x128xf32, #tpu.memory_space<vmem>>, vector<16xf32>,
        %swap3A_645 = arith.constant 15 : i32
        %swap3A_646 = arith.index_cast %swap3A_645 : i32 to index
        %swap3A_647 = arith.constant 112 : index
        %swap3A_648 = tpu.vector_load %arg22[%swap3A_646, %swap3A_647] {strides = array<i32>} : memref<16x128xf32, #tpu.memory_space<vmem>>, vector<16xf32>,
        tpu.vector_store %arg22[%swap3A_646, %swap3A_647], %gather3A_616 {strides = array<i32>} : memref<16x128xf32, #tpu.memory_space<vmem>>, vector<16xf32>,
        %mul3A_649 = arith.constant 16 : i32
        %mul3A_650 = arith.muli %scan3A_42, %mul3A_649 : i32
        %add3A_651 = arith.addi %mul3A_22, %mul3A_650 : i32
        "tpu.region"() ({
          %run_scoped3A = tpu.sem_alloc : memref<!tpu.dma_semaphore, #tpu.memory_space<semaphore_mem>>
          %dma_start3A_652 = arith.constant 0 : i32
          %dma_start3A_653 = tpu.memref_slice %arg8[%add3A_651, %dma_start3A_652] : memref<10240x128xf32, #tpu.memory_space<hbm>> -> memref<16x128xf32, #tpu.memory_space<hbm>>
          %dma_start3A_654 = arith.constant 0 : i32
          %dma_start3A_655 = tpu.memref_slice %arg8[%add3A_651, %dma_start3A_654] : memref<10240x128xf32, #tpu.memory_space<hbm>> -> memref<16x128xf32, #tpu.memory_space<hbm>>
          tpu.enqueue_dma source(%arg22 : memref<16x128xf32, #tpu.memory_space<vmem>>) target(%dma_start3A_655 : memref<16x128xf32, #tpu.memory_space<hbm>>) target_semaphore(%run_scoped3A : memref<!tpu.dma_semaphore, #tpu.memory_space<semaphore_mem>>)
          %dma_wait3A_656 = arith.constant 0 : i32
          %dma_wait3A_657 = tpu.memref_slice %arg8[%add3A_651, %dma_wait3A_656] : memref<10240x128xf32, #tpu.memory_space<hbm>> -> memref<16x128xf32, #tpu.memory_space<hbm>>
          %dma_wait3A_658 = arith.constant 0 : i32
          %dma_wait3A_659 = tpu.memref_slice %arg8[%add3A_651, %dma_wait3A_658] : memref<10240x128xf32, #tpu.memory_space<hbm>> -> memref<16x128xf32, #tpu.memory_space<hbm>>
          tpu.wait_dma2 semaphore(%run_scoped3A : memref<!tpu.dma_semaphore, #tpu.memory_space<semaphore_mem>>) src(%arg22 : memref<16x128xf32, #tpu.memory_space<vmem>>) dst(%dma_wait3A_659 : memref<16x128xf32, #tpu.memory_space<hbm>>)
          tpu.yield
        }) : () -> ()
      }
      %scan3A_41 = arith.constant 40 : i32
    } else {
    }
    return
  }
}

#map = affine_map<(d0, d1) -> (0)>
#map1 = affine_map<(d0, d1) -> (0, 0)>
module attributes {stable_mosaic.version = 14 : i64} {
  func.func @body(%arg0: i32, %arg1: i32, %arg2: memref<327680xi32, #tpu.memory_space<hbm>>, %arg3: memref<327680xi32, #tpu.memory_space<hbm>>, %arg4: memref<10000x128xf32, #tpu.memory_space<hbm>>, %arg5: memref<640x128xf32, #tpu.memory_space<hbm>>, %arg6: memref<10240x128xf32, #tpu.memory_space<hbm>>, %arg7: memref<128xi32, #tpu.memory_space<vmem>>, %arg8: memref<128xi32, #tpu.memory_space<vmem>>, %arg9: memref<128xi32, #tpu.memory_space<vmem>>, %arg10: memref<128xi32, #tpu.memory_space<vmem>>, %arg11: memref<128x128xf32, #tpu.memory_space<vmem>>, %arg12: memref<128x128xf32, #tpu.memory_space<vmem>>, %arg13: memref<10240x128xf32, #tpu.memory_space<vmem_shared>>, %arg14: memref<!tpu.dma_semaphore, #tpu.memory_space<semaphore_mem>>, %arg15: memref<!tpu.dma_semaphore, #tpu.memory_space<semaphore_mem>>) attributes {dimension_semantics = [#tpu.dimension_semantics<core_parallel>, #tpu.dimension_semantics<subcore_parallel>], iteration_bounds = array<i64: 2, 16>, scalar_prefetch = 0 : i64, scratch_operands = 9 : i64, tpu.core_type = #tpu.core_type<sc_vector_subcore>, window_params = [{transform_indices = #map}, {transform_indices = #map}, {transform_indices = #map1}, {transform_indices = #map1}, {transform_indices = #map1}]} {
    %eq3A = arith.constant 1 : i32
    %eq3A_0 = arith.cmpi eq, %arg0, %eq3A : i32
    %convert_element_type3A = arith.extui %eq3A_0 : i1 to i32
    %cond3A = arith.constant 0 : i32
    %cond3A_1 = arith.cmpi ne, %convert_element_type3A, %cond3A : i32
    scf.if %cond3A_1 {
      %mul3A = arith.constant 640 : i32
      %mul3A_2 = arith.muli %arg1, %mul3A : i32
      "tpu.region"() ({
        %run_scoped3A = tpu.sem_alloc : memref<!tpu.dma_semaphore, #tpu.memory_space<semaphore_mem>>
        %dma_start3A_25 = arith.constant 0 : i32
        %dma_start3A_26 = tpu.memref_slice %arg13[%mul3A_2, %dma_start3A_25] : memref<10240x128xf32, #tpu.memory_space<vmem_shared>> -> memref<640x128xf32, #tpu.memory_space<vmem_shared>>
        tpu.enqueue_dma source(%arg5 : memref<640x128xf32, #tpu.memory_space<hbm>>) target(%dma_start3A_26 : memref<640x128xf32, #tpu.memory_space<vmem_shared>>) target_semaphore(%run_scoped3A : memref<!tpu.dma_semaphore, #tpu.memory_space<semaphore_mem>>)
        %dma_wait3A_27 = arith.constant 0 : i32
        %dma_wait3A_28 = tpu.memref_slice %arg13[%mul3A_2, %dma_wait3A_27] : memref<10240x128xf32, #tpu.memory_space<vmem_shared>> -> memref<640x128xf32, #tpu.memory_space<vmem_shared>>
        tpu.wait_dma2 semaphore(%run_scoped3A : memref<!tpu.dma_semaphore, #tpu.memory_space<semaphore_mem>>) src(%arg5 : memref<640x128xf32, #tpu.memory_space<hbm>>) dst(%dma_wait3A_28 : memref<640x128xf32, #tpu.memory_space<vmem_shared>>)
        tpu.yield
      }) : () -> ()
      %barrier3A = arith.constant 0 : index
      tpu.barrier barrier_id(%barrier3A)
      %broadcast_in_dim3A = arith.constant 1.000000e+00 : f32
      %broadcast_in_dim3A_3 = vector.broadcast %broadcast_in_dim3A : f32 to vector<16xf32>
      %mul3A_4 = arith.constant 160 : i32
      %mul3A_5 = arith.muli %arg1, %mul3A_4 : i32
      %add3A = arith.constant 0 : i32
      %add3A_6 = arith.addi %mul3A_5, %add3A : i32
      %mul3A_7 = arith.constant 128 : i32
      %mul3A_8 = arith.muli %add3A_6, %mul3A_7 : i32
      "tpu.region"() ({
        %run_scoped3A = tpu.sem_alloc : memref<!tpu.dma_semaphore, #tpu.memory_space<semaphore_mem>>
        %dma_start3A_25 = tpu.memref_slice %arg2[%mul3A_8] : memref<327680xi32, #tpu.memory_space<hbm>> -> memref<128xi32, #tpu.memory_space<hbm>>
        %dma_start3A_26 = tpu.memref_slice %arg2[%mul3A_8] : memref<327680xi32, #tpu.memory_space<hbm>> -> memref<128xi32, #tpu.memory_space<hbm>>
        tpu.enqueue_dma source(%dma_start3A_26 : memref<128xi32, #tpu.memory_space<hbm>>) target(%arg7 : memref<128xi32, #tpu.memory_space<vmem>>) target_semaphore(%run_scoped3A : memref<!tpu.dma_semaphore, #tpu.memory_space<semaphore_mem>>)
        %dma_wait3A_27 = tpu.memref_slice %arg2[%mul3A_8] : memref<327680xi32, #tpu.memory_space<hbm>> -> memref<128xi32, #tpu.memory_space<hbm>>
        %dma_wait3A_28 = tpu.memref_slice %arg2[%mul3A_8] : memref<327680xi32, #tpu.memory_space<hbm>> -> memref<128xi32, #tpu.memory_space<hbm>>
        tpu.wait_dma2 semaphore(%run_scoped3A : memref<!tpu.dma_semaphore, #tpu.memory_space<semaphore_mem>>) src(%dma_wait3A_28 : memref<128xi32, #tpu.memory_space<hbm>>) dst(%arg7 : memref<128xi32, #tpu.memory_space<vmem>>)
        tpu.yield
      }) : () -> ()
      %mul3A_9 = arith.constant 128 : i32
      %mul3A_10 = arith.muli %add3A_6, %mul3A_9 : i32
      "tpu.region"() ({
        %run_scoped3A = tpu.sem_alloc : memref<!tpu.dma_semaphore, #tpu.memory_space<semaphore_mem>>
        %dma_start3A_25 = tpu.memref_slice %arg3[%mul3A_10] : memref<327680xi32, #tpu.memory_space<hbm>> -> memref<128xi32, #tpu.memory_space<hbm>>
        %dma_start3A_26 = tpu.memref_slice %arg3[%mul3A_10] : memref<327680xi32, #tpu.memory_space<hbm>> -> memref<128xi32, #tpu.memory_space<hbm>>
        tpu.enqueue_dma source(%dma_start3A_26 : memref<128xi32, #tpu.memory_space<hbm>>) target(%arg9 : memref<128xi32, #tpu.memory_space<vmem>>) target_semaphore(%run_scoped3A : memref<!tpu.dma_semaphore, #tpu.memory_space<semaphore_mem>>)
        %dma_wait3A_27 = tpu.memref_slice %arg3[%mul3A_10] : memref<327680xi32, #tpu.memory_space<hbm>> -> memref<128xi32, #tpu.memory_space<hbm>>
        %dma_wait3A_28 = tpu.memref_slice %arg3[%mul3A_10] : memref<327680xi32, #tpu.memory_space<hbm>> -> memref<128xi32, #tpu.memory_space<hbm>>
        tpu.wait_dma2 semaphore(%run_scoped3A : memref<!tpu.dma_semaphore, #tpu.memory_space<semaphore_mem>>) src(%dma_wait3A_28 : memref<128xi32, #tpu.memory_space<hbm>>) dst(%arg9 : memref<128xi32, #tpu.memory_space<vmem>>)
        tpu.yield
      }) : () -> ()
      %dma_start3A = arith.constant 0 : i32
      %dma_start3A_11 = arith.constant 0 : i32
      %dma_start3A_12 = tpu.memref_slice %arg4[%dma_start3A, %dma_start3A_11] : memref<10000x128xf32, #tpu.memory_space<hbm>> -> memref<10000x128xf32, #tpu.memory_space<hbm>>
      tpu.enqueue_indirect_dma source(%dma_start3A_12 : memref<10000x128xf32, #tpu.memory_space<hbm>>) target(%arg11 : memref<128x128xf32, #tpu.memory_space<vmem>>) offsets(%arg7 : memref<128xi32, #tpu.memory_space<vmem>>) semaphore(%arg14 : memref<!tpu.dma_semaphore, #tpu.memory_space<semaphore_mem>>)
      %scan3A = arith.constant 0 : i32
      %scan3A_13 = arith.constant 0 : i32
      %scan3A_14 = arith.constant 80 : i32
      %scan3A_15 = arith.addi %scan3A_13, %scan3A_14 : i32
      %scan3A_16 = arith.constant 1 : i32
      scf.for %scan3A_25 = %scan3A_13 to %scan3A_15 step %scan3A_16  : i32 {
        %mul3A_26 = arith.constant 2 : i32
        %mul3A_27 = arith.muli %mul3A_26, %scan3A_25 : i32
        %add3A_28 = arith.constant 1 : i32
        %add3A_29 = arith.addi %mul3A_27, %add3A_28 : i32
        %add3A_30 = arith.addi %mul3A_5, %add3A_29 : i32
        %mul3A_31 = arith.constant 128 : i32
        %mul3A_32 = arith.muli %add3A_30, %mul3A_31 : i32
        "tpu.region"() ({
          %run_scoped3A = tpu.sem_alloc : memref<!tpu.dma_semaphore, #tpu.memory_space<semaphore_mem>>
          %dma_start3A_57 = tpu.memref_slice %arg2[%mul3A_32] : memref<327680xi32, #tpu.memory_space<hbm>> -> memref<128xi32, #tpu.memory_space<hbm>>
          %dma_start3A_58 = tpu.memref_slice %arg2[%mul3A_32] : memref<327680xi32, #tpu.memory_space<hbm>> -> memref<128xi32, #tpu.memory_space<hbm>>
          tpu.enqueue_dma source(%dma_start3A_58 : memref<128xi32, #tpu.memory_space<hbm>>) target(%arg8 : memref<128xi32, #tpu.memory_space<vmem>>) target_semaphore(%run_scoped3A : memref<!tpu.dma_semaphore, #tpu.memory_space<semaphore_mem>>)
          %dma_wait3A_59 = tpu.memref_slice %arg2[%mul3A_32] : memref<327680xi32, #tpu.memory_space<hbm>> -> memref<128xi32, #tpu.memory_space<hbm>>
          %dma_wait3A_60 = tpu.memref_slice %arg2[%mul3A_32] : memref<327680xi32, #tpu.memory_space<hbm>> -> memref<128xi32, #tpu.memory_space<hbm>>
          tpu.wait_dma2 semaphore(%run_scoped3A : memref<!tpu.dma_semaphore, #tpu.memory_space<semaphore_mem>>) src(%dma_wait3A_60 : memref<128xi32, #tpu.memory_space<hbm>>) dst(%arg8 : memref<128xi32, #tpu.memory_space<vmem>>)
          tpu.yield
        }) : () -> ()
        %mul3A_33 = arith.constant 128 : i32
        %mul3A_34 = arith.muli %add3A_30, %mul3A_33 : i32
        "tpu.region"() ({
          %run_scoped3A = tpu.sem_alloc : memref<!tpu.dma_semaphore, #tpu.memory_space<semaphore_mem>>
          %dma_start3A_57 = tpu.memref_slice %arg3[%mul3A_34] : memref<327680xi32, #tpu.memory_space<hbm>> -> memref<128xi32, #tpu.memory_space<hbm>>
          %dma_start3A_58 = tpu.memref_slice %arg3[%mul3A_34] : memref<327680xi32, #tpu.memory_space<hbm>> -> memref<128xi32, #tpu.memory_space<hbm>>
          tpu.enqueue_dma source(%dma_start3A_58 : memref<128xi32, #tpu.memory_space<hbm>>) target(%arg10 : memref<128xi32, #tpu.memory_space<vmem>>) target_semaphore(%run_scoped3A : memref<!tpu.dma_semaphore, #tpu.memory_space<semaphore_mem>>)
          %dma_wait3A_59 = tpu.memref_slice %arg3[%mul3A_34] : memref<327680xi32, #tpu.memory_space<hbm>> -> memref<128xi32, #tpu.memory_space<hbm>>
          %dma_wait3A_60 = tpu.memref_slice %arg3[%mul3A_34] : memref<327680xi32, #tpu.memory_space<hbm>> -> memref<128xi32, #tpu.memory_space<hbm>>
          tpu.wait_dma2 semaphore(%run_scoped3A : memref<!tpu.dma_semaphore, #tpu.memory_space<semaphore_mem>>) src(%dma_wait3A_60 : memref<128xi32, #tpu.memory_space<hbm>>) dst(%arg10 : memref<128xi32, #tpu.memory_space<vmem>>)
          tpu.yield
        }) : () -> ()
        %dma_start3A_35 = arith.constant 0 : i32
        %dma_start3A_36 = arith.constant 0 : i32
        %dma_start3A_37 = tpu.memref_slice %arg4[%dma_start3A_35, %dma_start3A_36] : memref<10000x128xf32, #tpu.memory_space<hbm>> -> memref<10000x128xf32, #tpu.memory_space<hbm>>
        tpu.enqueue_indirect_dma source(%dma_start3A_37 : memref<10000x128xf32, #tpu.memory_space<hbm>>) target(%arg12 : memref<128x128xf32, #tpu.memory_space<vmem>>) offsets(%arg8 : memref<128xi32, #tpu.memory_space<vmem>>) semaphore(%arg15 : memref<!tpu.dma_semaphore, #tpu.memory_space<semaphore_mem>>)
        %dma_wait3A_38 = arith.constant 0 : i32
        %dma_wait3A_39 = arith.constant 0 : i32
        %dma_wait3A_40 = tpu.memref_slice %arg4[%dma_wait3A_38, %dma_wait3A_39] : memref<10000x128xf32, #tpu.memory_space<hbm>> -> memref<10000x128xf32, #tpu.memory_space<hbm>>
        tpu.wait_indirect_dma semaphore(%arg14 : memref<!tpu.dma_semaphore, #tpu.memory_space<semaphore_mem>>) src(%dma_wait3A_40 : memref<10000x128xf32, #tpu.memory_space<hbm>>) dst(%arg11 : memref<128x128xf32, #tpu.memory_space<vmem>>)
        "tpu.region"() ({
          %run_scoped3A = tpu.sem_alloc : memref<!tpu.dma_semaphore, #tpu.memory_space<semaphore_mem>>
          %dma_start3A_57 = arith.constant 0 : i32
          %dma_start3A_58 = arith.constant 0 : i32
          %dma_start3A_59 = tpu.memref_slice %arg13[%dma_start3A_57, %dma_start3A_58] : memref<10240x128xf32, #tpu.memory_space<vmem_shared>> -> memref<10240x128xf32, #tpu.memory_space<vmem_shared>>
          tpu.enqueue_indirect_dma source(%arg11 : memref<128x128xf32, #tpu.memory_space<vmem>>) target(%dma_start3A_59 : memref<10240x128xf32, #tpu.memory_space<vmem_shared>>) offsets(%arg9 : memref<128xi32, #tpu.memory_space<vmem>>) semaphore(%run_scoped3A : memref<!tpu.dma_semaphore, #tpu.memory_space<semaphore_mem>>) {add = true}
          %dma_wait3A_60 = arith.constant 0 : i32
          %dma_wait3A_61 = arith.constant 0 : i32
          %dma_wait3A_62 = tpu.memref_slice %arg13[%dma_wait3A_60, %dma_wait3A_61] : memref<10240x128xf32, #tpu.memory_space<vmem_shared>> -> memref<10240x128xf32, #tpu.memory_space<vmem_shared>>
          tpu.wait_indirect_dma semaphore(%run_scoped3A : memref<!tpu.dma_semaphore, #tpu.memory_space<semaphore_mem>>) src(%arg11 : memref<128x128xf32, #tpu.memory_space<vmem>>) dst(%dma_wait3A_62 : memref<10240x128xf32, #tpu.memory_space<vmem_shared>>)
          tpu.yield
        }) : () -> ()
        %mul3A_41 = arith.constant 2 : i32
        %mul3A_42 = arith.muli %mul3A_41, %scan3A_25 : i32
        %add3A_43 = arith.constant 2 : i32
        %add3A_44 = arith.addi %mul3A_42, %add3A_43 : i32
        %min3A = arith.constant 159 : i32
        %min3A_45 = arith.minsi %add3A_44, %min3A : i32
        %add3A_46 = arith.addi %mul3A_5, %min3A_45 : i32
        %mul3A_47 = arith.constant 128 : i32
        %mul3A_48 = arith.muli %add3A_46, %mul3A_47 : i32
        "tpu.region"() ({
          %run_scoped3A = tpu.sem_alloc : memref<!tpu.dma_semaphore, #tpu.memory_space<semaphore_mem>>
          %dma_start3A_57 = tpu.memref_slice %arg2[%mul3A_48] : memref<327680xi32, #tpu.memory_space<hbm>> -> memref<128xi32, #tpu.memory_space<hbm>>
          %dma_start3A_58 = tpu.memref_slice %arg2[%mul3A_48] : memref<327680xi32, #tpu.memory_space<hbm>> -> memref<128xi32, #tpu.memory_space<hbm>>
          tpu.enqueue_dma source(%dma_start3A_58 : memref<128xi32, #tpu.memory_space<hbm>>) target(%arg7 : memref<128xi32, #tpu.memory_space<vmem>>) target_semaphore(%run_scoped3A : memref<!tpu.dma_semaphore, #tpu.memory_space<semaphore_mem>>)
          %dma_wait3A_59 = tpu.memref_slice %arg2[%mul3A_48] : memref<327680xi32, #tpu.memory_space<hbm>> -> memref<128xi32, #tpu.memory_space<hbm>>
          %dma_wait3A_60 = tpu.memref_slice %arg2[%mul3A_48] : memref<327680xi32, #tpu.memory_space<hbm>> -> memref<128xi32, #tpu.memory_space<hbm>>
          tpu.wait_dma2 semaphore(%run_scoped3A : memref<!tpu.dma_semaphore, #tpu.memory_space<semaphore_mem>>) src(%dma_wait3A_60 : memref<128xi32, #tpu.memory_space<hbm>>) dst(%arg7 : memref<128xi32, #tpu.memory_space<vmem>>)
          tpu.yield
        }) : () -> ()
        %mul3A_49 = arith.constant 128 : i32
        %mul3A_50 = arith.muli %add3A_46, %mul3A_49 : i32
        "tpu.region"() ({
          %run_scoped3A = tpu.sem_alloc : memref<!tpu.dma_semaphore, #tpu.memory_space<semaphore_mem>>
          %dma_start3A_57 = tpu.memref_slice %arg3[%mul3A_50] : memref<327680xi32, #tpu.memory_space<hbm>> -> memref<128xi32, #tpu.memory_space<hbm>>
          %dma_start3A_58 = tpu.memref_slice %arg3[%mul3A_50] : memref<327680xi32, #tpu.memory_space<hbm>> -> memref<128xi32, #tpu.memory_space<hbm>>
          tpu.enqueue_dma source(%dma_start3A_58 : memref<128xi32, #tpu.memory_space<hbm>>) target(%arg9 : memref<128xi32, #tpu.memory_space<vmem>>) target_semaphore(%run_scoped3A : memref<!tpu.dma_semaphore, #tpu.memory_space<semaphore_mem>>)
          %dma_wait3A_59 = tpu.memref_slice %arg3[%mul3A_50] : memref<327680xi32, #tpu.memory_space<hbm>> -> memref<128xi32, #tpu.memory_space<hbm>>
          %dma_wait3A_60 = tpu.memref_slice %arg3[%mul3A_50] : memref<327680xi32, #tpu.memory_space<hbm>> -> memref<128xi32, #tpu.memory_space<hbm>>
          tpu.wait_dma2 semaphore(%run_scoped3A : memref<!tpu.dma_semaphore, #tpu.memory_space<semaphore_mem>>) src(%dma_wait3A_60 : memref<128xi32, #tpu.memory_space<hbm>>) dst(%arg9 : memref<128xi32, #tpu.memory_space<vmem>>)
          tpu.yield
        }) : () -> ()
        %dma_start3A_51 = arith.constant 0 : i32
        %dma_start3A_52 = arith.constant 0 : i32
        %dma_start3A_53 = tpu.memref_slice %arg4[%dma_start3A_51, %dma_start3A_52] : memref<10000x128xf32, #tpu.memory_space<hbm>> -> memref<10000x128xf32, #tpu.memory_space<hbm>>
        tpu.enqueue_indirect_dma source(%dma_start3A_53 : memref<10000x128xf32, #tpu.memory_space<hbm>>) target(%arg11 : memref<128x128xf32, #tpu.memory_space<vmem>>) offsets(%arg7 : memref<128xi32, #tpu.memory_space<vmem>>) semaphore(%arg14 : memref<!tpu.dma_semaphore, #tpu.memory_space<semaphore_mem>>)
        %dma_wait3A_54 = arith.constant 0 : i32
        %dma_wait3A_55 = arith.constant 0 : i32
        %dma_wait3A_56 = tpu.memref_slice %arg4[%dma_wait3A_54, %dma_wait3A_55] : memref<10000x128xf32, #tpu.memory_space<hbm>> -> memref<10000x128xf32, #tpu.memory_space<hbm>>
        tpu.wait_indirect_dma semaphore(%arg15 : memref<!tpu.dma_semaphore, #tpu.memory_space<semaphore_mem>>) src(%dma_wait3A_56 : memref<10000x128xf32, #tpu.memory_space<hbm>>) dst(%arg12 : memref<128x128xf32, #tpu.memory_space<vmem>>)
        "tpu.region"() ({
          %run_scoped3A = tpu.sem_alloc : memref<!tpu.dma_semaphore, #tpu.memory_space<semaphore_mem>>
          %dma_start3A_57 = arith.constant 0 : i32
          %dma_start3A_58 = arith.constant 0 : i32
          %dma_start3A_59 = tpu.memref_slice %arg13[%dma_start3A_57, %dma_start3A_58] : memref<10240x128xf32, #tpu.memory_space<vmem_shared>> -> memref<10240x128xf32, #tpu.memory_space<vmem_shared>>
          tpu.enqueue_indirect_dma source(%arg12 : memref<128x128xf32, #tpu.memory_space<vmem>>) target(%dma_start3A_59 : memref<10240x128xf32, #tpu.memory_space<vmem_shared>>) offsets(%arg10 : memref<128xi32, #tpu.memory_space<vmem>>) semaphore(%run_scoped3A : memref<!tpu.dma_semaphore, #tpu.memory_space<semaphore_mem>>) {add = true}
          %dma_wait3A_60 = arith.constant 0 : i32
          %dma_wait3A_61 = arith.constant 0 : i32
          %dma_wait3A_62 = tpu.memref_slice %arg13[%dma_wait3A_60, %dma_wait3A_61] : memref<10240x128xf32, #tpu.memory_space<vmem_shared>> -> memref<10240x128xf32, #tpu.memory_space<vmem_shared>>
          tpu.wait_indirect_dma semaphore(%run_scoped3A : memref<!tpu.dma_semaphore, #tpu.memory_space<semaphore_mem>>) src(%arg12 : memref<128x128xf32, #tpu.memory_space<vmem>>) dst(%dma_wait3A_62 : memref<10240x128xf32, #tpu.memory_space<vmem_shared>>)
          tpu.yield
        }) : () -> ()
      }
      %scan3A_17 = arith.constant 80 : i32
      %dma_wait3A = arith.constant 0 : i32
      %dma_wait3A_18 = arith.constant 0 : i32
      %dma_wait3A_19 = tpu.memref_slice %arg4[%dma_wait3A, %dma_wait3A_18] : memref<10000x128xf32, #tpu.memory_space<hbm>> -> memref<10000x128xf32, #tpu.memory_space<hbm>>
      tpu.wait_indirect_dma semaphore(%arg14 : memref<!tpu.dma_semaphore, #tpu.memory_space<semaphore_mem>>) src(%dma_wait3A_19 : memref<10000x128xf32, #tpu.memory_space<hbm>>) dst(%arg11 : memref<128x128xf32, #tpu.memory_space<vmem>>)
      %barrier3A_20 = arith.constant 0 : index
      tpu.barrier barrier_id(%barrier3A_20)
      %mul3A_21 = arith.constant 640 : i32
      %mul3A_22 = arith.muli %arg1, %mul3A_21 : i32
      %mul3A_23 = arith.constant 640 : i32
      %mul3A_24 = arith.muli %arg1, %mul3A_23 : i32
      "tpu.region"() ({
        %run_scoped3A = tpu.sem_alloc : memref<!tpu.dma_semaphore, #tpu.memory_space<semaphore_mem>>
        %dma_start3A_25 = arith.constant 0 : i32
        %dma_start3A_26 = tpu.memref_slice %arg6[%mul3A_22, %dma_start3A_25] : memref<10240x128xf32, #tpu.memory_space<hbm>> -> memref<640x128xf32, #tpu.memory_space<hbm>>
        %dma_start3A_27 = arith.constant 0 : i32
        %dma_start3A_28 = tpu.memref_slice %arg13[%mul3A_24, %dma_start3A_27] : memref<10240x128xf32, #tpu.memory_space<vmem_shared>> -> memref<640x128xf32, #tpu.memory_space<vmem_shared>>
        tpu.enqueue_dma source(%dma_start3A_28 : memref<640x128xf32, #tpu.memory_space<vmem_shared>>) target(%dma_start3A_26 : memref<640x128xf32, #tpu.memory_space<hbm>>) target_semaphore(%run_scoped3A : memref<!tpu.dma_semaphore, #tpu.memory_space<semaphore_mem>>)
        %dma_wait3A_29 = arith.constant 0 : i32
        %dma_wait3A_30 = tpu.memref_slice %arg6[%mul3A_22, %dma_wait3A_29] : memref<10240x128xf32, #tpu.memory_space<hbm>> -> memref<640x128xf32, #tpu.memory_space<hbm>>
        %dma_wait3A_31 = arith.constant 0 : i32
        %dma_wait3A_32 = tpu.memref_slice %arg13[%mul3A_24, %dma_wait3A_31] : memref<10240x128xf32, #tpu.memory_space<vmem_shared>> -> memref<640x128xf32, #tpu.memory_space<vmem_shared>>
        tpu.wait_dma2 semaphore(%run_scoped3A : memref<!tpu.dma_semaphore, #tpu.memory_space<semaphore_mem>>) src(%dma_wait3A_32 : memref<640x128xf32, #tpu.memory_space<vmem_shared>>) dst(%dma_wait3A_30 : memref<640x128xf32, #tpu.memory_space<hbm>>)
        tpu.yield
      }) : () -> ()
    } else {
    }
    return
  }
}

module attributes {stable_mosaic.version = 14 : i64} {
  func.func @_tc_a_body(%arg0: i32, %arg1: memref<1000x128xf32, #tpu.memory_space<vmem>>, %arg2: memref<128x128xf32, #tpu.memory_space<vmem>>, %arg3: memref<128x128xf32, #tpu.memory_space<vmem>>, %arg4: memref<1x128xf32, #tpu.memory_space<vmem>>, %arg5: memref<1000x128xf32, #tpu.memory_space<vmem>>, %arg6: memref<1000x128xf32, #tpu.memory_space<vmem>>) attributes {dimension_semantics = [#tpu.dimension_semantics<arbitrary>], iteration_bounds = array<i64: 10>, scalar_prefetch = 0 : i64, scratch_operands = 0 : i64, tpu.core_type = #tpu.core_type<tc>, window_params = [{transform_indices = @transform_0, window_bounds = array<i64: 1000, 128>}, {pipeline_mode = #tpu.pipeline_mode<synchronous>, transform_indices = @transform_1, window_bounds = array<i64: 128, 128>}, {pipeline_mode = #tpu.pipeline_mode<synchronous>, transform_indices = @transform_2, window_bounds = array<i64: 128, 128>}, {pipeline_mode = #tpu.pipeline_mode<synchronous>, transform_indices = @transform_3, window_bounds = array<i64: 1, 128>}, {transform_indices = @transform_4, window_bounds = array<i64: 1000, 128>}, {transform_indices = @transform_5, window_bounds = array<i64: 1000, 128>}]} {
    %get3A = arith.constant 0 : index
    %get3A_0 = arith.constant 0 : index
    %get3A_1 = vector.load %arg1[%get3A, %get3A_0] : memref<1000x128xf32, #tpu.memory_space<vmem>>, vector<1000x128xf32>
    %get3A_2 = arith.constant 0 : index
    %get3A_3 = arith.constant 0 : index
    %get3A_4 = vector.load %arg2[%get3A_2, %get3A_3] : memref<128x128xf32, #tpu.memory_space<vmem>>, vector<128x128xf32>
    %dot_general3A = arith.constant dense<0.000000e+00> : vector<1000x128xf32>
    %dot_general3A_5 = tpu.matmul %get3A_1, %get3A_4, %dot_general3A {dimension_numbers = #tpu.dot_dimension_numbers<[1], [0], [0], [1], [0, 0, 1, 1], [], []>, transpose_lhs_hint = false} : vector<1000x128xf32>, vector<128x128xf32>, vector<1000x128xf32> -> vector<1000x128xf32>
    %swap3A = arith.constant 0 : index
    %swap3A_6 = arith.constant 0 : index
    %swap3A_7 = vector.load %arg5[%swap3A, %swap3A_6] : memref<1000x128xf32, #tpu.memory_space<vmem>>, vector<1000x128xf32>
    tpu.vector_store %arg5[%swap3A, %swap3A_6], %dot_general3A_5 {strides = array<i32>} : memref<1000x128xf32, #tpu.memory_space<vmem>>, vector<1000x128xf32>,
    %get3A_8 = arith.constant 0 : index
    %get3A_9 = arith.constant 0 : index
    %get3A_10 = vector.load %arg3[%get3A_8, %get3A_9] : memref<128x128xf32, #tpu.memory_space<vmem>>, vector<128x128xf32>
    %dot_general3A_11 = arith.constant dense<0.000000e+00> : vector<1000x128xf32>
    %dot_general3A_12 = tpu.matmul %get3A_1, %get3A_10, %dot_general3A_11 {dimension_numbers = #tpu.dot_dimension_numbers<[1], [0], [0], [1], [0, 0, 1, 1], [], []>, transpose_lhs_hint = false} : vector<1000x128xf32>, vector<128x128xf32>, vector<1000x128xf32> -> vector<1000x128xf32>
    %get3A_13 = arith.constant 0 : index
    %get3A_14 = arith.constant 0 : index
    %get3A_15 = vector.load %arg4[%get3A_13, %get3A_14] : memref<1x128xf32, #tpu.memory_space<vmem>>, vector<1x128xf32>
    %add3A = vector.broadcast %get3A_15 : vector<1x128xf32> to vector<1000x128xf32>
    %add3A_16 = arith.addf %dot_general3A_12, %add3A : vector<1000x128xf32>
    %swap3A_17 = arith.constant 0 : index
    %swap3A_18 = arith.constant 0 : index
    %swap3A_19 = vector.load %arg6[%swap3A_17, %swap3A_18] : memref<1000x128xf32, #tpu.memory_space<vmem>>, vector<1000x128xf32>
    tpu.vector_store %arg6[%swap3A_17, %swap3A_18], %add3A_16 {strides = array<i32>} : memref<1000x128xf32, #tpu.memory_space<vmem>>, vector<1000x128xf32>,
    return
  }
  func.func @transform_0(%arg0: i32) -> (i32, i32) {
    %c0_i32 = arith.constant 0 : i32
    %c0_i32_0 = arith.constant 0 : i32
    return %arg0, %c0_i32 : i32, i32
  }
  func.func @transform_1(%arg0: i32) -> (i32, i32) {
    %c0_i32 = arith.constant 0 : i32
    %c0_i32_0 = arith.constant 0 : i32
    %c0_i32_1 = arith.constant 0 : i32
    return %c0_i32, %c0_i32_0 : i32, i32
  }
  func.func @transform_2(%arg0: i32) -> (i32, i32) {
    %c0_i32 = arith.constant 0 : i32
    %c0_i32_0 = arith.constant 0 : i32
    %c0_i32_1 = arith.constant 0 : i32
    return %c0_i32, %c0_i32_0 : i32, i32
  }
  func.func @transform_3(%arg0: i32) -> (i32, i32) {
    %c0_i32 = arith.constant 0 : i32
    %c0_i32_0 = arith.constant 0 : i32
    %c0_i32_1 = arith.constant 0 : i32
    return %c0_i32, %c0_i32_0 : i32, i32
  }
  func.func @transform_4(%arg0: i32) -> (i32, i32) {
    %c0_i32 = arith.constant 0 : i32
    %c0_i32_0 = arith.constant 0 : i32
    return %arg0, %c0_i32 : i32, i32
  }
  func.func @transform_5(%arg0: i32) -> (i32, i32) {
    %c0_i32 = arith.constant 0 : i32
    %c0_i32_0 = arith.constant 0 : i32
    return %arg0, %c0_i32 : i32, i32
  }
}

module attributes {stable_mosaic.version = 14 : i64} {
  func.func @_tc_b_body(%arg0: i32, %arg1: memref<1000x128xf32, #tpu.memory_space<vmem>>, %arg2: memref<1000x128xf32, #tpu.memory_space<vmem>>, %arg3: memref<1000x128xf32, #tpu.memory_space<vmem>>, %arg4: memref<128x128xf32, #tpu.memory_space<vmem>>, %arg5: memref<128x128xf32, #tpu.memory_space<vmem>>, %arg6: memref<1x128xf32, #tpu.memory_space<vmem>>, %arg7: memref<1000x128xf32, #tpu.memory_space<vmem>>, %arg8: memref<1000x128xf32, #tpu.memory_space<vmem>>) attributes {dimension_semantics = [#tpu.dimension_semantics<arbitrary>], iteration_bounds = array<i64: 10>, scalar_prefetch = 0 : i64, scratch_operands = 0 : i64, tpu.core_type = #tpu.core_type<tc>, window_params = [{transform_indices = @transform_0, window_bounds = array<i64: 1000, 128>}, {transform_indices = @transform_1, window_bounds = array<i64: 1000, 128>}, {transform_indices = @transform_2, window_bounds = array<i64: 1000, 128>}, {pipeline_mode = #tpu.pipeline_mode<synchronous>, transform_indices = @transform_3, window_bounds = array<i64: 128, 128>}, {pipeline_mode = #tpu.pipeline_mode<synchronous>, transform_indices = @transform_4, window_bounds = array<i64: 128, 128>}, {pipeline_mode = #tpu.pipeline_mode<synchronous>, transform_indices = @transform_5, window_bounds = array<i64: 1, 128>}, {transform_indices = @transform_6, window_bounds = array<i64: 1000, 128>}, {transform_indices = @transform_7, window_bounds = array<i64: 1000, 128>}]} {
    %get3A = arith.constant 0 : index
    %get3A_0 = arith.constant 0 : index
    %get3A_1 = vector.load %arg2[%get3A, %get3A_0] : memref<1000x128xf32, #tpu.memory_space<vmem>>, vector<1000x128xf32>
    %max3A = arith.constant 1.000000e+00 : f32
    %max3A_2 = vector.broadcast %max3A : f32 to vector<1000x128xf32>
    %max3A_3 = arith.maximumf %get3A_1, %max3A_2 : vector<1000x128xf32>
    %get3A_4 = arith.constant 0 : index
    %get3A_5 = arith.constant 0 : index
    %get3A_6 = vector.load %arg1[%get3A_4, %get3A_5] : memref<1000x128xf32, #tpu.memory_space<vmem>>, vector<1000x128xf32>
    %div3A = arith.divf %get3A_6, %max3A_3 : vector<1000x128xf32>
    %get3A_7 = arith.constant 0 : index
    %get3A_8 = arith.constant 0 : index
    %get3A_9 = vector.load %arg3[%get3A_7, %get3A_8] : memref<1000x128xf32, #tpu.memory_space<vmem>>, vector<1000x128xf32>
    %add3A = arith.addf %div3A, %get3A_9 : vector<1000x128xf32>
    %max3A_10 = arith.constant 0.000000e+00 : f32
    %max3A_11 = vector.broadcast %max3A_10 : f32 to vector<1000x128xf32>
    %max3A_12 = arith.maximumf %add3A, %max3A_11 : vector<1000x128xf32>
    %get3A_13 = arith.constant 0 : index
    %get3A_14 = arith.constant 0 : index
    %get3A_15 = vector.load %arg4[%get3A_13, %get3A_14] : memref<128x128xf32, #tpu.memory_space<vmem>>, vector<128x128xf32>
    %dot_general3A = arith.constant dense<0.000000e+00> : vector<1000x128xf32>
    %dot_general3A_16 = tpu.matmul %max3A_12, %get3A_15, %dot_general3A {dimension_numbers = #tpu.dot_dimension_numbers<[1], [0], [0], [1], [0, 0, 1, 1], [], []>, transpose_lhs_hint = false} : vector<1000x128xf32>, vector<128x128xf32>, vector<1000x128xf32> -> vector<1000x128xf32>
    %swap3A = arith.constant 0 : index
    %swap3A_17 = arith.constant 0 : index
    %swap3A_18 = vector.load %arg7[%swap3A, %swap3A_17] : memref<1000x128xf32, #tpu.memory_space<vmem>>, vector<1000x128xf32>
    tpu.vector_store %arg7[%swap3A, %swap3A_17], %dot_general3A_16 {strides = array<i32>} : memref<1000x128xf32, #tpu.memory_space<vmem>>, vector<1000x128xf32>,
    %get3A_19 = arith.constant 0 : index
    %get3A_20 = arith.constant 0 : index
    %get3A_21 = vector.load %arg5[%get3A_19, %get3A_20] : memref<128x128xf32, #tpu.memory_space<vmem>>, vector<128x128xf32>
    %dot_general3A_22 = arith.constant dense<0.000000e+00> : vector<1000x128xf32>
    %dot_general3A_23 = tpu.matmul %max3A_12, %get3A_21, %dot_general3A_22 {dimension_numbers = #tpu.dot_dimension_numbers<[1], [0], [0], [1], [0, 0, 1, 1], [], []>, transpose_lhs_hint = false} : vector<1000x128xf32>, vector<128x128xf32>, vector<1000x128xf32> -> vector<1000x128xf32>
    %get3A_24 = arith.constant 0 : index
    %get3A_25 = arith.constant 0 : index
    %get3A_26 = vector.load %arg6[%get3A_24, %get3A_25] : memref<1x128xf32, #tpu.memory_space<vmem>>, vector<1x128xf32>
    %add3A_27 = vector.broadcast %get3A_26 : vector<1x128xf32> to vector<1000x128xf32>
    %add3A_28 = arith.addf %dot_general3A_23, %add3A_27 : vector<1000x128xf32>
    %swap3A_29 = arith.constant 0 : index
    %swap3A_30 = arith.constant 0 : index
    %swap3A_31 = vector.load %arg8[%swap3A_29, %swap3A_30] : memref<1000x128xf32, #tpu.memory_space<vmem>>, vector<1000x128xf32>
    tpu.vector_store %arg8[%swap3A_29, %swap3A_30], %add3A_28 {strides = array<i32>} : memref<1000x128xf32, #tpu.memory_space<vmem>>, vector<1000x128xf32>,
    return
  }
  func.func @transform_0(%arg0: i32) -> (i32, i32) {
    %c0_i32 = arith.constant 0 : i32
    %c0_i32_0 = arith.constant 0 : i32
    return %arg0, %c0_i32 : i32, i32
  }
  func.func @transform_1(%arg0: i32) -> (i32, i32) {
    %c0_i32 = arith.constant 0 : i32
    %c0_i32_0 = arith.constant 0 : i32
    return %arg0, %c0_i32 : i32, i32
  }
  func.func @transform_2(%arg0: i32) -> (i32, i32) {
    %c0_i32 = arith.constant 0 : i32
    %c0_i32_0 = arith.constant 0 : i32
    return %arg0, %c0_i32 : i32, i32
  }
  func.func @transform_3(%arg0: i32) -> (i32, i32) {
    %c0_i32 = arith.constant 0 : i32
    %c0_i32_0 = arith.constant 0 : i32
    %c0_i32_1 = arith.constant 0 : i32
    return %c0_i32, %c0_i32_0 : i32, i32
  }
  func.func @transform_4(%arg0: i32) -> (i32, i32) {
    %c0_i32 = arith.constant 0 : i32
    %c0_i32_0 = arith.constant 0 : i32
    %c0_i32_1 = arith.constant 0 : i32
    return %c0_i32, %c0_i32_0 : i32, i32
  }
  func.func @transform_5(%arg0: i32) -> (i32, i32) {
    %c0_i32 = arith.constant 0 : i32
    %c0_i32_0 = arith.constant 0 : i32
    %c0_i32_1 = arith.constant 0 : i32
    return %c0_i32, %c0_i32_0 : i32, i32
  }
  func.func @transform_6(%arg0: i32) -> (i32, i32) {
    %c0_i32 = arith.constant 0 : i32
    %c0_i32_0 = arith.constant 0 : i32
    return %arg0, %c0_i32 : i32, i32
  }
  func.func @transform_7(%arg0: i32) -> (i32, i32) {
    %c0_i32 = arith.constant 0 : i32
    %c0_i32_0 = arith.constant 0 : i32
    return %arg0, %c0_i32 : i32, i32
  }
}

module attributes {stable_mosaic.version = 14 : i64} {
  func.func @_tc_c_body(%arg0: i32, %arg1: memref<1000x128xf32, #tpu.memory_space<vmem>>, %arg2: memref<1000x128xf32, #tpu.memory_space<vmem>>, %arg3: memref<1000x128xf32, #tpu.memory_space<vmem>>, %arg4: memref<128x64xf32, #tpu.memory_space<vmem>>, %arg5: memref<1x64xf32, #tpu.memory_space<vmem>>, %arg6: memref<1000x64xf32, #tpu.memory_space<vmem>>, %arg7: memref<1000x128xf32, #tpu.memory_space<vmem>>) attributes {dimension_semantics = [#tpu.dimension_semantics<arbitrary>], iteration_bounds = array<i64: 10>, scalar_prefetch = 0 : i64, scratch_operands = 0 : i64, tpu.core_type = #tpu.core_type<tc>, window_params = [{transform_indices = @transform_0, window_bounds = array<i64: 1000, 128>}, {transform_indices = @transform_1, window_bounds = array<i64: 1000, 128>}, {transform_indices = @transform_2, window_bounds = array<i64: 1000, 128>}, {pipeline_mode = #tpu.pipeline_mode<synchronous>, transform_indices = @transform_3, window_bounds = array<i64: 128, 64>}, {pipeline_mode = #tpu.pipeline_mode<synchronous>, transform_indices = @transform_4, window_bounds = array<i64: 1, 64>}, {transform_indices = @transform_5, window_bounds = array<i64: 1000, 64>}, {transform_indices = @transform_6, window_bounds = array<i64: 1000, 128>}]} {
    %get3A = arith.constant 0 : index
    %get3A_0 = arith.constant 0 : index
    %get3A_1 = vector.load %arg2[%get3A, %get3A_0] : memref<1000x128xf32, #tpu.memory_space<vmem>>, vector<1000x128xf32>
    %max3A = arith.constant 1.000000e+00 : f32
    %max3A_2 = vector.broadcast %max3A : f32 to vector<1000x128xf32>
    %max3A_3 = arith.maximumf %get3A_1, %max3A_2 : vector<1000x128xf32>
    %get3A_4 = arith.constant 0 : index
    %get3A_5 = arith.constant 0 : index
    %get3A_6 = vector.load %arg1[%get3A_4, %get3A_5] : memref<1000x128xf32, #tpu.memory_space<vmem>>, vector<1000x128xf32>
    %div3A = arith.divf %get3A_6, %max3A_3 : vector<1000x128xf32>
    %get3A_7 = arith.constant 0 : index
    %get3A_8 = arith.constant 0 : index
    %get3A_9 = vector.load %arg3[%get3A_7, %get3A_8] : memref<1000x128xf32, #tpu.memory_space<vmem>>, vector<1000x128xf32>
    %add3A = arith.addf %div3A, %get3A_9 : vector<1000x128xf32>
    %max3A_10 = arith.constant 0.000000e+00 : f32
    %max3A_11 = vector.broadcast %max3A_10 : f32 to vector<1000x128xf32>
    %max3A_12 = arith.maximumf %add3A, %max3A_11 : vector<1000x128xf32>
    %swap3A = arith.constant 0 : index
    %swap3A_13 = arith.constant 0 : index
    %swap3A_14 = vector.load %arg7[%swap3A, %swap3A_13] : memref<1000x128xf32, #tpu.memory_space<vmem>>, vector<1000x128xf32>
    tpu.vector_store %arg7[%swap3A, %swap3A_13], %max3A_12 {strides = array<i32>} : memref<1000x128xf32, #tpu.memory_space<vmem>>, vector<1000x128xf32>,
    %get3A_15 = arith.constant 0 : index
    %get3A_16 = arith.constant 0 : index
    %get3A_17 = vector.load %arg4[%get3A_15, %get3A_16] : memref<128x64xf32, #tpu.memory_space<vmem>>, vector<128x64xf32>
    %dot_general3A = arith.constant dense<0.000000e+00> : vector<1000x64xf32>
    %dot_general3A_18 = tpu.matmul %max3A_12, %get3A_17, %dot_general3A {dimension_numbers = #tpu.dot_dimension_numbers<[1], [0], [0], [1], [0, 0, 1, 1], [], []>, transpose_lhs_hint = false} : vector<1000x128xf32>, vector<128x64xf32>, vector<1000x64xf32> -> vector<1000x64xf32>
    %get3A_19 = arith.constant 0 : index
    %get3A_20 = arith.constant 0 : index
    %get3A_21 = vector.load %arg5[%get3A_19, %get3A_20] : memref<1x64xf32, #tpu.memory_space<vmem>>, vector<1x64xf32>
    %add3A_22 = vector.broadcast %get3A_21 : vector<1x64xf32> to vector<1000x64xf32>
    %add3A_23 = arith.addf %dot_general3A_18, %add3A_22 : vector<1000x64xf32>
    %swap3A_24 = arith.constant 0 : index
    %swap3A_25 = arith.constant 0 : index
    %swap3A_26 = vector.load %arg6[%swap3A_24, %swap3A_25] : memref<1000x64xf32, #tpu.memory_space<vmem>>, vector<1000x64xf32>
    tpu.vector_store %arg6[%swap3A_24, %swap3A_25], %add3A_23 {strides = array<i32>} : memref<1000x64xf32, #tpu.memory_space<vmem>>, vector<1000x64xf32>,
    return
  }
  func.func @transform_0(%arg0: i32) -> (i32, i32) {
    %c0_i32 = arith.constant 0 : i32
    %c0_i32_0 = arith.constant 0 : i32
    return %arg0, %c0_i32 : i32, i32
  }
  func.func @transform_1(%arg0: i32) -> (i32, i32) {
    %c0_i32 = arith.constant 0 : i32
    %c0_i32_0 = arith.constant 0 : i32
    return %arg0, %c0_i32 : i32, i32
  }
  func.func @transform_2(%arg0: i32) -> (i32, i32) {
    %c0_i32 = arith.constant 0 : i32
    %c0_i32_0 = arith.constant 0 : i32
    return %arg0, %c0_i32 : i32, i32
  }
  func.func @transform_3(%arg0: i32) -> (i32, i32) {
    %c0_i32 = arith.constant 0 : i32
    %c0_i32_0 = arith.constant 0 : i32
    %c0_i32_1 = arith.constant 0 : i32
    return %c0_i32, %c0_i32_0 : i32, i32
  }
  func.func @transform_4(%arg0: i32) -> (i32, i32) {
    %c0_i32 = arith.constant 0 : i32
    %c0_i32_0 = arith.constant 0 : i32
    %c0_i32_1 = arith.constant 0 : i32
    return %c0_i32, %c0_i32_0 : i32, i32
  }
  func.func @transform_5(%arg0: i32) -> (i32, i32) {
    %c0_i32 = arith.constant 0 : i32
    %c0_i32_0 = arith.constant 0 : i32
    return %arg0, %c0_i32 : i32, i32
  }
  func.func @transform_6(%arg0: i32) -> (i32, i32) {
    %c0_i32 = arith.constant 0 : i32
    %c0_i32_0 = arith.constant 0 : i32
    return %arg0, %c0_i32 : i32, i32
  }
}

</mosaic_0001>

<sc_bundles>
// kernel: kernel.10.cloned.1.call-start
scs
__scs_entry_jumppad:
0x0: {  	(pc) =	sbr.rel $0x88, $3  }
0x1: {  	(tag) =	ssettag $0x0;
	lr =	simm.s32 $0x1  }
0x2: {  	[smem:$0x3F97] =	sst lr;
	_ =	strace $0xD0000000  }
0x3: {  	_ = 	snop  }
0x4: {  	_ = 	snop  }
0x5: {  	_ = 	snop  }
0x6: {  	_ = 	snop  }
0x7: {  	_ = 	snop  }
__scs_overlays_trampoline_lowered:
0x8: {  	[smem:$0x3FA6] =	sst s0  }
0x9: {  	[smem:$0x3FA7] =	sst s1  }
0xa: {  	[smem:$0x3FA8] =	sst s2  }
0xb: {  	[smem:$0x3FA9] =	sst s3  }
0xc: {  	[smem:$0x3FAA] =	sst s4  }
0xd: {  	[smem:$0x3FAB] =	sst s5  }
0xe: {  	[smem:$0x3FAC] =	sst s6  }
0xf: {  	[smem:$0x3FAD] =	sst s7  }
0x10: {  	[smem:$0x3FAE] =	sst s8  }
0x11: {  	[smem:$0x3FAF] =	sst s9;
	s0 =	simm.s32 @!p0 $0x0  }
0x12: {  	s1 =	sld [smem:$0x3F95];
	s0 =	simm.s32 @p0 $0x1  }
0x13: {  	[smem:$0x3FB0] =	sst s0;
	s0 =	simm.s32 @!p1 $0x0  }
0x14: {  	s2 =	sld [smem:$0x3F94];
	s0 =	simm.s32 @p1 $0x1  }
0x15: {  	[smem:$0x3FB1] =	sst s0;
	s0 =	simm.s32 @!p2 $0x0  }
0x16: {  	s3 =	sld [smem:$0x3FDB];
	s0 =	simm.s32 @p2 $0x1  }
0x17: {  	s4 =	simm.s32 $0x1BF5;
	[smem:$0x3FB3] =	sst s0  }
0x18: {  	s0 =	sld [smem:$0x3F96];
	_ =	swait.ge [sflag:s4], $0x0  }
0x19: {  	s7 =	sld [smem:$0x3F97]  }
0x1a: {  	s8 =	sadd.s32 $0xFFFFE003, lr  }
0x1b: {  	s9 =	sadd.s32 $0xFFFFFEF7, lr;
	s5 =	simm.s32 $0xFFFFFFFF;
	p2 =	slt.u32 s8, $0xFFFFF086  }
0x1c: {  	p1 =	slt.u32 s9, $0xF7A;
	s5 =	simm.s32 @!p2 $0x0  }
0x1d: {  	s5 =	simm.s32 @p1 $0x1;
	p0 =	seq.s32 s7, s2  }
0x1e: {  	s7 =	smul.u32 @!p0 $0xF7A, s2;
	p2 =	seq.s32 @!p0 s5, $0x0  }
0x1f: {  	s9 =	smul.u32 $0xF7A, s1;
	s8 =	simm.s32 @!p0 $0x1BF5;
	p2 =	por !p2, p0  }
0x20: {  	[sflag:s8] =	ssyncset.s32 @!p0 $0xFFFFF086;
	s6 =	sadd.s32 @!p0 s3, s7;
	s7 =	simm.s32 @!p0 $0x108  }
0x21: {  	s3 =	sadd.s32 s3, s9;
	s6 =	sadd.s32 @!p0 $0x88, s6;
	s7 =	simm.s32 @p2 $0x1082  }
0x22: {  	[simem:s7], [sflag:s8] =	dma.local @!p0 [hbm:s6], $0xF7A  }
0x23: {  	s9 =	sor.u32 $0xD0000000, s2;
	s6 =	simm.s32 $0x108;
	_ =	swait.ge @!p0 [sflag:s8], $0x0  }
0x24: {  	s3 =	sadd.s32 $0x88, s3;
	s6 =	simm.s32 @!p1 $0x1082;
	[sflag:s4] =	ssyncset.s32 $0xFFFFF086  }
0x25: {  	[simem:s6], [sflag:s4] =	dma.local [hbm:s3], $0xF7A  }
0x26: {  	[smem:$0x3F97] =	sst s1;
	(tag) =	ssettag s2;
	_ =	strace s9  }
0x27: {  	s1 =	sld [smem:$0x3FA7]  }
0x28: {  	s2 =	sld [smem:$0x3FA8]  }
0x29: {  	s4 =	sld [smem:$0x3FAA]  }
0x2a: {  	p0 =	seq.s32 s5, $0x0;
	s5 =	sld [smem:$0x3FAB]  }
0x2b: {  	s6 =	sld [smem:$0x3FAC]  }
0x2c: {  	s7 =	sld [smem:$0x3FAD]  }
0x2d: {  	s3 =	simm.s32 $0x108;
	s8 =	sld [smem:$0x3FAE]  }
0x2e: {  	s3 =	simm.s32 @!p0 $0x1082;
	s9 =	sld [smem:$0x3FAF]  }
0x2f: {  	lr =	sadd.s32 s0, s3;
	s0 =	sld [smem:$0x3FA6]  }
0x30: {  	s3 =	sld [smem:$0x3FA9]  }
0x31: {  	[smem:$0x3FB2] =	sst s10  }
0x32: {  	s10 =	sld [smem:$0x3FB0];
	_ =	sdelay $0x3  }
0x33: {  	p0 =	seq.s32 s10, $0x1;
	s10 =	sld [smem:$0x3FB2];
	_ =	sdelay $0x3  }
0x34: {  	[smem:$0x3FB2] =	sst s10  }
0x35: {  	s10 =	sld [smem:$0x3FB1];
	_ =	sdelay $0x3  }
0x36: {  	p1 =	seq.s32 s10, $0x1;
	s10 =	sld [smem:$0x3FB2];
	_ =	sdelay $0x3  }
0x37: {  	[smem:$0x3FB2] =	sst s10  }
0x38: {  	s10 =	sld [smem:$0x3FB3]  }
0x39: {  	_ = 	snop;
	(pc) =	sbr.ind lr, $3  }
0x3a: {  	_ = 	snop  }
0x3b: {  	_ = 	snop  }
0x3c: {  	p2 =	seq.s32 s10, $0x1;
	s10 =	sld [smem:$0x3FB2]  }
0x3d: {  	_ =	shalt  }
0x3e: {  	_ =	shalt  }
0x3f: {  	_ =	shalt  }
0x40: {  	_ =	shalt  }
0x41: {  	_ =	shalt  }
0x42: {  	_ =	shalt  }
0x43: {  	_ =	shalt  }
0x44: {  	_ =	shalt  }
0x45: {  	_ =	shalt  }
0x46: {  	_ =	shalt  }
0x47: {  	_ =	shalt  }
0x48: {  	_ =	shalt  }
0x49: {  	_ =	shalt  }
0x4a: {  	_ =	shalt  }
0x4b: {  	_ =	shalt  }
0x4c: {  	_ =	shalt  }
0x4d: {  	_ =	shalt  }
0x4e: {  	_ =	shalt  }
0x4f: {  	_ =	shalt  }
0x50: {  	_ =	shalt  }
0x51: {  	_ =	shalt  }
0x52: {  	_ =	shalt  }
0x53: {  	_ =	shalt  }
0x54: {  	_ =	shalt  }
0x55: {  	_ =	shalt  }
0x56: {  	_ =	shalt  }
0x57: {  	_ =	shalt  }
0x58: {  	_ =	shalt  }
0x59: {  	_ =	shalt  }
0x5a: {  	_ =	shalt  }
0x5b: {  	_ =	shalt  }
0x5c: {  	_ =	shalt  }
0x5d: {  	_ =	shalt  }
0x5e: {  	_ =	shalt  }
0x5f: {  	_ =	shalt  }
0x60: {  	_ =	shalt  }
0x61: {  	_ =	shalt  }
0x62: {  	_ =	shalt  }
0x63: {  	_ =	shalt  }
0x64: {  	_ =	shalt  }
0x65: {  	_ =	shalt  }
0x66: {  	_ =	shalt  }
0x67: {  	_ =	shalt  }
0x68: {  	_ =	shalt  }
0x69: {  	_ =	shalt  }
0x6a: {  	_ =	shalt  }
0x6b: {  	_ =	shalt  }
0x6c: {  	_ =	shalt  }
0x6d: {  	_ =	shalt  }
0x6e: {  	_ =	shalt  }
0x6f: {  	_ =	shalt  }
0x70: {  	_ =	shalt  }
0x71: {  	_ =	shalt  }
0x72: {  	_ =	shalt  }
0x73: {  	_ =	shalt  }
0x74: {  	_ =	shalt  }
0x75: {  	_ =	shalt  }
0x76: {  	_ =	shalt  }
0x77: {  	_ =	shalt  }
0x78: {  	_ =	shalt  }
0x79: {  	_ =	shalt  }
0x7a: {  	_ =	shalt  }
0x7b: {  	_ =	shalt  }
0x7c: {  	_ =	shalt  }
0x7d: {  	_ =	shalt  }
0x7e: {  	_ =	shalt  }
0x7f: {  	_ =	shalt  }
0x80: {  	_ =	shalt  }
0x81: {  	_ =	shalt  }
0x82: {  	_ =	shalt  }
0x83: {  	_ =	shalt  }
0x84: {  	_ =	shalt  }
0x85: {  	_ =	shalt  }
0x86: {  	_ =	shalt  }
0x87: {  	_ =	shalt  }
.Lfunc_end0:
.L_simem_size_0:
called_computation.1_lowered:
.L_overlay_start_0:
0x88: {  	s2 =	sld [smem:$0x3FD9]  }
0x89: {  	s3 =	sld [smem:$0x3FFE];
	_ =	sdelay $0x1  }
0x8a: {  	s1 =	srdreg.scid  }
0x8b: {  	s0 =	sand.u32 $0x1, s1  }
0x8c: {  	s14 =	sshll.u32 s0, $0xA;
	s2 =	sadd.s32 s3, s2  }
0x8d: {  	s2 =	sadd.s32 s2, s14  }
0x8e: {  	[smem:$0x3FBE] =	sst s2  }
0x8f: {  	_ = 	snop  }
0x90: {  	s2 =	sld [smem:$0x3FD0];
	_ =	sdelay $0x2  }
0x91: {  	s15 =	simm.s32 $0xA;
	s4 =	simm.s32 $0x10  }
0x92: {  	[smem:s4], [sflag:s15] =	dma.local [hbm:s2], $0x1  }
0x93: {  	_ =	swait.eq [sflag:s15], $0x1  }
0x94: {  	[sflag:s15] =	ssyncset.done $0x0  }
0x95: {  	s16 =	sld [smem:$0x10];
	[sflag:s15] =	ssyncadd.s32 $0xFFFFFFFF  }
0x96: {  	s17 =	sld [smem:$0x11];
	(tm) =	ssettm $0x1  }
0x97: {  	s18 =	sld [smem:$0x3FFB];
	_ =	sdelay $0x3  }
0x98: {  	_ =	strace s18  }
0x99: {  	s4 =	sld [smem:$0x3FFC];
	_ =	sdelay $0x3  }
0x9a: {  	_ =	strace s4  }
0x9b: {  	s4 =	sld [smem:$0x3FFD];
	_ =	sdelay $0x3  }
0x9c: {  	_ =	strace s4  }
0x9d: {  	_ =	strace $0x8FFFFFFF  }
0x9e: {  	s19 =	sld [smem:$0x3FDB];
	_ =	sdelay $0x1  }
0x9f: {  	s5 =	simm.s32 $_scs_section_size  }
0xa0: {  	s6 =	simm.s32 $_size__tile_overlayer_lowered;
	s7 =	simm.s32 $_tile_overlayer_lowered  }
0xa1: {  	s22 =	simm.s32 $0x1BFF;
	s21 =	sshll.u32 s7, $0x1;
	s4 =	sadd.s32 s5, s19  }
0xa2: {  	s8 =	simm.s32 $0x0;
	s20 =	sshll.u32 s6, $0x1;
	s6 =	sadd.s32 s21, s4  }
0xa3: {  	[timem:s8], [sflag:s22] =	dma.local [hbm:s6], s20  }
0xa4: {  	_ =	swait.ge [sflag:s22], s20  }
0xa5: {  	s5 =	ssub.s32 $0x0, s20;
	[sflag:s22] =	ssyncset.done $0x0  }
0xa6: {  	[sflag:s22] =	ssyncadd.s32 s5;
	_ =	sdelay $0x1  }
0xa7: {  	s23 =	simm.s32 $0x1B8B  }
0xa8: {  	_ =	swait.ge [sflag:s23], $0x1  }
0xa9: {  	[sflag:s23] =	ssyncset.done $0x0  }
0xaa: {  	s25 =	simm.s32 $0x1B8E;
	s24 =	sld [smem:$0x3FFE];
	[sflag:s23] =	ssyncadd.s32 $0xFFFFFFFF  }
0xab: {  	s26 =	simm.s32 $execute0_lowered;
	[smem:$0x3FD2] =	sst s25  }
0xac: {  	s6 =	sshll.u32 s26, $0x1;
	_ =	strace $0x80000049;
	[dreg:$0x1] =	wrdreg $0xFFFFFFFF  }
0xad: {  	s28 =	simm.s32 $_size_execute0_lowered;
	s4 =	sadd.s32 s4, s6;
	[dreg:$0x0] =	wrdreg $0x0  }
0xae: {  	s6 =	sshll.u32 s28, $0x1;
	[dreg:$0x2] =	wrdreg s4  }
0xaf: {  	[dreg:$0x3] =	wrdreg s6  }
0xb0: {  	[dreg:$0x4] =	wrdreg $0xC0  }
0xb1: {  	_ =	task [dreg:s8], $0x5FFFF  }
0xb2: {  	[dreg:$0x1] =	wrdreg $0xFFFFFFFF  }
0xb3: {  	[dreg:$0x0] =	wrdreg $0x60  }
0xb4: {  	[dreg:$0x2] =	wrdreg s16  }
0xb5: {  	[dreg:$0x3] =	wrdreg s24  }
0xb6: {  	[dreg:$0x4] =	wrdreg s17  }
0xb7: {  	[dreg:$0x5] =	wrdreg $0x82000  }
0xb8: {  	[dreg:$0x6] =	wrdreg $0x9  }
0xb9: {  	_ =	task.clear_ibuf [dreg:s8], $0x7FFFF;
	_ =	strace $0x90000049  }
0xba: {  	s29 =	simm.s32 $0x9;
	_ =	strace $0x8000004B  }
0xbb: {  	_ =	swait.ge [sflag:s29], $0x1  }
0xbc: {  	[sflag:s29] =	ssyncadd.s32 $0xFFFFFFFF  }
0xbd: {  	_ =	strace $0x9000004B  }
0xbe: {  	_ =	sfence  }
0xbf: {  	s30 =	sld [smem:$0x0];
	_ =	sdelay $0x2  }
0xc0: {  	s31 =	sshll.u32 s1, $0xD;
	s1 =	sshrl.u32 s1, $0x2  }
0xc1: {  	s3 =	sand.u32 $0x4000, s31;
	s1 =	sadd.s32 s1, s30  }
0xc2: {  	s0 =	sor.u32 s3, s0;
	s1 =	sshll.u32 s1, $0x11  }
0xc3: {  	s0 =	sor.u32 s1, s0  }
0xc4: {  	s0 =	sadd.s32 $0x8F2B, s0  }
0xc5: {  	[sflag:s0] =	ssyncadd.remote.s32 $0x1  }
0xc6: {  	_ =	sfence.sel $0xFFFF  }
0xc7: {  	[dreg:$0x0] =	wrdreg $0xFFFFFFFF;
	(pc) =	sbr.abs _section_cstart, $3  }
0xc8: {  	[dreg:$0x1] =	wrdreg $0xFFFFFFFF  }
0xc9: {  	_ =	task.clear_ibuf [dreg:s8], $0x2FFFF;
	_ =	strace $0x9FFFFFFF  }
0xca: {  	(tm) =	ssettm $0x7FFFFFFF  }
0xcb: {  	_ =	shalt  }
tec
execute0_lowered:
.L_overlay_start_1:
0x0: {  	(tag) =	ssettag $0x1  }
0x1: {  	s1 =	srdreg.scid  }
0x2: {  	s1 =	sand.u32 $0x1, s1  }
0x3: {  	s13 =	rddreg [dreg:$0x0];
	p0 =	seq.s32 s1, $0x0  }
.Ltmp0:
0x4: {  	s8 =	rddreg [dreg:$0x1];
	(pc) =	sbr.rel @p0 .LBB2_4-.Ltmp0, $4  }
0x5: {  	s3 =	rddreg [dreg:$0x2]  }
0x6: {  	s2 =	rddreg [dreg:$0x3];
	s6 =	simm.s32 $0x0  }
0x7: {  	[smem:$0x7FF] =	sst s6  }
0x8: {  	s0 =	rddreg [dreg:$0x4];
	_ =	strace $0x8000004A;
	s1 =	stileid.u32  }
0x9: {  	s4 =	smul.u32 $0x50000, s1;
	_ =	sdelay $0x1  }
0xa: {  	s4 =	sshrl.u32 s4, $0x2  }
0xb: {  	s26 =	sshll.u32 s1, $0x6;
	s5 =	sadd.s32 s4, s2  }
0xc: {  	s7 =	sadd.s32 $0x33600, s8;
	s4 =	sor.u32 $0x1C03, s26;
	s5 =	sshrl.u32 s5, $0x3  }
0xd: {  	[spmem:s5], [sflag:s4] =	dma.local [hbm:s7], $0x2800  }
0xe: {  	s7 =	simm.s32 $0x3  }
0xf: {  	_ =	swait.ge [sflag:s7], $0x2800  }
0x10: {  	s15 =	smul.u32 $0xA00, s1;
	[sflag:s7] =	ssyncset.done $0x0  }
0x11: {  	[sflag:s7] =	ssyncadd.s32 $0xFFFFD800  }
0x12: {  	s17 =	sadd.s32 s13, s15;
	[bflag:$0x0] =	sbarrier.arrive $0xFFFF  }
0x13: {  	[tilespmem:s6], [sflag:$0x3] =	stream.linear.gather [hbm4b:s17+s6], $0x80, $0x38;
	[tilespmem:$0x1C200] =	vst v63  }
0x14: {  	_ =	swait.ge [sflag:s7], $0x80  }
0x15: {  	s20 =	sadd.s32 $0x2400, s8;
	[sflag:s7] =	ssyncset.done $0x0  }
0x16: {  	s10 =	simm.s32 $0x100;
	s16 =	sadd.s32 s20, s15;
	[sflag:s7] =	ssyncadd.s32 $0xFFFFFF80  }
0x17: {  	[tilespmem:s10], [sflag:$0x3] =	stream.linear.gather [hbm4b:s16+s6], $0x80, $0x38;
	[tilespmem:$0x1C200] =	vst v63  }
0x18: {  	_ =	swait.ge [sflag:s7], $0x80  }
0x19: {  	s9 =	simm.s32 $0x80;
	[sflag:s7] =	ssyncset.done $0x0  }
0x1a: {  	s11 =	simm.s32 $0x200;
	s19 =	sadd.s32 $0xFFFFF620, s17;
	[sflag:s7] =	ssyncadd.s32 $0xFFFFFF80  }
0x1b: {  	[tilespmem:s11], [sflag:$0x1] =	stream.indirect.gather [hbm4b:s3+s9], $0x80, s6, s9, $0xb8;
	[tilespmem:$0x1C200] =	vst v63  }
0x1c: {  	s12 =	sadd.s32 $0x9F0, s19  }
0x1d: {  	[tilespmem:s9], [sflag:$0x3] =	stream.linear.gather [hbm4b:s12+s6], $0x80, $0x38;
	[tilespmem:$0x1C200] =	vst v63  }
0x1e: {  	_ =	swait.ge [sflag:s7], $0x80  }
0x1f: {  	s21 =	sadd.s32 $0xFFFFF620, s16;
	[sflag:s7] =	ssyncset.done $0x0  }
0x20: {  	s14 =	sadd.s32 $0x9F0, s21;
	s12 =	simm.s32 $0x180;
	[sflag:s7] =	ssyncadd.s32 $0xFFFFFF80  }
0x21: {  	[tilespmem:s12], [sflag:$0x3] =	stream.linear.gather [hbm4b:s14+s6], $0x80, $0x38;
	[tilespmem:$0x1C200] =	vst v63  }
0x22: {  	_ =	swait.ge [sflag:s7], $0x80  }
0x23: {  	[sflag:s7] =	ssyncset.done $0x0  }
0x24: {  	s18 =	simm.s32 $0x1;
	s14 =	simm.s32 $0x4200;
	[sflag:s7] =	ssyncadd.s32 $0xFFFFFF80  }
0x25: {  	[tilespmem:s14], [sflag:$0x2] =	stream.indirect.gather [hbm4b:s3+s9], $0x80, s9, s9, $0xb8;
	[tilespmem:$0x1C200] =	vst v63  }
0x26: {  	_ =	swait.ge [sflag:s18], $0x4000  }
0x27: {  	[sflag:s18] =	ssyncset.done $0x0  }
0x28: {  	[sflag:s18] =	ssyncadd.s32 $0xFFFFC000  }
0x29: {  	[spmem:s2] =	stream.indirect.scatter.add.f32 [tilespmem:s11], [sflag:$0x3], $0x80, s10, s9, $0xb8;
	[tilespmem:$0x1C200] =	vst v63  }
0x2a: {  	_ =	swait.ge [sflag:s7], $0x4000  }
0x2b: {  	[sflag:s7] =	ssyncset.done $0x0  }
0x2c: {  	s19 =	sadd.s32 $0xA00, s19;
	[sflag:s7] =	ssyncadd.s32 $0xFFFFC000  }
0x2d: {  	[tilespmem:s6], [sflag:$0x3] =	stream.linear.gather [hbm4b:s19+s6], $0x80, $0x38;
	[tilespmem:$0x1C200] =	vst v63  }
0x2e: {  	_ =	swait.ge [sflag:s7], $0x80  }
0x2f: {  	[sflag:s7] =	ssyncset.done $0x0  }
0x30: {  	s28 =	sadd.s32 $0xA00, s21;
	[sflag:s7] =	ssyncadd.s32 $0xFFFFFF80  }
0x31: {  	[tilespmem:s10], [sflag:$0x3] =	stream.linear.gather [hbm4b:s28+s6], $0x80, $0x38;
	[tilespmem:$0x1C200] =	vst v63  }
0x32: {  	_ =	swait.ge [sflag:s7], $0x80  }
0x33: {  	[sflag:s7] =	ssyncset.done $0x0  }
0x34: {  	s29 =	smul.u32 $0x2800, s1;
	s19 =	simm.s32 $0x2;
	[sflag:s7] =	ssyncadd.s32 $0xFFFFFF80  }
0x35: {  	[tilespmem:s11], [sflag:$0x1] =	stream.indirect.gather [hbm4b:s3+s9], $0x80, s6, s9, $0xb8;
	[tilespmem:$0x1C200] =	vst v63  }
0x36: {  	_ =	swait.ge [sflag:s19], $0x4000  }
0x37: {  	s23 =	simm.s32 $0xFFFFF660;
	s30 =	sadd.s32 s29, s8;
	[sflag:s19] =	ssyncset.done $0x0  }
0x38: {  	s31 =	sadd.s32 $0x9F0, s15;
	s8 =	sadd.s32 $0x35E00, s30;
	[sflag:s19] =	ssyncadd.s32 $0xFFFFC000  }
0x39: {  	[spmem:s2] =	stream.indirect.scatter.add.f32 [tilespmem:s14], [sflag:$0x3], $0x80, s12, s9, $0xb8;
	[tilespmem:$0x1C200] =	vst v63  }
0x3a: {  	s15 =	sadd.s32 s13, s31;
	s13 =	sadd.s32 s20, s31;
	_ =	swait.ge [sflag:s7], $0x4000  }
0x3b: {  	s20 =	simm.s32 $0xFFFFF640;
	s22 =	sadd.s32 $0xFFFFF640, s17;
	[sflag:s7] =	ssyncset.done $0x0  }
.LBB2_2:
0x3c: {  	s24 =	sadd.s32 $0x9F0, s22  }
0x3d: {  	[sflag:s7] =	ssyncadd.s32 $0xFFFFC000;
	s25 =	smov.u32 s23;
	s21 =	sadd.s32 $0x20, s23  }
0x3e: {  	[tilespmem:s9], [sflag:$0x3] =	stream.linear.gather [hbm4b:s24+s6], $0x80, $0x38;
	[tilespmem:$0x1C200] =	vst v63  }
0x3f: {  	p0 =	sne.s32 s23, $0xFFFFFFE0;
	_ =	swait.ge [sflag:s7], $0x80  }
0x40: {  	s23 =	sadd.s32 s20, s16;
	s20 =	smov.u32 s25;
	[sflag:s7] =	ssyncset.done $0x0  }
0x41: {  	s24 =	sadd.s32 $0x9F0, s23;
	[sflag:s7] =	ssyncadd.s32 $0xFFFFFF80  }
0x42: {  	[tilespmem:s12], [sflag:$0x3] =	stream.linear.gather [hbm4b:s24+s6], $0x80, $0x38;
	[tilespmem:$0x1C200] =	vst v63  }
0x43: {  	_ =	swait.ge [sflag:s7], $0x80  }
0x44: {  	[sflag:s7] =	ssyncset.done $0x0  }
0x45: {  	[sflag:s7] =	ssyncadd.s32 $0xFFFFFF80  }
0x46: {  	[tilespmem:s14], [sflag:$0x2] =	stream.indirect.gather [hbm4b:s3+s9], $0x80, s9, s9, $0xb8;
	[tilespmem:$0x1C200] =	vst v63  }
0x47: {  	_ =	swait.ge [sflag:s18], $0x4000  }
0x48: {  	[sflag:s18] =	ssyncset.done $0x0  }
0x49: {  	[sflag:s18] =	ssyncadd.s32 $0xFFFFC000  }
0x4a: {  	[spmem:s2] =	stream.indirect.scatter.add.f32 [tilespmem:s11], [sflag:$0x3], $0x80, s10, s9, $0xb8;
	[tilespmem:$0x1C200] =	vst v63  }
0x4b: {  	_ =	swait.ge [sflag:s7], $0x4000  }
0x4c: {  	[sflag:s7] =	ssyncset.done $0x0  }
0x4d: {  	s22 =	sadd.s32 $0xA00, s22;
	[sflag:s7] =	ssyncadd.s32 $0xFFFFC000  }
0x4e: {  	[tilespmem:s6], [sflag:$0x3] =	stream.linear.gather [hbm4b:s22+s6], $0x80, $0x38;
	[tilespmem:$0x1C200] =	vst v63  }
0x4f: {  	_ =	swait.ge [sflag:s7], $0x80  }
0x50: {  	[sflag:s7] =	ssyncset.done $0x0  }
0x51: {  	s22 =	sadd.s32 $0xA00, s23;
	[sflag:s7] =	ssyncadd.s32 $0xFFFFFF80  }
0x52: {  	[tilespmem:s10], [sflag:$0x3] =	stream.linear.gather [hbm4b:s22+s6], $0x80, $0x38;
	[tilespmem:$0x1C200] =	vst v63  }
0x53: {  	_ =	swait.ge [sflag:s7], $0x80  }
0x54: {  	[sflag:s7] =	ssyncset.done $0x0  }
0x55: {  	[sflag:s7] =	ssyncadd.s32 $0xFFFFFF80  }
0x56: {  	[tilespmem:s11], [sflag:$0x1] =	stream.indirect.gather [hbm4b:s3+s9], $0x80, s6, s9, $0xb8;
	[tilespmem:$0x1C200] =	vst v63  }
0x57: {  	_ =	swait.ge [sflag:s19], $0x4000  }
.Ltmp1:
0x58: {  	[sflag:s19] =	ssyncset.done $0x0;
	(pc) =	sbr.rel @p0 .LBB2_2-.Ltmp1, $4  }
0x59: {  	[sflag:s19] =	ssyncadd.s32 $0xFFFFC000  }
0x5a: {  	[spmem:s2] =	stream.indirect.scatter.add.f32 [tilespmem:s14], [sflag:$0x3], $0x80, s12, s9, $0xb8;
	[tilespmem:$0x1C200] =	vst v63  }
0x5b: {  	_ =	swait.ge [sflag:s7], $0x4000  }
0x5c: {  	s23 =	smov.u32 s21;
	s22 =	sadd.s32 s20, s17;
	[sflag:s7] =	ssyncset.done $0x0  }
0x5d: {  	s17 =	sadd.s32 $0x9F0, s22;
	[sflag:s7] =	ssyncadd.s32 $0xFFFFC000  }
0x5e: {  	[tilespmem:s9], [sflag:$0x3] =	stream.linear.gather [hbm4b:s17+s6], $0x80, $0x38;
	[tilespmem:$0x1C200] =	vst v63  }
0x5f: {  	_ =	swait.ge [sflag:s7], $0x80  }
0x60: {  	s16 =	sadd.s32 s20, s16;
	[sflag:s7] =	ssyncset.done $0x0  }
0x61: {  	s20 =	sadd.s32 $0x9F0, s16;
	[sflag:s7] =	ssyncadd.s32 $0xFFFFFF80  }
0x62: {  	[tilespmem:s12], [sflag:$0x3] =	stream.linear.gather [hbm4b:s20+s6], $0x80, $0x38;
	[tilespmem:$0x1C200] =	vst v63  }
0x63: {  	_ =	swait.ge [sflag:s7], $0x80  }
0x64: {  	[sflag:s7] =	ssyncset.done $0x0  }
0x65: {  	[sflag:s7] =	ssyncadd.s32 $0xFFFFFF80  }
0x66: {  	[tilespmem:s14], [sflag:$0x2] =	stream.indirect.gather [hbm4b:s3+s9], $0x80, s9, s9, $0xb8;
	[tilespmem:$0x1C200] =	vst v63  }
0x67: {  	_ =	swait.ge [sflag:s18], $0x4000  }
0x68: {  	[sflag:s18] =	ssyncset.done $0x0  }
0x69: {  	[sflag:s18] =	ssyncadd.s32 $0xFFFFC000  }
0x6a: {  	[spmem:s2] =	stream.indirect.scatter.add.f32 [tilespmem:s11], [sflag:$0x3], $0x80, s10, s9, $0xb8;
	[tilespmem:$0x1C200] =	vst v63  }
0x6b: {  	_ =	swait.ge [sflag:s7], $0x4000  }
0x6c: {  	[sflag:s7] =	ssyncset.done $0x0  }
0x6d: {  	s21 =	sadd.s32 $0xA00, s22;
	[sflag:s7] =	ssyncadd.s32 $0xFFFFC000  }
0x6e: {  	[tilespmem:s6], [sflag:$0x3] =	stream.linear.gather [hbm4b:s21+s6], $0x80, $0x38;
	[tilespmem:$0x1C200] =	vst v63  }
0x6f: {  	_ =	swait.ge [sflag:s7], $0x80  }
0x70: {  	[sflag:s7] =	ssyncset.done $0x0  }
0x71: {  	s16 =	sadd.s32 $0xA00, s16;
	[sflag:s7] =	ssyncadd.s32 $0xFFFFFF80  }
0x72: {  	[tilespmem:s10], [sflag:$0x3] =	stream.linear.gather [hbm4b:s16+s6], $0x80, $0x38;
	[tilespmem:$0x1C200] =	vst v63  }
0x73: {  	_ =	swait.ge [sflag:s7], $0x80  }
0x74: {  	[sflag:s7] =	ssyncset.done $0x0  }
0x75: {  	[sflag:s7] =	ssyncadd.s32 $0xFFFFFF80  }
0x76: {  	[tilespmem:s11], [sflag:$0x1] =	stream.indirect.gather [hbm4b:s3+s9], $0x80, s6, s9, $0xb8;
	[tilespmem:$0x1C200] =	vst v63  }
0x77: {  	_ =	swait.ge [sflag:s19], $0x4000  }
0x78: {  	[sflag:s19] =	ssyncset.done $0x0  }
0x79: {  	[sflag:s19] =	ssyncadd.s32 $0xFFFFC000  }
0x7a: {  	[spmem:s2] =	stream.indirect.scatter.add.f32 [tilespmem:s14], [sflag:$0x3], $0x80, s12, s9, $0xb8;
	[tilespmem:$0x1C200] =	vst v63  }
0x7b: {  	_ =	swait.ge [sflag:s7], $0x4000  }
0x7c: {  	s22 =	simm.s32 $0x0;
	[sflag:s7] =	ssyncset.done $0x0  }
0x7d: {  	s23 =	simm.s32 $0x80;
	s24 =	simm.s32 $0x3;
	[sflag:s7] =	ssyncadd.s32 $0xFFFFC000  }
0x7e: {  	[tilespmem:s23], [sflag:$0x3] =	stream.linear.gather [hbm4b:s15+s22], $0x80, $0x38;
	[tilespmem:$0x1C200] =	vst v63  }
0x7f: {  	_ =	swait.ge [sflag:s24], $0x80  }
0x80: {  	[sflag:s24] =	ssyncset.done $0x0  }
0x81: {  	s25 =	simm.s32 $0x180;
	[sflag:s24] =	ssyncadd.s32 $0xFFFFFF80  }
0x82: {  	[tilespmem:s25], [sflag:$0x3] =	stream.linear.gather [hbm4b:s13+s22], $0x80, $0x38;
	[tilespmem:$0x1C200] =	vst v63  }
0x83: {  	_ =	swait.ge [sflag:s24], $0x80  }
0x84: {  	[sflag:s24] =	ssyncset.done $0x0  }
0x85: {  	s26 =	simm.s32 $0x4200;
	s28 =	simm.s32 $0x1;
	[sflag:s24] =	ssyncadd.s32 $0xFFFFFF80  }
0x86: {  	[tilespmem:s26], [sflag:$0x2] =	stream.indirect.gather [hbm4b:s3+s23], $0x80, s23, s23, $0xb8;
	[tilespmem:$0x1C200] =	vst v63  }
0x87: {  	_ =	swait.ge [sflag:s28], $0x4000  }
0x88: {  	[sflag:s28] =	ssyncset.done $0x0  }
0x89: {  	s29 =	simm.s32 $0x100;
	s30 =	simm.s32 $0x200;
	[sflag:s28] =	ssyncadd.s32 $0xFFFFC000  }
0x8a: {  	[spmem:s2] =	stream.indirect.scatter.add.f32 [tilespmem:s30], [sflag:$0x3], $0x80, s29, s23, $0xb8;
	[tilespmem:$0x1C200] =	vst v63  }
0x8b: {  	_ =	swait.ge [sflag:s24], $0x4000  }
0x8c: {  	[sflag:s24] =	ssyncset.done $0x0  }
0x8d: {  	[sflag:s24] =	ssyncadd.s32 $0xFFFFC000  }
0x8e: {  	[tilespmem:s22], [sflag:$0x3] =	stream.linear.gather [hbm4b:s15+s22], $0x80, $0x38;
	[tilespmem:$0x1C200] =	vst v63  }
0x8f: {  	_ =	swait.ge [sflag:s24], $0x80  }
0x90: {  	[sflag:s24] =	ssyncset.done $0x0  }
0x91: {  	[sflag:s24] =	ssyncadd.s32 $0xFFFFFF80  }
0x92: {  	[tilespmem:s29], [sflag:$0x3] =	stream.linear.gather [hbm4b:s13+s22], $0x80, $0x38;
	[tilespmem:$0x1C200] =	vst v63  }
0x93: {  	_ =	swait.ge [sflag:s24], $0x80  }
0x94: {  	[sflag:s24] =	ssyncset.done $0x0  }
0x95: {  	s31 =	simm.s32 $0x2;
	[sflag:s24] =	ssyncadd.s32 $0xFFFFFF80  }
0x96: {  	[tilespmem:s30], [sflag:$0x1] =	stream.indirect.gather [hbm4b:s3+s23], $0x80, s22, s23, $0xb8;
	[tilespmem:$0x1C200] =	vst v63  }
0x97: {  	_ =	swait.ge [sflag:s31], $0x4000  }
0x98: {  	[sflag:s31] =	ssyncset.done $0x0  }
0x99: {  	[sflag:s31] =	ssyncadd.s32 $0xFFFFC000  }
0x9a: {  	[spmem:s2] =	stream.indirect.scatter.add.f32 [tilespmem:s26], [sflag:$0x3], $0x80, s25, s23, $0xb8;
	[tilespmem:$0x1C200] =	vst v63  }
0x9b: {  	_ =	swait.ge [sflag:s24], $0x4000  }
0x9c: {  	[sflag:s24] =	ssyncset.done $0x0  }
0x9d: {  	[sflag:s24] =	ssyncadd.s32 $0xFFFFC000  }
0x9e: {  	_ =	swait.ge [sflag:s28], $0x4000  }
0x9f: {  	[sflag:s28] =	ssyncset.done $0x0  }
0xa0: {  	[sflag:s28] =	ssyncadd.s32 $0xFFFFC000  }
0xa1: {  	[bflag:$0x0] =	sbarrier.arrive $0xFFFF  }
0xa2: {  	[hbm:s8], [sflag:s4] =	dma.local [spmem:s5], $0x2800  }
0xa3: {  	_ =	swait.ge [sflag:s24], $0x2800  }
0xa4: {  	[sflag:s24] =	ssyncset.done $0x0  }
0xa5: {  	[sflag:s24] =	ssyncadd.s32 $0xFFFFD800  }
.LBB2_4:
0xa6: {  	_ =	sfence.sel $0x180000  }
0xa7: {  	[bflag:$0x0] =	sbarrier.arrive $0xFFFF  }
0xa8: {  	p0 =	sne.s32 s1, $0x0;
	_ =	strace $0x9000004A  }
0xa9: {  	s0 =	sadd.s32 @!p0 $0x100000, s0;
	[bflag:$0x2] =	sbarrier.arrive $0xFFFF  }
0xaa: {  	[sflag:s0] =	ssyncadd.tile.s32 @!p0 $0x1;
	_ =	shalt  }
.Lfunc_end2:
_tile_overlayer_lowered:
.L_overlay_start_2:
0xab: {  	(tag) =	ssettag $0x2  }
0xac: {  	s0 =	rddreg [dreg:$0x0];
	s2 =	stileid.u32  }
0xad: {  	s1 =	rddreg [dreg:$0x1];
	p0 =	sne.s32 s2, $0x0  }
0xae: {  	s3 =	rddreg [dreg:$0x2];
	[bflag:$0x3] =	sbarrier.arrive $0xFFFF;
	s2 =	simm.s32 @!p0 $0x1C03  }
0xaf: {  	[timem:s3], [sflag:s2] =	dma.local @!p0 [hbm:s0], s1  }
0xb0: {  	s0 =	simm.s32 @!p0 $0x3  }
0xb1: {  	_ =	swait.ge @!p0 [sflag:s0], s1  }
0xb2: {  	s1 =	ssub.s32 @!p0 $0x0, s1;
	[sflag:s0] =	ssyncset.done @!p0 $0x0  }
0xb3: {  	[sflag:s0] =	ssyncadd.s32 @!p0 s1  }
0xb4: {  	[bflag:$0x3] =	sbarrier.arrive $0xFFFF  }
0xb5: {  	_ =	shalt  }

// kernel: kernel.7.cloned.1.call-start
scs
__scs_entry_jumppad:
0x0: {  	(pc) =	sbr.rel $0x88, $3  }
0x1: {  	(tag) =	ssettag $0x0;
	lr =	simm.s32 $0x1  }
0x2: {  	[smem:$0x3F97] =	sst lr;
	_ =	strace $0xD0000000  }
0x3: {  	_ = 	snop  }
0x4: {  	_ = 	snop  }
0x5: {  	_ = 	snop  }
0x6: {  	_ = 	snop  }
0x7: {  	_ = 	snop  }
__scs_overlays_trampoline_lowered:
0x8: {  	[smem:$0x3FA6] =	sst s0  }
0x9: {  	[smem:$0x3FA7] =	sst s1  }
0xa: {  	[smem:$0x3FA8] =	sst s2  }
0xb: {  	[smem:$0x3FA9] =	sst s3  }
0xc: {  	[smem:$0x3FAA] =	sst s4  }
0xd: {  	[smem:$0x3FAB] =	sst s5  }
0xe: {  	[smem:$0x3FAC] =	sst s6  }
0xf: {  	[smem:$0x3FAD] =	sst s7  }
0x10: {  	[smem:$0x3FAE] =	sst s8  }
0x11: {  	[smem:$0x3FAF] =	sst s9;
	s0 =	simm.s32 @!p0 $0x0  }
0x12: {  	s1 =	sld [smem:$0x3F95];
	s0 =	simm.s32 @p0 $0x1  }
0x13: {  	[smem:$0x3FB0] =	sst s0;
	s0 =	simm.s32 @!p1 $0x0  }
0x14: {  	s2 =	sld [smem:$0x3F94];
	s0 =	simm.s32 @p1 $0x1  }
0x15: {  	[smem:$0x3FB1] =	sst s0;
	s0 =	simm.s32 @!p2 $0x0  }
0x16: {  	s3 =	sld [smem:$0x3FDB];
	s0 =	simm.s32 @p2 $0x1  }
0x17: {  	s4 =	simm.s32 $0x1BF5;
	[smem:$0x3FB3] =	sst s0  }
0x18: {  	s0 =	sld [smem:$0x3F96];
	_ =	swait.ge [sflag:s4], $0x0  }
0x19: {  	s7 =	sld [smem:$0x3F97]  }
0x1a: {  	s8 =	sadd.s32 $0xFFFFE003, lr  }
0x1b: {  	s9 =	sadd.s32 $0xFFFFFEF7, lr;
	s5 =	simm.s32 $0xFFFFFFFF;
	p2 =	slt.u32 s8, $0xFFFFF086  }
0x1c: {  	p1 =	slt.u32 s9, $0xF7A;
	s5 =	simm.s32 @!p2 $0x0  }
0x1d: {  	s5 =	simm.s32 @p1 $0x1;
	p0 =	seq.s32 s7, s2  }
0x1e: {  	s7 =	smul.u32 @!p0 $0xF7A, s2;
	p2 =	seq.s32 @!p0 s5, $0x0  }
0x1f: {  	s9 =	smul.u32 $0xF7A, s1;
	s8 =	simm.s32 @!p0 $0x1BF5;
	p2 =	por !p2, p0  }
0x20: {  	[sflag:s8] =	ssyncset.s32 @!p0 $0xFFFFF086;
	s6 =	sadd.s32 @!p0 s3, s7;
	s7 =	simm.s32 @!p0 $0x108  }
0x21: {  	s3 =	sadd.s32 s3, s9;
	s6 =	sadd.s32 @!p0 $0x88, s6;
	s7 =	simm.s32 @p2 $0x1082  }
0x22: {  	[simem:s7], [sflag:s8] =	dma.local @!p0 [hbm:s6], $0xF7A  }
0x23: {  	s9 =	sor.u32 $0xD0000000, s2;
	s6 =	simm.s32 $0x108;
	_ =	swait.ge @!p0 [sflag:s8], $0x0  }
0x24: {  	s3 =	sadd.s32 $0x88, s3;
	s6 =	simm.s32 @!p1 $0x1082;
	[sflag:s4] =	ssyncset.s32 $0xFFFFF086  }
0x25: {  	[simem:s6], [sflag:s4] =	dma.local [hbm:s3], $0xF7A  }
0x26: {  	[smem:$0x3F97] =	sst s1;
	(tag) =	ssettag s2;
	_ =	strace s9  }
0x27: {  	s1 =	sld [smem:$0x3FA7]  }
0x28: {  	s2 =	sld [smem:$0x3FA8]  }
0x29: {  	s4 =	sld [smem:$0x3FAA]  }
0x2a: {  	p0 =	seq.s32 s5, $0x0;
	s5 =	sld [smem:$0x3FAB]  }
0x2b: {  	s6 =	sld [smem:$0x3FAC]  }
0x2c: {  	s7 =	sld [smem:$0x3FAD]  }
0x2d: {  	s3 =	simm.s32 $0x108;
	s8 =	sld [smem:$0x3FAE]  }
0x2e: {  	s3 =	simm.s32 @!p0 $0x1082;
	s9 =	sld [smem:$0x3FAF]  }
0x2f: {  	lr =	sadd.s32 s0, s3;
	s0 =	sld [smem:$0x3FA6]  }
0x30: {  	s3 =	sld [smem:$0x3FA9]  }
0x31: {  	[smem:$0x3FB2] =	sst s10  }
0x32: {  	s10 =	sld [smem:$0x3FB0];
	_ =	sdelay $0x3  }
0x33: {  	p0 =	seq.s32 s10, $0x1;
	s10 =	sld [smem:$0x3FB2];
	_ =	sdelay $0x3  }
0x34: {  	[smem:$0x3FB2] =	sst s10  }
0x35: {  	s10 =	sld [smem:$0x3FB1];
	_ =	sdelay $0x3  }
0x36: {  	p1 =	seq.s32 s10, $0x1;
	s10 =	sld [smem:$0x3FB2];
	_ =	sdelay $0x3  }
0x37: {  	[smem:$0x3FB2] =	sst s10  }
0x38: {  	s10 =	sld [smem:$0x3FB3]  }
0x39: {  	_ = 	snop;
	(pc) =	sbr.ind lr, $3  }
0x3a: {  	_ = 	snop  }
0x3b: {  	_ = 	snop  }
0x3c: {  	p2 =	seq.s32 s10, $0x1;
	s10 =	sld [smem:$0x3FB2]  }
0x3d: {  	_ =	shalt  }
0x3e: {  	_ =	shalt  }
0x3f: {  	_ =	shalt  }
0x40: {  	_ =	shalt  }
0x41: {  	_ =	shalt  }
0x42: {  	_ =	shalt  }
0x43: {  	_ =	shalt  }
0x44: {  	_ =	shalt  }
0x45: {  	_ =	shalt  }
0x46: {  	_ =	shalt  }
0x47: {  	_ =	shalt  }
0x48: {  	_ =	shalt  }
0x49: {  	_ =	shalt  }
0x4a: {  	_ =	shalt  }
0x4b: {  	_ =	shalt  }
0x4c: {  	_ =	shalt  }
0x4d: {  	_ =	shalt  }
0x4e: {  	_ =	shalt  }
0x4f: {  	_ =	shalt  }
0x50: {  	_ =	shalt  }
0x51: {  	_ =	shalt  }
0x52: {  	_ =	shalt  }
0x53: {  	_ =	shalt  }
0x54: {  	_ =	shalt  }
0x55: {  	_ =	shalt  }
0x56: {  	_ =	shalt  }
0x57: {  	_ =	shalt  }
0x58: {  	_ =	shalt  }
0x59: {  	_ =	shalt  }
0x5a: {  	_ =	shalt  }
0x5b: {  	_ =	shalt  }
0x5c: {  	_ =	shalt  }
0x5d: {  	_ =	shalt  }
0x5e: {  	_ =	shalt  }
0x5f: {  	_ =	shalt  }
0x60: {  	_ =	shalt  }
0x61: {  	_ =	shalt  }
0x62: {  	_ =	shalt  }
0x63: {  	_ =	shalt  }
0x64: {  	_ =	shalt  }
0x65: {  	_ =	shalt  }
0x66: {  	_ =	shalt  }
0x67: {  	_ =	shalt  }
0x68: {  	_ =	shalt  }
0x69: {  	_ =	shalt  }
0x6a: {  	_ =	shalt  }
0x6b: {  	_ =	shalt  }
0x6c: {  	_ =	shalt  }
0x6d: {  	_ =	shalt  }
0x6e: {  	_ =	shalt  }
0x6f: {  	_ =	shalt  }
0x70: {  	_ =	shalt  }
0x71: {  	_ =	shalt  }
0x72: {  	_ =	shalt  }
0x73: {  	_ =	shalt  }
0x74: {  	_ =	shalt  }
0x75: {  	_ =	shalt  }
0x76: {  	_ =	shalt  }
0x77: {  	_ =	shalt  }
0x78: {  	_ =	shalt  }
0x79: {  	_ =	shalt  }
0x7a: {  	_ =	shalt  }
0x7b: {  	_ =	shalt  }
0x7c: {  	_ =	shalt  }
0x7d: {  	_ =	shalt  }
0x7e: {  	_ =	shalt  }
0x7f: {  	_ =	shalt  }
0x80: {  	_ =	shalt  }
0x81: {  	_ =	shalt  }
0x82: {  	_ =	shalt  }
0x83: {  	_ =	shalt  }
0x84: {  	_ =	shalt  }
0x85: {  	_ =	shalt  }
0x86: {  	_ =	shalt  }
0x87: {  	_ =	shalt  }
.Lfunc_end0:
.L_simem_size_0:
called_computation_lowered:
.L_overlay_start_0:
0x88: {  	s2 =	sld [smem:$0x3FD9]  }
0x89: {  	s3 =	sld [smem:$0x3FFE];
	_ =	sdelay $0x1  }
0x8a: {  	s1 =	srdreg.scid  }
0x8b: {  	s0 =	sand.u32 $0x1, s1  }
0x8c: {  	s14 =	sshll.u32 s0, $0xA;
	s2 =	sadd.s32 s3, s2  }
0x8d: {  	s2 =	sadd.s32 s2, s14  }
0x8e: {  	[smem:$0x3FBE] =	sst s2  }
0x8f: {  	_ = 	snop  }
0x90: {  	s2 =	sld [smem:$0x3FD0];
	_ =	sdelay $0x2  }
0x91: {  	s15 =	simm.s32 $0xA;
	s4 =	simm.s32 $0x10  }
0x92: {  	[smem:s4], [sflag:s15] =	dma.local [hbm:s2], $0x1  }
0x93: {  	_ =	swait.eq [sflag:s15], $0x1  }
0x94: {  	[sflag:s15] =	ssyncset.done $0x0  }
0x95: {  	s16 =	sld [smem:$0x10];
	[sflag:s15] =	ssyncadd.s32 $0xFFFFFFFF  }
0x96: {  	s17 =	sld [smem:$0x11];
	(tm) =	ssettm $0x1  }
0x97: {  	s18 =	sld [smem:$0x3FFB];
	_ =	sdelay $0x3  }
0x98: {  	_ =	strace s18  }
0x99: {  	s4 =	sld [smem:$0x3FFC];
	_ =	sdelay $0x3  }
0x9a: {  	_ =	strace s4  }
0x9b: {  	s4 =	sld [smem:$0x3FFD];
	_ =	sdelay $0x3  }
0x9c: {  	_ =	strace s4  }
0x9d: {  	_ =	strace $0x8FFFFFFF  }
0x9e: {  	s19 =	sld [smem:$0x3FDB];
	_ =	sdelay $0x1  }
0x9f: {  	s5 =	simm.s32 $_scs_section_size  }
0xa0: {  	s6 =	simm.s32 $_size__tile_overlayer_lowered;
	s7 =	simm.s32 $_tile_overlayer_lowered  }
0xa1: {  	s22 =	simm.s32 $0x1BFF;
	s21 =	sshll.u32 s7, $0x1;
	s4 =	sadd.s32 s5, s19  }
0xa2: {  	s8 =	simm.s32 $0x0;
	s20 =	sshll.u32 s6, $0x1;
	s6 =	sadd.s32 s21, s4  }
0xa3: {  	[timem:s8], [sflag:s22] =	dma.local [hbm:s6], s20  }
0xa4: {  	_ =	swait.ge [sflag:s22], s20  }
0xa5: {  	s5 =	ssub.s32 $0x0, s20;
	[sflag:s22] =	ssyncset.done $0x0  }
0xa6: {  	[sflag:s22] =	ssyncadd.s32 s5;
	_ =	sdelay $0x1  }
0xa7: {  	s23 =	simm.s32 $0x1B8B  }
0xa8: {  	_ =	swait.ge [sflag:s23], $0x1  }
0xa9: {  	[sflag:s23] =	ssyncset.done $0x0  }
0xaa: {  	s25 =	simm.s32 $0x1B8E;
	s24 =	sld [smem:$0x3FFE];
	[sflag:s23] =	ssyncadd.s32 $0xFFFFFFFF  }
0xab: {  	s26 =	simm.s32 $execute0_lowered;
	[smem:$0x3FD2] =	sst s25  }
0xac: {  	s6 =	sshll.u32 s26, $0x1;
	_ =	strace $0x80000046;
	[dreg:$0x1] =	wrdreg $0xFFFFFFFF  }
0xad: {  	s28 =	simm.s32 $_size_execute0_lowered;
	s4 =	sadd.s32 s4, s6;
	[dreg:$0x0] =	wrdreg $0x0  }
0xae: {  	s6 =	sshll.u32 s28, $0x1;
	[dreg:$0x2] =	wrdreg s4  }
0xaf: {  	[dreg:$0x3] =	wrdreg s6  }
0xb0: {  	[dreg:$0x4] =	wrdreg $0xC0  }
0xb1: {  	_ =	task [dreg:s8], $0x5FFFF  }
0xb2: {  	[dreg:$0x1] =	wrdreg $0xFFFFFFFF  }
0xb3: {  	[dreg:$0x0] =	wrdreg $0x60  }
0xb4: {  	[dreg:$0x2] =	wrdreg s16  }
0xb5: {  	[dreg:$0x3] =	wrdreg s24  }
0xb6: {  	[dreg:$0x4] =	wrdreg s17  }
0xb7: {  	[dreg:$0x5] =	wrdreg $0x82000  }
0xb8: {  	[dreg:$0x6] =	wrdreg $0x9  }
0xb9: {  	_ =	task.clear_ibuf [dreg:s8], $0x7FFFF;
	_ =	strace $0x90000046  }
0xba: {  	s29 =	simm.s32 $0x9;
	_ =	strace $0x80000048  }
0xbb: {  	_ =	swait.ge [sflag:s29], $0x1  }
0xbc: {  	[sflag:s29] =	ssyncadd.s32 $0xFFFFFFFF  }
0xbd: {  	_ =	strace $0x90000048  }
0xbe: {  	_ =	sfence  }
0xbf: {  	s30 =	sld [smem:$0x0];
	_ =	sdelay $0x2  }
0xc0: {  	s31 =	sshll.u32 s1, $0xD;
	s1 =	sshrl.u32 s1, $0x2  }
0xc1: {  	s3 =	sand.u32 $0x4000, s31;
	s1 =	sadd.s32 s1, s30  }
0xc2: {  	s0 =	sor.u32 s3, s0;
	s1 =	sshll.u32 s1, $0x11  }
0xc3: {  	s0 =	sor.u32 s1, s0  }
0xc4: {  	s0 =	sadd.s32 $0x8F2B, s0  }
0xc5: {  	[sflag:s0] =	ssyncadd.remote.s32 $0x1  }
0xc6: {  	_ =	sfence.sel $0xFFFF  }
0xc7: {  	[dreg:$0x0] =	wrdreg $0xFFFFFFFF;
	(pc) =	sbr.abs _section_cstart, $3  }
0xc8: {  	[dreg:$0x1] =	wrdreg $0xFFFFFFFF  }
0xc9: {  	_ =	task.clear_ibuf [dreg:s8], $0x2FFFF;
	_ =	strace $0x9FFFFFFF  }
0xca: {  	(tm) =	ssettm $0x7FFFFFFF  }
0xcb: {  	_ =	shalt  }
tec
execute0_lowered:
.L_overlay_start_1:
0x0: {  	(tag) =	ssettag $0x1  }
0x1: {  	s1 =	srdreg.scid  }
0x2: {  	s1 =	sand.u32 $0x1, s1  }
0x3: {  	s4 =	rddreg [dreg:$0x0];
	p0 =	seq.s32 s1, $0x1  }
.Ltmp0:
0x4: {  	s10 =	rddreg [dreg:$0x1];
	(pc) =	sbr.rel @p0 .LBB2_7-.Ltmp0, $4  }
0x5: {  	s5 =	rddreg [dreg:$0x2]  }
0x6: {  	s6 =	rddreg [dreg:$0x3];
	s7 =	simm.s32 $0x0  }
0x7: {  	[smem:$0x7FF] =	sst s7  }
0x8: {  	s0 =	rddreg [dreg:$0x4];
	_ =	strace $0x80000047;
	s1 =	stileid.u32  }
0x9: {  	s2 =	smul.u32 $0x50000, s1;
	_ =	sdelay $0x1  }
0xa: {  	s2 =	sshrl.u32 s2, $0x2  }
0xb: {  	s3 =	sshll.u32 s1, $0x6;
	s2 =	sadd.s32 s2, s6  }
0xc: {  	s11 =	sadd.s32 $0x33600, s10;
	s8 =	sor.u32 $0x1C03, s3;
	s9 =	sshrl.u32 s2, $0x3  }
0xd: {  	[spmem:s9], [sflag:s8] =	dma.local [hbm:s11], $0x2800  }
0xe: {  	s30 =	sadd.s32 $0x35E00, s10;
	s14 =	smul.u32 $0xA00, s1;
	s11 =	simm.s32 $0x3  }
0xf: {  	s12 =	simm.s32 $0x1C200;
	s16 =	smul.u32 $0x280, s1;
	_ =	swait.ge [sflag:s11], $0x2800  }
0x10: {  	s13 =	sadd.s32 $0x2400, s10;
	s18 =	smul.u32 $0xA0, s1;
	[sflag:s11] =	ssyncset.done $0x0  }
0x11: {  	s17 =	simm.s32 $0x100;
	s31 =	smul.u32 $0x500, s1;
	[sflag:s11] =	ssyncadd.s32 $0xFFFFD800  }
0x12: {  	[tilespmem:s12], [sflag:$0x3] =	stream.linear.gather [hbm4b:s30+s7], $0x2800, $0x38;
	[tilespmem:$0x1F700] =	vst v63  }
0x13: {  	s19 =	simm.s32 $0x80;
	s20 =	simm.s32 $0x200;
	_ =	swait.ge [sflag:s11], $0x2800  }
0x14: {  	s24 =	simm.s32 $0x4200;
	s25 =	simm.s32 $0x1;
	[sflag:s11] =	ssyncset.done $0x0  }
0x15: {  	s26 =	simm.s32 $0x2;
	s28 =	simm.s32 $0x0;
	[sflag:s11] =	ssyncadd.s32 $0xFFFFD800  }
0x16: {  	s3 =	sadd.s32 $0x3B400, s10;
	s22 =	sadd.s32 s4, s14;
	[bflag:$0x0] =	sbarrier.arrive $0xFFFF  }
0x17: {  	[tilespmem:s7], [sflag:$0x3] =	stream.linear.gather [hbm4b:s22+s7], $0x80, $0x38;
	[tilespmem:$0x1F700] =	vst v63  }
0x18: {  	s21 =	sadd.s32 s13, s14;
	s2 =	smul.u32 $0x2800, s1;
	_ =	swait.ge [sflag:s11], $0x80  }
0x19: {  	s18 =	sor.u32 $0x2, s18;
	s23 =	sshrl.u32 s16, $0x3;
	[sflag:s11] =	ssyncset.done $0x0  }
0x1a: {  	s15 =	sadd.s32 s2, s10;
	s10 =	sadd.s32 $0x36400, s10;
	[sflag:s11] =	ssyncadd.s32 $0xFFFFFF80  }
0x1b: {  	[tilespmem:s17], [sflag:$0x3] =	stream.linear.gather [hbm4b:s21+s7], $0x80, $0x38;
	[tilespmem:$0x1F700] =	vst v63  }
0x1c: {  	s15 =	sadd.s32 $0x63400, s15;
	s16 =	sadd.s32 s10, s31;
	_ =	swait.ge [sflag:s11], $0x80  }
0x1d: {  	s14 =	sadd.s32 s10, s23;
	s23 =	simm.s32 $0x180;
	[sflag:s11] =	ssyncset.done $0x0  }
0x1e: {  	s22 =	sadd.s32 $0x10, s22;
	s21 =	sadd.s32 $0x10, s21;
	[sflag:s11] =	ssyncadd.s32 $0xFFFFFF80  }
0x1f: {  	v0 =	vimm.f32 $1.000000000e+00;
	[tilespmem:s20], [sflag:$0x1] =	stream.indirect.gather [hbm4b:s5+s19], $0x80, s7, s19, $0xb8;
	[tilespmem:$0x1F700] =	vst v63  }
.LBB2_2:
0x20: {  	[tilespmem:s19], [sflag:$0x3] =	stream.linear.gather [hbm4b:s22+s7], $0x80, $0x38;
	[tilespmem:$0x1F700] =	vst v63  }
0x21: {  	_ =	swait.ge [sflag:s11], $0x80  }
0x22: {  	[sflag:s11] =	ssyncset.done $0x0  }
0x23: {  	[sflag:s11] =	ssyncadd.s32 $0xFFFFFF80  }
0x24: {  	[tilespmem:s23], [sflag:$0x3] =	stream.linear.gather [hbm4b:s21+s7], $0x80, $0x38;
	[tilespmem:$0x1F700] =	vst v63  }
0x25: {  	_ =	swait.ge [sflag:s11], $0x80  }
0x26: {  	[sflag:s11] =	ssyncset.done $0x0  }
0x27: {  	[sflag:s11] =	ssyncadd.s32 $0xFFFFFF80  }
0x28: {  	[tilespmem:s24], [sflag:$0x2] =	stream.indirect.gather [hbm4b:s5+s19], $0x80, s19, s19, $0xb8;
	[tilespmem:$0x1F700] =	vst v63  }
0x29: {  	_ =	swait.ge [sflag:s25], $0x4000  }
0x2a: {  	[sflag:s25] =	ssyncset.done $0x0  }
0x2b: {  	[sflag:s25] =	ssyncadd.s32 $0xFFFFC000  }
0x2c: {  	[spmem:s6] =	stream.indirect.scatter.add.f32 [tilespmem:s20], [sflag:$0x3], $0x80, s17, s19, $0xb8;
	[tilespmem:$0x1F700] =	vst v63  }
0x2d: {  	_ =	swait.ge [sflag:s11], $0x4000  }
0x2e: {  	[sflag:s11] =	ssyncset.done $0x0  }
0x2f: {  	[sflag:s11] =	ssyncadd.s32 $0xFFFFC000  }
0x30: {  	v1 =	vld [tilespmem:$0x100];
	_ =	sdelay $0x7  }
0x31: {  	[tilespmem:v1+s12+$0x0] =	vst.idx.add.f32.msk $0xffff, v0  }
0x32: {  	v1 =	vld [tilespmem:$0x110];
	_ =	sdelay $0x7  }
0x33: {  	[tilespmem:v1+s12+$0x0] =	vst.idx.add.f32.msk $0xffff, v0  }
0x34: {  	v1 =	vld [tilespmem:$0x120];
	_ =	sdelay $0x7  }
0x35: {  	[tilespmem:v1+s12+$0x0] =	vst.idx.add.f32.msk $0xffff, v0  }
0x36: {  	v1 =	vld [tilespmem:$0x130];
	_ =	sdelay $0x7  }
0x37: {  	[tilespmem:v1+s12+$0x0] =	vst.idx.add.f32.msk $0xffff, v0  }
0x38: {  	v1 =	vld [tilespmem:$0x140];
	_ =	sdelay $0x7  }
0x39: {  	[tilespmem:v1+s12+$0x0] =	vst.idx.add.f32.msk $0xffff, v0  }
0x3a: {  	v1 =	vld [tilespmem:$0x150];
	_ =	sdelay $0x7  }
0x3b: {  	[tilespmem:v1+s12+$0x0] =	vst.idx.add.f32.msk $0xffff, v0  }
0x3c: {  	v1 =	vld [tilespmem:$0x160];
	_ =	sdelay $0x7  }
0x3d: {  	[tilespmem:v1+s12+$0x0] =	vst.idx.add.f32.msk $0xffff, v0  }
0x3e: {  	v1 =	vld [tilespmem:$0x170];
	_ =	sdelay $0x4  }
0x3f: {  	s29 =	smin.u32 s28, $0x9D  }
0x40: {  	s29 =	sadd.s32 s29, s18  }
0x41: {  	s29 =	sshll.u32 s29, $0x4  }
0x42: {  	s30 =	sadd.s32 s4, s29;
	[tilespmem:v1+s12+$0x0] =	vst.idx.add.f32.msk $0xffff, v0  }
0x43: {  	[tilespmem:s7], [sflag:$0x3] =	stream.linear.gather [hbm4b:s30+s7], $0x80, $0x38;
	[tilespmem:$0x1F700] =	vst v63  }
0x44: {  	_ =	swait.ge [sflag:s11], $0x80  }
0x45: {  	[sflag:s11] =	ssyncset.done $0x0  }
0x46: {  	s29 =	sadd.s32 s13, s29;
	[sflag:s11] =	ssyncadd.s32 $0xFFFFFF80  }
0x47: {  	[tilespmem:s17], [sflag:$0x3] =	stream.linear.gather [hbm4b:s29+s7], $0x80, $0x38;
	[tilespmem:$0x1F700] =	vst v63  }
0x48: {  	_ =	swait.ge [sflag:s11], $0x80  }
0x49: {  	[sflag:s11] =	ssyncset.done $0x0  }
0x4a: {  	[sflag:s11] =	ssyncadd.s32 $0xFFFFFF80  }
0x4b: {  	[tilespmem:s20], [sflag:$0x1] =	stream.indirect.gather [hbm4b:s5+s19], $0x80, s7, s19, $0xb8;
	[tilespmem:$0x1F700] =	vst v63  }
0x4c: {  	_ =	swait.ge [sflag:s26], $0x4000  }
0x4d: {  	[sflag:s26] =	ssyncset.done $0x0  }
0x4e: {  	[sflag:s26] =	ssyncadd.s32 $0xFFFFC000  }
0x4f: {  	[spmem:s6] =	stream.indirect.scatter.add.f32 [tilespmem:s24], [sflag:$0x3], $0x80, s23, s19, $0xb8;
	[tilespmem:$0x1F700] =	vst v63  }
0x50: {  	_ =	swait.ge [sflag:s11], $0x4000  }
0x51: {  	[sflag:s11] =	ssyncset.done $0x0  }
0x52: {  	[sflag:s11] =	ssyncadd.s32 $0xFFFFC000  }
0x53: {  	v1 =	vld [tilespmem:$0x180];
	_ =	sdelay $0x7  }
0x54: {  	[tilespmem:v1+s12+$0x0] =	vst.idx.add.f32.msk $0xffff, v0  }
0x55: {  	v1 =	vld [tilespmem:$0x190];
	_ =	sdelay $0x7  }
0x56: {  	[tilespmem:v1+s12+$0x0] =	vst.idx.add.f32.msk $0xffff, v0  }
0x57: {  	v1 =	vld [tilespmem:$0x1A0];
	_ =	sdelay $0x7  }
0x58: {  	[tilespmem:v1+s12+$0x0] =	vst.idx.add.f32.msk $0xffff, v0  }
0x59: {  	v1 =	vld [tilespmem:$0x1B0];
	_ =	sdelay $0x7  }
0x5a: {  	[tilespmem:v1+s12+$0x0] =	vst.idx.add.f32.msk $0xffff, v0  }
0x5b: {  	v1 =	vld [tilespmem:$0x1C0];
	_ =	sdelay $0x7  }
0x5c: {  	[tilespmem:v1+s12+$0x0] =	vst.idx.add.f32.msk $0xffff, v0  }
0x5d: {  	v1 =	vld [tilespmem:$0x1D0];
	_ =	sdelay $0x7  }
0x5e: {  	[tilespmem:v1+s12+$0x0] =	vst.idx.add.f32.msk $0xffff, v0  }
0x5f: {  	v1 =	vld [tilespmem:$0x1E0];
	_ =	sdelay $0x7  }
0x60: {  	[tilespmem:v1+s12+$0x0] =	vst.idx.add.f32.msk $0xffff, v0  }
0x61: {  	v1 =	vld [tilespmem:$0x1F0];
	_ =	sdelay $0x2  }
0x62: {  	p0 =	sne.s32 s28, $0x9E  }
.Ltmp1:
0x63: {  	_ = 	snop;
	(pc) =	sbr.rel @p0 .LBB2_2-.Ltmp1, $2  }
0x64: {  	_ =	sdelay $0x2  }
0x65: {  	s22 =	sadd.s32 $0x20, s22;
	s28 =	sadd.s32 $0x2, s28;
	s21 =	sadd.s32 $0x20, s21;
	[tilespmem:v1+s12+$0x0] =	vst.idx.add.f32.msk $0xffff, v0  }
0x66: {  	s4 =	simm.s32 $0x1  }
0x67: {  	_ =	swait.ge [sflag:s4], $0x4000  }
0x68: {  	[sflag:s4] =	ssyncset.done $0x0  }
0x69: {  	[sflag:s4] =	ssyncadd.s32 $0xFFFFC000  }
0x6a: {  	s4 =	simm.s32 $0x3;
	[bflag:$0x0] =	sbarrier.arrive $0xFFFF  }
0x6b: {  	[hbm:s15], [sflag:s8] =	dma.local [spmem:s9], $0x2800  }
0x6c: {  	_ =	swait.ge [sflag:s4], $0x2800  }
0x6d: {  	[sflag:s4] =	ssyncset.done $0x0  }
0x6e: {  	s5 =	simm.s32 $0x0;
	s6 =	simm.s32 $0x1C200;
	[sflag:s4] =	ssyncadd.s32 $0xFFFFD800  }
0x6f: {  	[hbm4b:s16+s5] =	stream.linear.scatter [tilespmem:s6], [sflag:$0x3], $0x2800, $0x38;
	[tilespmem:$0x1F700] =	vst v63  }
0x70: {  	_ =	swait.ge [sflag:s4], $0x2800  }
0x71: {  	[sflag:s4] =	ssyncset.done $0x0  }
0x72: {  	[sflag:s4] =	ssyncadd.s32 $0xFFFFD800  }
0x73: {  	s30 =	simm.s32 $0x1EC80;
	[bflag:$0x0] =	sbarrier.arrive $0xFFFF  }
0x74: {  	[tilespmem:s30], [sflag:$0x3] =	stream.linear.gather [hbm4b:s14+s5], $0x280, $0x38;
	[tilespmem:$0x1F700] =	vst v63  }
0x75: {  	s31 =	smul.u32 $0x50, s1;
	_ =	swait.ge [sflag:s4], $0x280  }
0x76: {  	s7 =	simm.s32 $0x500;
	[sflag:s4] =	ssyncset.done $0x0  }
0x77: {  	s8 =	simm.s32 $0x1EA00;
	s6 =	sadd.s32 s31, s10;
	[sflag:s4] =	ssyncadd.s32 $0xFFFFFD80  }
.LBB2_4:
0x78: {  	s9 =	sadd.s32 s7, s6  }
0x79: {  	[tilespmem:s8], [sflag:$0x3] =	stream.linear.gather [hbm4b:s9+s5], $0x280, $0x38;
	[tilespmem:$0x1F700] =	vst v63  }
0x7a: {  	_ =	swait.ge [sflag:s4], $0x280  }
0x7b: {  	[sflag:s4] =	ssyncset.done $0x0  }
0x7c: {  	[sflag:s4] =	ssyncadd.s32 $0xFFFFFD80  }
0x7d: {  	v0 =	vld [tilespmem:$0x1EC80]  }
0x7e: {  	v1 =	vld [tilespmem:$0x1EA00]  }
0x7f: {  	v2 =	vld [tilespmem:$0x1EC90]  }
0x80: {  	v3 =	vld [tilespmem:$0x1EA10]  }
0x81: {  	v4 =	vld [tilespmem:$0x1ECA0]  }
0x82: {  	v5 =	vld [tilespmem:$0x1EA20]  }
0x83: {  	v6 =	vld [tilespmem:$0x1ECB0]  }
0x84: {  	v7 =	vld [tilespmem:$0x1EA30]  }
0x85: {  	v8 =	vld [tilespmem:$0x1ECC0]  }
0x86: {  	v9 =	vld [tilespmem:$0x1EA40]  }
0x87: {  	v10 =	vld [tilespmem:$0x1ECD0]  }
0x88: {  	v11 =	vld [tilespmem:$0x1EA50]  }
0x89: {  	v12 =	vld [tilespmem:$0x1ECE0]  }
0x8a: {  	v13 =	vld [tilespmem:$0x1EA60]  }
0x8b: {  	v14 =	vld [tilespmem:$0x1ECF0]  }
0x8c: {  	v15 =	vld [tilespmem:$0x1EA70]  }
0x8d: {  	v16 =	vld [tilespmem:$0x1ED00]  }
0x8e: {  	v17 =	vld [tilespmem:$0x1EA80]  }
0x8f: {  	v18 =	vld [tilespmem:$0x1ED10]  }
0x90: {  	v19 =	vld [tilespmem:$0x1EA90]  }
0x91: {  	v20 =	vld [tilespmem:$0x1ED20]  }
0x92: {  	v21 =	vld [tilespmem:$0x1EAA0]  }
0x93: {  	v22 =	vld [tilespmem:$0x1ED30]  }
0x94: {  	v23 =	vld [tilespmem:$0x1EAB0]  }
0x95: {  	v24 =	vld [tilespmem:$0x1ED40]  }
0x96: {  	v25 =	vld [tilespmem:$0x1EAC0]  }
0x97: {  	v26 =	vld [tilespmem:$0x1ED50]  }
0x98: {  	v27 =	vld [tilespmem:$0x1EAD0]  }
0x99: {  	v28 =	vld [tilespmem:$0x1ED60]  }
0x9a: {  	v29 =	vld [tilespmem:$0x1EAE0]  }
0x9b: {  	v30 =	vld [tilespmem:$0x1ED70]  }
0x9c: {  	v31 =	vld [tilespmem:$0x1EAF0]  }
0x9d: {  	v32 =	vld [tilespmem:$0x1ED80]  }
0x9e: {  	v33 =	vld [tilespmem:$0x1EB00]  }
0x9f: {  	v34 =	vld [tilespmem:$0x1ED90]  }
0xa0: {  	v35 =	vld [tilespmem:$0x1EB10]  }
0xa1: {  	v36 =	vld [tilespmem:$0x1EDA0]  }
0xa2: {  	v37 =	vld [tilespmem:$0x1EB20]  }
0xa3: {  	v38 =	vld [tilespmem:$0x1EDB0]  }
0xa4: {  	v39 =	vld [tilespmem:$0x1EB30]  }
0xa5: {  	v40 =	vld [tilespmem:$0x1EDC0]  }
0xa6: {  	v41 =	vld [tilespmem:$0x1EB40]  }
0xa7: {  	v42 =	vld [tilespmem:$0x1EDD0]  }
0xa8: {  	v43 =	vld [tilespmem:$0x1EB50]  }
0xa9: {  	v44 =	vld [tilespmem:$0x1EDE0]  }
0xaa: {  	v45 =	vld [tilespmem:$0x1EE20];
	v0 =	vadd.f32 v1, v0  }
0xab: {  	v47 =	vld [tilespmem:$0x1EBA0];
	v2 =	vadd.f32 v3, v2  }
0xac: {  	v49 =	vld [tilespmem:$0x1EE30];
	v60 =	vadd.f32 v5, v4;
	[tilespmem:$0x1EC80] =	vst v0  }
0xad: {  	v51 =	vld [tilespmem:$0x1EBB0];
	v61 =	vadd.f32 v7, v6;
	[tilespmem:$0x1EC90] =	vst v2  }
0xae: {  	v53 =	vld [tilespmem:$0x1EE40];
	v62 =	vadd.f32 v9, v8;
	[tilespmem:$0x1ECA0] =	vst v60  }
0xaf: {  	v55 =	vld [tilespmem:$0x1EBC0];
	v63 =	vadd.f32 v11, v10;
	[tilespmem:$0x1ECB0] =	vst v61  }
0xb0: {  	v57 =	vld [tilespmem:$0x1EE50];
	v13 =	vadd.f32 v13, v12;
	[tilespmem:$0x1ECC0] =	vst v62  }
0xb1: {  	v59 =	vld [tilespmem:$0x1EBD0];
	v15 =	vadd.f32 v15, v14;
	[tilespmem:$0x1ECD0] =	vst v63  }
0xb2: {  	v1 =	vld [tilespmem:$0x1EB60];
	v46 =	vadd.f32 v17, v16;
	[tilespmem:$0x1ECE0] =	vst v13  }
0xb3: {  	v3 =	vld [tilespmem:$0x1EDF0];
	v48 =	vadd.f32 v19, v18;
	[tilespmem:$0x1ECF0] =	vst v15  }
0xb4: {  	v4 =	vld [tilespmem:$0x1EB70];
	v50 =	vadd.f32 v21, v20;
	[tilespmem:$0x1ED00] =	vst v46  }
0xb5: {  	v5 =	vld [tilespmem:$0x1EE00];
	v52 =	vadd.f32 v23, v22;
	[tilespmem:$0x1ED10] =	vst v48  }
0xb6: {  	v6 =	vld [tilespmem:$0x1EB80];
	v54 =	vadd.f32 v25, v24;
	[tilespmem:$0x1ED20] =	vst v50  }
0xb7: {  	v7 =	vld [tilespmem:$0x1EE10];
	v56 =	vadd.f32 v27, v26;
	[tilespmem:$0x1ED30] =	vst v52  }
0xb8: {  	v8 =	vld [tilespmem:$0x1EB90];
	v58 =	vadd.f32 v29, v28;
	[tilespmem:$0x1ED40] =	vst v54  }
0xb9: {  	v24 =	vadd.f32 v35, v34;
	v25 =	vld [tilespmem:$0x1EE70];
	[tilespmem:$0x1ED50] =	vst v56  }
0xba: {  	v26 =	vadd.f32 v37, v36;
	v27 =	vld [tilespmem:$0x1EBF0];
	[tilespmem:$0x1ED60] =	vst v58  }
0xbb: {  	v28 =	vadd.f32 v39, v38;
	v29 =	vld [tilespmem:$0x1EE80];
	[tilespmem:$0x1ED90] =	vst v24  }
0xbc: {  	v35 =	vld [tilespmem:$0x1EC10];
	v60 =	vadd.f32 v31, v30;
	[tilespmem:$0x1EDA0] =	vst v26  }
0xbd: {  	v37 =	vld [tilespmem:$0x1EEA0];
	v62 =	vadd.f32 v33, v32;
	[tilespmem:$0x1EDB0] =	vst v28  }
0xbe: {  	v39 =	vld [tilespmem:$0x1EC20];
	v30 =	vadd.f32 v41, v40;
	[tilespmem:$0x1ED70] =	vst v60  }
0xbf: {  	v61 =	vld [tilespmem:$0x1EE60];
	v32 =	vadd.f32 v43, v42;
	[tilespmem:$0x1ED80] =	vst v62  }
0xc0: {  	v63 =	vld [tilespmem:$0x1EBE0];
	v42 =	vadd.f32 v47, v45;
	[tilespmem:$0x1EDC0] =	vst v30  }
0xc1: {  	v31 =	vld [tilespmem:$0x1EC00];
	v46 =	vadd.f32 v55, v53;
	[tilespmem:$0x1EDD0] =	vst v32  }
0xc2: {  	v33 =	vld [tilespmem:$0x1EE90];
	v48 =	vadd.f32 v59, v57;
	[tilespmem:$0x1EE20] =	vst v42  }
0xc3: {  	v41 =	vld [tilespmem:$0x1EEB0];
	[tilespmem:$0x1EE40] =	vst v46;
	v34 =	vadd.f32 v1, v44  }
0xc4: {  	v43 =	vld [tilespmem:$0x1EC30];
	[tilespmem:$0x1EE50] =	vst v48;
	v36 =	vadd.f32 v4, v3  }
0xc5: {  	v45 =	vld [tilespmem:$0x1EEC0];
	v38 =	vadd.f32 v6, v5;
	[tilespmem:$0x1EDE0] =	vst v34  }
0xc6: {  	v47 =	vld [tilespmem:$0x1EC40];
	v40 =	vadd.f32 v8, v7;
	[tilespmem:$0x1EDF0] =	vst v36  }
0xc7: {  	v53 =	vld [tilespmem:$0x1EEE0];
	v44 =	vadd.f32 v51, v49;
	[tilespmem:$0x1EE00] =	vst v38  }
0xc8: {  	v55 =	vld [tilespmem:$0x1EC60];
	v52 =	vadd.f32 v27, v25;
	[tilespmem:$0x1EE10] =	vst v40  }
0xc9: {  	v56 =	vld [tilespmem:$0x1EEF0];
	v57 =	vadd.f32 v39, v37;
	[tilespmem:$0x1EE30] =	vst v44  }
0xca: {  	v58 =	vld [tilespmem:$0x1EC70];
	v50 =	vadd.f32 v63, v61;
	[tilespmem:$0x1EE70] =	vst v52  }
0xcb: {  	v49 =	vld [tilespmem:$0x1EED0];
	v54 =	vadd.f32 v31, v29;
	[tilespmem:$0x1EEA0] =	vst v57  }
0xcc: {  	v51 =	vld [tilespmem:$0x1EC50];
	v1 =	vadd.f32 v35, v33;
	[tilespmem:$0x1EE60] =	vst v50  }
0xcd: {  	v59 =	vadd.f32 v43, v41;
	[tilespmem:$0x1EE80] =	vst v54  }
0xce: {  	p0 =	sne.s32 s7, $0x4B00;
	v60 =	vadd.f32 v47, v45;
	[tilespmem:$0x1EE90] =	vst v1  }
.Ltmp2:
0xcf: {  	v62 =	vadd.f32 v55, v53;
	[tilespmem:$0x1EEB0] =	vst v59;
	(pc) =	sbr.rel @p0 .LBB2_4-.Ltmp2, $4  }
0xd0: {  	v63 =	vadd.f32 v58, v56;
	[tilespmem:$0x1EEC0] =	vst v60  }
0xd1: {  	[tilespmem:$0x1EEE0] =	vst v62;
	v61 =	vadd.f32 v51, v49  }
0xd2: {  	[tilespmem:$0x1EEF0] =	vst v63  }
0xd3: {  	s7 =	sadd.s32 $0x500, s7;
	[tilespmem:$0x1EED0] =	vst v61  }
0xd4: {  	s2 =	sadd.s32 s2, s3;
	s3 =	simm.s32 $0xF;
	s4 =	simm.s32 $0x1EC80  }
0xd5: {  	s5 =	simm.s32 $0x0;
	s6 =	simm.s32 $0x1EF00;
	s7 =	simm.s32 $0x3  }
.LBB2_6:
0xd6: {  	s8 =	sadd.s32 $0xFFFFFFF1, s3  }
0xd7: {  	v0 =	vmov s8  }
0xd8: {  	v0 =	vand.u32 $0xFFFFFFF0, v0  }
0xd9: {  	v0 =	vbroadcast v0, $0x0;
	_ =	sdelay $0x5  }
0xda: {  	v0 =	vld.idx.msk [tilespmem:v0+s4+$0x0], $0xffff;
	_ =	sdelay $0x3  }
0xdb: {  	s17 =	sadd.s32 $0xFFFFFFF2, s3  }
0xdc: {  	v1 =	vmov s17;
	[tilespmem:$0x1EF00] =	vst v0  }
0xdd: {  	v1 =	vand.u32 $0xFFFFFFF1, v1;
	[tilespmem:$0x1EF10] =	vst v0  }
0xde: {  	v1 =	vbroadcast v1, $0x0;
	[tilespmem:$0x1EF20] =	vst v0  }
0xdf: {  	[tilespmem:$0x1EF30] =	vst v0  }
0xe0: {  	[tilespmem:$0x1EF40] =	vst v0  }
0xe1: {  	[tilespmem:$0x1EF50] =	vst v0  }
0xe2: {  	[tilespmem:$0x1EF60] =	vst v0  }
0xe3: {  	[tilespmem:$0x1EF70] =	vst v0  }
0xe4: {  	v0 =	vld.idx.msk [tilespmem:v1+s4+$0x0], $0xffff;
	_ =	sdelay $0x3  }
0xe5: {  	s18 =	sadd.s32 $0xFFFFFFF3, s3  }
0xe6: {  	v50 =	vmov s18;
	[tilespmem:$0x1EF80] =	vst v0  }
0xe7: {  	v1 =	vand.u32 $0xFFFFFFF2, v50;
	[tilespmem:$0x1EF90] =	vst v0  }
0xe8: {  	v1 =	vbroadcast v1, $0x0;
	[tilespmem:$0x1EFA0] =	vst v0  }
0xe9: {  	[tilespmem:$0x1EFB0] =	vst v0  }
0xea: {  	[tilespmem:$0x1EFC0] =	vst v0  }
0xeb: {  	[tilespmem:$0x1EFD0] =	vst v0  }
0xec: {  	[tilespmem:$0x1EFE0] =	vst v0  }
0xed: {  	[tilespmem:$0x1EFF0] =	vst v0  }
0xee: {  	v0 =	vld.idx.msk [tilespmem:v1+s4+$0x0], $0xffff;
	_ =	sdelay $0x3  }
0xef: {  	s19 =	sadd.s32 $0xFFFFFFF4, s3  }
0xf0: {  	v51 =	vmov s19;
	[tilespmem:$0x1F000] =	vst v0  }
0xf1: {  	v1 =	vand.u32 $0xFFFFFFF3, v51;
	[tilespmem:$0x1F010] =	vst v0  }
0xf2: {  	v1 =	vbroadcast v1, $0x0;
	[tilespmem:$0x1F020] =	vst v0  }
0xf3: {  	[tilespmem:$0x1F030] =	vst v0  }
0xf4: {  	[tilespmem:$0x1F040] =	vst v0  }
0xf5: {  	[tilespmem:$0x1F050] =	vst v0  }
0xf6: {  	[tilespmem:$0x1F060] =	vst v0  }
0xf7: {  	[tilespmem:$0x1F070] =	vst v0  }
0xf8: {  	v0 =	vld.idx.msk [tilespmem:v1+s4+$0x0], $0xffff;
	_ =	sdelay $0x3  }
0xf9: {  	s20 =	sadd.s32 $0xFFFFFFF5, s3  }
0xfa: {  	v52 =	vmov s20;
	[tilespmem:$0x1F080] =	vst v0  }
0xfb: {  	v1 =	vand.u32 $0xFFFFFFF4, v52;
	[tilespmem:$0x1F090] =	vst v0  }
0xfc: {  	v1 =	vbroadcast v1, $0x0;
	[tilespmem:$0x1F0A0] =	vst v0  }
0xfd: {  	[tilespmem:$0x1F0B0] =	vst v0  }
0xfe: {  	[tilespmem:$0x1F0C0] =	vst v0  }
0xff: {  	[tilespmem:$0x1F0D0] =	vst v0  }
0x100: {  	[tilespmem:$0x1F0E0] =	vst v0  }
0x101: {  	[tilespmem:$0x1F0F0] =	vst v0  }
0x102: {  	v0 =	vld.idx.msk [tilespmem:v1+s4+$0x0], $0xffff;
	_ =	sdelay $0x3  }
0x103: {  	s21 =	sadd.s32 $0xFFFFFFF6, s3  }
0x104: {  	v53 =	vmov s21;
	[tilespmem:$0x1F100] =	vst v0  }
0x105: {  	v1 =	vand.u32 $0xFFFFFFF5, v53;
	[tilespmem:$0x1F110] =	vst v0  }
0x106: {  	v1 =	vbroadcast v1, $0x0;
	[tilespmem:$0x1F120] =	vst v0  }
0x107: {  	[tilespmem:$0x1F130] =	vst v0  }
0x108: {  	[tilespmem:$0x1F140] =	vst v0  }
0x109: {  	[tilespmem:$0x1F150] =	vst v0  }
0x10a: {  	[tilespmem:$0x1F160] =	vst v0  }
0x10b: {  	[tilespmem:$0x1F170] =	vst v0  }
0x10c: {  	v0 =	vld.idx.msk [tilespmem:v1+s4+$0x0], $0xffff;
	_ =	sdelay $0x3  }
0x10d: {  	s22 =	sadd.s32 $0xFFFFFFF7, s3  }
0x10e: {  	v54 =	vmov s22;
	[tilespmem:$0x1F180] =	vst v0  }
0x10f: {  	v1 =	vand.u32 $0xFFFFFFF6, v54;
	[tilespmem:$0x1F190] =	vst v0  }
0x110: {  	v1 =	vbroadcast v1, $0x0;
	[tilespmem:$0x1F1A0] =	vst v0  }
0x111: {  	[tilespmem:$0x1F1B0] =	vst v0  }
0x112: {  	[tilespmem:$0x1F1C0] =	vst v0  }
0x113: {  	[tilespmem:$0x1F1D0] =	vst v0  }
0x114: {  	[tilespmem:$0x1F1E0] =	vst v0  }
0x115: {  	[tilespmem:$0x1F1F0] =	vst v0  }
0x116: {  	v0 =	vld.idx.msk [tilespmem:v1+s4+$0x0], $0xffff;
	_ =	sdelay $0x3  }
0x117: {  	s23 =	sadd.s32 $0xFFFFFFF8, s3  }
0x118: {  	v55 =	vmov s23;
	[tilespmem:$0x1F200] =	vst v0  }
0x119: {  	v1 =	vand.u32 $0xFFFFFFF7, v55;
	[tilespmem:$0x1F210] =	vst v0  }
0x11a: {  	v1 =	vbroadcast v1, $0x0;
	[tilespmem:$0x1F220] =	vst v0  }
0x11b: {  	[tilespmem:$0x1F230] =	vst v0  }
0x11c: {  	[tilespmem:$0x1F240] =	vst v0  }
0x11d: {  	[tilespmem:$0x1F250] =	vst v0  }
0x11e: {  	[tilespmem:$0x1F260] =	vst v0  }
0x11f: {  	[tilespmem:$0x1F270] =	vst v0  }
0x120: {  	v0 =	vld.idx.msk [tilespmem:v1+s4+$0x0], $0xffff;
	_ =	sdelay $0x3  }
0x121: {  	s24 =	sadd.s32 $0xFFFFFFF9, s3  }
0x122: {  	v56 =	vmov s24;
	[tilespmem:$0x1F280] =	vst v0  }
0x123: {  	v1 =	vand.u32 $0xFFFFFFF8, v56;
	[tilespmem:$0x1F290] =	vst v0  }
0x124: {  	v1 =	vbroadcast v1, $0x0;
	[tilespmem:$0x1F2A0] =	vst v0  }
0x125: {  	[tilespmem:$0x1F2B0] =	vst v0  }
0x126: {  	[tilespmem:$0x1F2C0] =	vst v0  }
0x127: {  	[tilespmem:$0x1F2D0] =	vst v0  }
0x128: {  	[tilespmem:$0x1F2E0] =	vst v0  }
0x129: {  	[tilespmem:$0x1F2F0] =	vst v0  }
0x12a: {  	v0 =	vld.idx.msk [tilespmem:v1+s4+$0x0], $0xffff;
	_ =	sdelay $0x3  }
0x12b: {  	s25 =	sadd.s32 $0xFFFFFFFA, s3  }
0x12c: {  	v57 =	vmov s25;
	[tilespmem:$0x1F300] =	vst v0  }
0x12d: {  	v1 =	vand.u32 $0xFFFFFFF9, v57;
	[tilespmem:$0x1F310] =	vst v0  }
0x12e: {  	v1 =	vbroadcast v1, $0x0;
	[tilespmem:$0x1F320] =	vst v0  }
0x12f: {  	[tilespmem:$0x1F330] =	vst v0  }
0x130: {  	[tilespmem:$0x1F340] =	vst v0  }
0x131: {  	[tilespmem:$0x1F350] =	vst v0  }
0x132: {  	[tilespmem:$0x1F360] =	vst v0  }
0x133: {  	[tilespmem:$0x1F370] =	vst v0  }
0x134: {  	v0 =	vld.idx.msk [tilespmem:v1+s4+$0x0], $0xffff;
	_ =	sdelay $0x3  }
0x135: {  	s26 =	sadd.s32 $0xFFFFFFFB, s3  }
0x136: {  	v58 =	vmov s26;
	[tilespmem:$0x1F380] =	vst v0  }
0x137: {  	v1 =	vand.u32 $0xFFFFFFFA, v58;
	[tilespmem:$0x1F390] =	vst v0  }
0x138: {  	v1 =	vbroadcast v1, $0x0;
	[tilespmem:$0x1F3A0] =	vst v0  }
0x139: {  	[tilespmem:$0x1F3B0] =	vst v0  }
0x13a: {  	[tilespmem:$0x1F3C0] =	vst v0  }
0x13b: {  	[tilespmem:$0x1F3D0] =	vst v0  }
0x13c: {  	[tilespmem:$0x1F3E0] =	vst v0  }
0x13d: {  	[tilespmem:$0x1F3F0] =	vst v0  }
0x13e: {  	v0 =	vld.idx.msk [tilespmem:v1+s4+$0x0], $0xffff;
	_ =	sdelay $0x3  }
0x13f: {  	s28 =	sadd.s32 $0xFFFFFFFC, s3  }
0x140: {  	v59 =	vmov s28;
	[tilespmem:$0x1F400] =	vst v0  }
0x141: {  	v1 =	vand.u32 $0xFFFFFFFB, v59;
	[tilespmem:$0x1F410] =	vst v0  }
0x142: {  	v1 =	vbroadcast v1, $0x0;
	[tilespmem:$0x1F420] =	vst v0  }
0x143: {  	[tilespmem:$0x1F430] =	vst v0  }
0x144: {  	[tilespmem:$0x1F440] =	vst v0  }
0x145: {  	[tilespmem:$0x1F450] =	vst v0  }
0x146: {  	[tilespmem:$0x1F460] =	vst v0  }
0x147: {  	[tilespmem:$0x1F470] =	vst v0  }
0x148: {  	v0 =	vld.idx.msk [tilespmem:v1+s4+$0x0], $0xffff;
	_ =	sdelay $0x3  }
0x149: {  	s29 =	sadd.s32 $0xFFFFFFFD, s3  }
0x14a: {  	v60 =	vmov s29;
	[tilespmem:$0x1F480] =	vst v0  }
0x14b: {  	v1 =	vand.u32 $0xFFFFFFFC, v60;
	[tilespmem:$0x1F490] =	vst v0  }
0x14c: {  	v1 =	vbroadcast v1, $0x0;
	[tilespmem:$0x1F4A0] =	vst v0  }
0x14d: {  	[tilespmem:$0x1F4B0] =	vst v0  }
0x14e: {  	[tilespmem:$0x1F4C0] =	vst v0  }
0x14f: {  	[tilespmem:$0x1F4D0] =	vst v0  }
0x150: {  	[tilespmem:$0x1F4E0] =	vst v0  }
0x151: {  	[tilespmem:$0x1F4F0] =	vst v0  }
0x152: {  	v0 =	vld.idx.msk [tilespmem:v1+s4+$0x0], $0xffff;
	_ =	sdelay $0x3  }
0x153: {  	s30 =	sadd.s32 $0xFFFFFFFE, s3  }
0x154: {  	v61 =	vmov s30;
	[tilespmem:$0x1F500] =	vst v0  }
0x155: {  	v1 =	vand.u32 $0xFFFFFFFD, v61;
	[tilespmem:$0x1F510] =	vst v0  }
0x156: {  	v1 =	vbroadcast v1, $0x0;
	[tilespmem:$0x1F520] =	vst v0  }
0x157: {  	[tilespmem:$0x1F530] =	vst v0  }
0x158: {  	[tilespmem:$0x1F540] =	vst v0  }
0x159: {  	[tilespmem:$0x1F550] =	vst v0  }
0x15a: {  	[tilespmem:$0x1F560] =	vst v0  }
0x15b: {  	[tilespmem:$0x1F570] =	vst v0  }
0x15c: {  	v0 =	vld.idx.msk [tilespmem:v1+s4+$0x0], $0xffff;
	_ =	sdelay $0x3  }
0x15d: {  	s31 =	sadd.s32 $0xFFFFFFFF, s3  }
0x15e: {  	v62 =	vmov s31;
	[tilespmem:$0x1F580] =	vst v0  }
0x15f: {  	v1 =	vand.u32 $0xFFFFFFFE, v62;
	[tilespmem:$0x1F590] =	vst v0  }
0x160: {  	v1 =	vbroadcast v1, $0x0;
	[tilespmem:$0x1F5A0] =	vst v0  }
0x161: {  	[tilespmem:$0x1F5B0] =	vst v0  }
0x162: {  	[tilespmem:$0x1F5C0] =	vst v0  }
0x163: {  	[tilespmem:$0x1F5D0] =	vst v0  }
0x164: {  	[tilespmem:$0x1F5E0] =	vst v0  }
0x165: {  	[tilespmem:$0x1F5F0] =	vst v0  }
0x166: {  	v0 =	vld.idx.msk [tilespmem:v1+s4+$0x0], $0xffff;
	_ =	sdelay $0x4  }
0x167: {  	[tilespmem:$0x1F600] =	vst v0  }
0x168: {  	[tilespmem:$0x1F610] =	vst v0  }
0x169: {  	[tilespmem:$0x1F620] =	vst v0  }
0x16a: {  	v63 =	vmov s3;
	[tilespmem:$0x1F630] =	vst v0  }
0x16b: {  	[tilespmem:$0x1F640] =	vst v0  }
0x16c: {  	[tilespmem:$0x1F650] =	vst v0  }
0x16d: {  	[tilespmem:$0x1F660] =	vst v0  }
0x16e: {  	[tilespmem:$0x1F670] =	vst v0  }
0x16f: {  	v0 =	vld.idx.msk [tilespmem:v63+s4+$0x0], $0xffff;
	_ =	sdelay $0x4  }
0x170: {  	[tilespmem:$0x1F680] =	vst v0  }
0x171: {  	[tilespmem:$0x1F690] =	vst v0  }
0x172: {  	[tilespmem:$0x1F6A0] =	vst v0  }
0x173: {  	[tilespmem:$0x1F6B0] =	vst v0  }
0x174: {  	[tilespmem:$0x1F6C0] =	vst v0  }
0x175: {  	[tilespmem:$0x1F6D0] =	vst v0  }
0x176: {  	p0 =	sne.s32 s3, $0x27F;
	[tilespmem:$0x1F6E0] =	vst v0  }
.Ltmp3:
0x177: {  	[tilespmem:$0x1F6F0] =	vst v0;
	(pc) =	sbr.rel @p0 .LBB2_6-.Ltmp3, $4  }
0x178: {  	[hbm4b:s2+s5] =	stream.linear.scatter [tilespmem:s6], [sflag:$0x3], $0x800, $0x38;
	[tilespmem:$0x1F700] =	vst v63  }
0x179: {  	_ =	swait.ge [sflag:s7], $0x800  }
0x17a: {  	[sflag:s7] =	ssyncset.done $0x0  }
0x17b: {  	s3 =	sadd.s32 $0x10, s3;
	s2 =	sadd.s32 $0x100, s2;
	[sflag:s7] =	ssyncadd.s32 $0xFFFFF800  }
.LBB2_7:
0x17c: {  	_ =	sfence.sel $0x180000  }
0x17d: {  	[bflag:$0x0] =	sbarrier.arrive $0xFFFF  }
0x17e: {  	p0 =	sne.s32 s1, $0x0;
	_ =	strace $0x90000047  }
0x17f: {  	s0 =	sadd.s32 @!p0 $0x100000, s0;
	[bflag:$0x2] =	sbarrier.arrive $0xFFFF  }
0x180: {  	[sflag:s0] =	ssyncadd.tile.s32 @!p0 $0x1;
	_ =	shalt  }
.Lfunc_end2:
_tile_overlayer_lowered:
.L_overlay_start_2:
0x181: {  	(tag) =	ssettag $0x2  }
0x182: {  	s0 =	rddreg [dreg:$0x0];
	s2 =	stileid.u32  }
0x183: {  	s1 =	rddreg [dreg:$0x1];
	p0 =	sne.s32 s2, $0x0  }
0x184: {  	s3 =	rddreg [dreg:$0x2];
	[bflag:$0x3] =	sbarrier.arrive $0xFFFF;
	s2 =	simm.s32 @!p0 $0x1C03  }
0x185: {  	[timem:s3], [sflag:s2] =	dma.local @!p0 [hbm:s0], s1  }
0x186: {  	s0 =	simm.s32 @!p0 $0x3  }
0x187: {  	_ =	swait.ge @!p0 [sflag:s0], s1  }
0x188: {  	s1 =	ssub.s32 @!p0 $0x0, s1;
	[sflag:s0] =	ssyncset.done @!p0 $0x0  }
0x189: {  	[sflag:s0] =	ssyncadd.s32 @!p0 s1  }
0x18a: {  	[bflag:$0x3] =	sbarrier.arrive $0xFFFF  }
0x18b: {  	_ =	shalt  }

</sc_bundles>
